<compile_context>
chip_gen: v7x
topology: tpu7x:2x2x1
jax: 0.10.2.dev20260603
libtpu: 0.0.44.dev20260713+nightly
codegen_flags: <defaults>
</compile_context>

<pallas_src>
import functools

import jax
import jax.numpy as jnp
from jax import lax
from jax.experimental import pallas as pl
from jax.experimental.pallas import tpu as pltpu
from jax.experimental.pallas import tpu_sc as plsc

N_NODES = 10000
D = 128
N_EDGES = 320000

NC = 2
NS = 16
NW = NC * NS
LANES = 16

CH1 = 40
CH2 = 40
NBUF1 = 4
NBUF2 = 5
WB = N_NODES // NS
ZC = 25
BR = 400
NB = N_NODES // BR


def _make_sc_kernel(with_deg, ch, nbuf):
    mesh = plsc.VectorSubcoreMesh(core_axis_name="c", subcore_axis_name="s")
    k = N_EDGES // (NW * ch)
    out_type = [pltpu.HBM((NC, N_NODES, D), jnp.float32)]
    if with_deg:
        out_type.append(pltpu.HBM((NB, NW, BR), jnp.float32))
    scratch = [
        pltpu.VMEM((k, ch), jnp.int32),
        pltpu.VMEM((k, ch), jnp.int32),
        pltpu.VMEM((nbuf, ch, D), jnp.float32),
    ]
    if with_deg:
        scratch.append(pltpu.VMEM((N_NODES,), jnp.float32))
    scratch += [
        pltpu.VMEM_SHARED((N_NODES, D), jnp.float32),
    ]
    scratch += [pltpu.SemaphoreType.DMA] * (2 * nbuf)

    def body(x_hbm, src_hbm, dst_hbm, *rest):
        if with_deg:
            acc_out, deg_out = rest[0], rest[1]
            src_v, dst_v, rows_v, hist_v, acc_sh = rest[2:7]
            sems = rest[7:]
        else:
            acc_out, deg_out = rest[0], None
            src_v, dst_v, rows_v, acc_sh = rest[1:5]
            sems = rest[5:]
            hist_v = None
        return _sc_body(x_hbm, src_hbm, dst_hbm, acc_out, deg_out,
                        src_v, dst_v, rows_v, hist_v, acc_sh,
                        sems[:nbuf], sems[nbuf:], with_deg=with_deg, ch=ch,
                        nbuf=nbuf)

    return pl.kernel(body, out_type=out_type, mesh=mesh, scratch_types=scratch,
                     compiler_params=pltpu.CompilerParams(
                         needs_layout_passes=False,
                         use_tc_tiling_on_sc=False),
                     name="sage_sc_deg" if with_deg else "sage_sc")


def _sc_body(x_hbm, src_hbm, dst_hbm, acc_out, deg_out,
             src_v, dst_v, rows_v, hist_v, acc_sh,
             gsems, ssems, *, with_deg, ch, nbuf):
    k = N_EDGES // (NW * ch)
    glead = nbuf - 2
    c = lax.axis_index("c")
    s = lax.axis_index("s")
    wid = c * NS + s

    zeros16 = jnp.zeros((LANES,), jnp.float32)

    @pl.loop(0, nbuf * ch)
    def _(r):
        @pl.loop(0, D // LANES)
        def _(g):
            rows_v[r // ch, r % ch, pl.ds(g * LANES, LANES)] = zeros16

    @pl.loop(0, WB // ZC)
    def _(kk):
        pltpu.sync_copy(rows_v.at[0, pl.ds(0, ZC)],
                        acc_sh.at[pl.ds(s * WB + kk * ZC, ZC)])

    if with_deg:
        @pl.loop(0, N_NODES // LANES)
        def _(g):
            hist_v[pl.ds(g * LANES, LANES)] = zeros16

    pltpu.sync_copy(src_hbm.at[wid], src_v)
    pltpu.sync_copy(dst_hbm.at[wid], dst_v)

    plsc.subcore_barrier()

    for p in range(nbuf - 2):
        pltpu.async_copy(x_hbm.at[src_v.at[p]], rows_v.at[p], gsems[p])

    ones16 = jnp.full((LANES,), 1.0, jnp.float32)

    @pl.loop(0, k + (-k) % nbuf, step=nbuf)
    def _(j0):
        for b in range(nbuf):
            j = j0 + b
            b2 = (b + glead) % nbuf

            @pl.when(j < k)
            def _():
                @pl.when(jnp.logical_and(j >= 2, j + glead < k))
                def _():
                    pltpu.make_async_copy(
                        rows_v.at[b2], acc_sh.at[dst_v.at[j - 2]],
                        ssems[b2]).wait()

                @pl.when(j + glead < k)
                def _():
                    pltpu.async_copy(x_hbm.at[src_v.at[j + glead]],
                                     rows_v.at[b2], gsems[b2])

                pltpu.make_async_copy(x_hbm.at[src_v.at[j]],
                                      rows_v.at[b], gsems[b]).wait()
                pltpu.async_copy(rows_v.at[b], acc_sh.at[dst_v.at[j]],
                                 ssems[b], add=True)
                if with_deg:
                    for g in range(ch // LANES):
                        idx16 = dst_v[j, pl.ds(g * LANES, LANES)]
                        plsc.addupdate_scatter(hist_v, [idx16], ones16)
                    tail = ch - (ch // LANES) * LANES
                    if tail:
                        idx16 = dst_v[j, pl.ds(ch - LANES, LANES)]
                        mask = lax.iota(jnp.int32, LANES) >= (LANES - tail)
                        plsc.addupdate_scatter(hist_v, [idx16], ones16,
                                               mask=mask)

    for r in range(nbuf, 0, -1):
        j = k - r
        pltpu.make_async_copy(rows_v.at[j % nbuf], acc_sh.at[dst_v.at[j]],
                              ssems[j % nbuf]).wait()

    plsc.subcore_barrier()

    pltpu.sync_copy(acc_sh.at[pl.ds(s * WB, WB)],
                    acc_out.at[c, pl.ds(s * WB, WB)])
    if with_deg:
        @pl.loop(0, NB)
        def _(blk):
            pltpu.sync_copy(hist_v.at[pl.ds(blk * BR, BR)],
                            deg_out.at[blk, wid])


_sc_layer1 = _make_sc_kernel(True, CH1, NBUF1)
_sc_layer2 = _make_sc_kernel(False, CH2, NBUF2)


def _tc1_body(acc_ref, degp_ref, x_ref, wl_ref, bl_ref, wr_ref,
              out_ref, dinv_ref):
    deg = jnp.sum(degp_ref[0], axis=0)
    dinv = (1.0 / jnp.maximum(deg, 1.0))[:, None]
    dinv_ref[...] = dinv
    agg = (acc_ref[0] + acc_ref[1]) * dinv
    h = (jnp.dot(agg, wl_ref[...], preferred_element_type=jnp.float32)
         + bl_ref[...]
         + jnp.dot(x_ref[...], wr_ref[...], preferred_element_type=jnp.float32))
    out_ref[...] = jnp.where(h > 0, h, jnp.exp(jnp.minimum(h, 0.0)) - 1.0)


_tc_layer1 = pl.pallas_call(
    _tc1_body,
    grid=(NB,),
    in_specs=[
        pl.BlockSpec((NC, BR, D), lambda i: (0, i, 0)),
        pl.BlockSpec((1, NW, BR), lambda i: (i, 0, 0)),
        pl.BlockSpec((BR, D), lambda i: (i, 0)),
        pl.BlockSpec((D, D), lambda i: (0, 0)),
        pl.BlockSpec((1, D), lambda i: (0, 0)),
        pl.BlockSpec((D, D), lambda i: (0, 0)),
    ],
    out_specs=[
        pl.BlockSpec((BR, D), lambda i: (i, 0)),
        pl.BlockSpec((BR, 1), lambda i: (i, 0)),
    ],
    out_shape=[
        jax.ShapeDtypeStruct((N_NODES, D), jnp.float32),
        jax.ShapeDtypeStruct((N_NODES, 1), jnp.float32),
    ],
)


def _tc2_body(acc_ref, dinv_ref, x_ref, wl_ref, bl_ref, wr_ref, out_ref):
    agg = (acc_ref[0] + acc_ref[1]) * dinv_ref[...]
    out_ref[...] = (
        jnp.dot(agg, wl_ref[...], preferred_element_type=jnp.float32)
        + bl_ref[...]
        + jnp.dot(x_ref[...], wr_ref[...], preferred_element_type=jnp.float32))


_tc_layer2 = pl.pallas_call(
    _tc2_body,
    grid=(NB,),
    in_specs=[
        pl.BlockSpec((NC, BR, D), lambda i: (0, i, 0)),
        pl.BlockSpec((BR, 1), lambda i: (i, 0)),
        pl.BlockSpec((BR, D), lambda i: (i, 0)),
        pl.BlockSpec((D, D), lambda i: (0, 0)),
        pl.BlockSpec((1, D), lambda i: (0, 0)),
        pl.BlockSpec((D, D), lambda i: (0, 0)),
    ],
    out_specs=pl.BlockSpec((BR, D), lambda i: (i, 0)),
    out_shape=jax.ShapeDtypeStruct((N_NODES, D), jnp.float32),
)


def kernel(x, edge_index, W1l, b1l, W1r, W2l, b2l, W2r):
    k1 = N_EDGES // (NW * CH1)
    k2 = N_EDGES // (NW * CH2)
    src = edge_index[0].astype(jnp.int32)
    dst = edge_index[1].astype(jnp.int32)

    acc1, degp = _sc_layer1(x, src.reshape(NW, k1, CH1),
                            dst.reshape(NW, k1, CH1))
    h, dinv = _tc_layer1(acc1, degp, x, W1l.T, b1l[None, :], W1r.T)
    acc2, = _sc_layer2(h, src.reshape(NW, k2, CH2),
                       dst.reshape(NW, k2, CH2))
    return _tc_layer2(acc2, dinv, h, W2l.T, b2l[None, :], W2r.T)

# --- scband reference (transcript-rebuilt; emitter-appended) ---
"""Pipeline reference for scband-graph-sage-72164040507401 (READ-ONLY COPY).

The authoritative reference and input builder live on the scoring server;
editing this copy changes nothing except your own understanding.
"""

import jax, jax.numpy as jnp
import numpy as np

N_NODES = 10000
D_IN = 128
D_HID = 128
D_OUT = 128
N_EDGES = 320000


def glorot(key, shape):
    fan_in, fan_out = shape[1], shape[0]
    limit = float(np.sqrt(6.0 / (fan_in + fan_out)))
    return jax.random.uniform(key, shape, dtype=jnp.float32, minval=-limit, maxval=limit)


def setup_inputs(seed: int = 0) -> dict:
    key = jax.random.key(seed)
    ks = jax.random.split(key, 8)
    x = jax.random.normal(ks[0], (N_NODES, D_IN), dtype=jnp.float32)
    edge_index = jax.random.randint(ks[1], (2, N_EDGES), 0, N_NODES, dtype=jnp.int64 if jax.config.jax_enable_x64 else jnp.int32)
    # SAGEConv layer 1 params: lin_l (neighbors, with bias), lin_r (root, no bias)
    W1l = glorot(ks[2], (D_HID, D_IN))
    b1l = jnp.zeros((D_HID,), dtype=jnp.float32)
    W1r = glorot(ks[3], (D_HID, D_IN))
    # SAGEConv layer 2 params
    W2l = glorot(ks[4], (D_OUT, D_HID))
    b2l = jnp.zeros((D_OUT,), dtype=jnp.float32)
    W2r = glorot(ks[5], (D_OUT, D_HID))
    return {"x": x, "edge_index": edge_index, "W1l": W1l, "b1l": b1l, "W1r": W1r,
            "W2l": W2l, "b2l": b2l, "W2r": W2r}


def _sage_conv(x, src, dst, Wl, bl, Wr, num_nodes):
    # gather messages from source nodes
    msgs = jnp.take(x, src, axis=0)
    # mean aggregation at destination nodes (PyG SAGEConv default aggr='mean')
    agg_sum = jax.ops.segment_sum(msgs, dst, num_segments=num_nodes)
    deg = jax.ops.segment_sum(jnp.ones((src.shape[0],), dtype=x.dtype), dst, num_segments=num_nodes)
    agg_mean = agg_sum / jnp.clip(deg, 1.0)[:, None]
    # lin_l on aggregated neighbors + lin_r on root features
    return agg_mean @ Wl.T + bl + x @ Wr.T


def reference(x, edge_index, W1l, b1l, W1r, W2l, b2l, W2r):
    src = edge_index[0]
    dst = edge_index[1]
    n = x.shape[0]
    # dropout is identity in eval mode
    h = _sage_conv(x, src, dst, W1l, b1l, W1r, n)
    h = jax.nn.elu(h)
    out = _sage_conv(h, src, dst, W2l, b2l, W2r, n)
    return out

if __name__ == "__main__":
    import jax
    _d = setup_inputs()
    print(jax.jit(kernel)(*tuple(_d.values())))

</pallas_src>

<mosaic_0001>
#map = affine_map<(d0, d1) -> (0, 0)>
#map1 = affine_map<(d0, d1) -> (0, 0, 0)>
module attributes {stable_mosaic.version = 14 : i64} {
  func.func @sage_sc(%arg0: i32, %arg1: i32, %arg2: memref<10000x128xf32, #tpu.memory_space<hbm>>, %arg3: memref<32x250x40xi32, #tpu.memory_space<hbm>>, %arg4: memref<32x250x40xi32, #tpu.memory_space<hbm>>, %arg5: memref<2x10000x128xf32, #tpu.memory_space<hbm>>, %arg6: memref<250x40xi32, #tpu.memory_space<vmem>>, %arg7: memref<250x40xi32, #tpu.memory_space<vmem>>, %arg8: memref<5x40x128xf32, #tpu.memory_space<vmem>>, %arg9: memref<10000x128xf32, #tpu.memory_space<vmem_shared>>, %arg10: memref<!tpu.dma_semaphore, #tpu.memory_space<semaphore_mem>>, %arg11: memref<!tpu.dma_semaphore, #tpu.memory_space<semaphore_mem>>, %arg12: memref<!tpu.dma_semaphore, #tpu.memory_space<semaphore_mem>>, %arg13: memref<!tpu.dma_semaphore, #tpu.memory_space<semaphore_mem>>, %arg14: memref<!tpu.dma_semaphore, #tpu.memory_space<semaphore_mem>>, %arg15: memref<!tpu.dma_semaphore, #tpu.memory_space<semaphore_mem>>, %arg16: memref<!tpu.dma_semaphore, #tpu.memory_space<semaphore_mem>>, %arg17: memref<!tpu.dma_semaphore, #tpu.memory_space<semaphore_mem>>, %arg18: memref<!tpu.dma_semaphore, #tpu.memory_space<semaphore_mem>>, %arg19: memref<!tpu.dma_semaphore, #tpu.memory_space<semaphore_mem>>) attributes {dimension_semantics = [#tpu.dimension_semantics<core_parallel>, #tpu.dimension_semantics<subcore_parallel>], iteration_bounds = array<i64: 2, 16>, scalar_prefetch = 0 : i64, scratch_operands = 14 : i64, tpu.core_type = #tpu.core_type<sc_vector_subcore>, window_params = [{transform_indices = #map}, {transform_indices = #map1}, {transform_indices = #map1}, {transform_indices = #map1}]} {
    %mul3A = arith.constant 16 : i32
    %mul3A_0 = arith.muli %arg0, %mul3A : i32
    %add3A = arith.addi %mul3A_0, %arg1 : i32
    %broadcast_in_dim3A = arith.constant 0.000000e+00 : f32
    %broadcast_in_dim3A_1 = vector.broadcast %broadcast_in_dim3A : f32 to vector<16xf32>
    %scan3A = arith.constant 0 : i32
    %scan3A_2 = arith.constant 200 : i32
    %scan3A_3 = arith.addi %scan3A, %scan3A_2 : i32
    %scan3A_4 = arith.constant 1 : i32
    scf.for %scan3A_117 = %scan3A to %scan3A_3 step %scan3A_4  : i32 {
      %mul3A_118 = arith.constant 1 : i32
      %mul3A_119 = arith.muli %scan3A_117, %mul3A_118 : i32
      %add3A_120 = arith.constant 0 : i32
      %add3A_121 = arith.addi %add3A_120, %mul3A_119 : i32
      %scan3A_122 = arith.constant 0 : i32
      %scan3A_123 = arith.constant 8 : i32
      %scan3A_124 = arith.addi %scan3A_122, %scan3A_123 : i32
      %scan3A_125 = arith.constant 1 : i32
      scf.for %scan3A_127 = %scan3A_122 to %scan3A_124 step %scan3A_125  : i32 {
        %mul3A_128 = arith.constant 1 : i32
        %mul3A_129 = arith.muli %scan3A_127, %mul3A_128 : i32
        %add3A_130 = arith.constant 0 : i32
        %add3A_131 = arith.addi %add3A_130, %mul3A_129 : i32
        %jit3A = arith.constant 40 : i32
        %div3A = arith.divsi %add3A_121, %jit3A : i32
        %sign3A = arith.constant 0 : i32
        %sign3A_132 = arith.cmpi sgt, %add3A_121, %sign3A : i32
        %sign3A_133 = arith.extui %sign3A_132 : i1 to i32
        %sign3A_134 = arith.constant 0 : i32
        %sign3A_135 = arith.cmpi slt, %add3A_121, %sign3A_134 : i32
        %sign3A_136 = arith.extui %sign3A_135 : i1 to i32
        %sign3A_137 = arith.subi %sign3A_133, %sign3A_136 : i32
        %sign3A_138 = arith.constant 0 : i32
        %sign3A_139 = arith.cmpi sgt, %jit3A, %sign3A_138 : i32
        %sign3A_140 = arith.extui %sign3A_139 : i1 to i32
        %sign3A_141 = arith.constant 0 : i32
        %sign3A_142 = arith.cmpi slt, %jit3A, %sign3A_141 : i32
        %sign3A_143 = arith.extui %sign3A_142 : i1 to i32
        %sign3A_144 = arith.subi %sign3A_140, %sign3A_143 : i32
        %ne3A = arith.cmpi ne, %sign3A_137, %sign3A_144 : i32
        %rem3A = arith.remsi %add3A_121, %jit3A : i32
        %ne3A_145 = arith.constant 0 : i32
        %ne3A_146 = arith.cmpi ne, %rem3A, %ne3A_145 : i32
        %and3A = arith.andi %ne3A, %ne3A_146 : i1
        %sub3A = arith.constant 1 : i32
        %sub3A_147 = arith.subi %div3A, %sub3A : i32
        %select_n3A = arith.select %and3A, %sub3A_147, %div3A : i32
        %jit3A_148 = arith.constant 40 : i32
        %eq3A = arith.constant 0 : i32
        %eq3A_149 = arith.cmpi eq, %jit3A_148, %eq3A : i32
        %jit3A_150 = arith.constant 1 : i32
        %select_n3A_151 = arith.select %eq3A_149, %jit3A_150, %jit3A_148 : i32
        %rem3A_152 = arith.remsi %add3A_121, %select_n3A_151 : i32
        %ne3A_153 = arith.constant 0 : i32
        %ne3A_154 = arith.cmpi ne, %rem3A_152, %ne3A_153 : i32
        %lt3A = arith.constant 0 : i32
        %lt3A_155 = arith.cmpi slt, %rem3A_152, %lt3A : i32
        %lt3A_156 = arith.constant 0 : i32
        %lt3A_157 = arith.cmpi slt, %select_n3A_151, %lt3A_156 : i32
        %ne3A_158 = arith.xori %lt3A_155, %lt3A_157 : i1
        %and3A_159 = arith.andi %ne3A_158, %ne3A_154 : i1
        %add3A_160 = arith.addi %rem3A_152, %select_n3A_151 : i32
        %select_n3A_161 = arith.select %and3A_159, %add3A_160, %rem3A_152 : i32
        %mul3A_162 = arith.constant 16 : i32
        %mul3A_163 = arith.muli %add3A_131, %mul3A_162 : i32
        %swap3A = arith.index_cast %select_n3A : i32 to index
        %swap3A_164 = arith.index_cast %select_n3A_161 : i32 to index
        %swap3A_165 = arith.index_cast %mul3A_163 : i32 to index
        %swap3A_166 = tpu.vector_load %arg8[%swap3A, %swap3A_164, %swap3A_165] {strides = array<i32>} : memref<5x40x128xf32, #tpu.memory_space<vmem>>, vector<16xf32>,
        tpu.vector_store %arg8[%swap3A, %swap3A_164, %swap3A_165], %broadcast_in_dim3A_1 {strides = array<i32>} : memref<5x40x128xf32, #tpu.memory_space<vmem>>, vector<16xf32>,
      }
      %scan3A_126 = arith.constant 8 : i32
    }
    %scan3A_5 = arith.constant 200 : i32
    %scan3A_6 = arith.constant 0 : i32
    %scan3A_7 = arith.constant 25 : i32
    %scan3A_8 = arith.addi %scan3A_6, %scan3A_7 : i32
    %scan3A_9 = arith.constant 1 : i32
    scf.for %scan3A_117 = %scan3A_6 to %scan3A_8 step %scan3A_9  : i32 {
      %mul3A_118 = arith.constant 1 : i32
      %mul3A_119 = arith.muli %scan3A_117, %mul3A_118 : i32
      %add3A_120 = arith.constant 0 : i32
      %add3A_121 = arith.addi %add3A_120, %mul3A_119 : i32
      %mul3A_122 = arith.constant 625 : i32
      %mul3A_123 = arith.muli %arg1, %mul3A_122 : i32
      %mul3A_124 = arith.constant 25 : i32
      %mul3A_125 = arith.muli %add3A_121, %mul3A_124 : i32
      %add3A_126 = arith.addi %mul3A_123, %mul3A_125 : i32
      %run_scoped3A = arith.constant 0 : i32
      "tpu.region"() ({
        %run_scoped3A_127 = tpu.sem_alloc : memref<!tpu.dma_semaphore, #tpu.memory_space<semaphore_mem>>
        %dma_start3A_128 = arith.constant 0 : i32
        %dma_start3A_129 = arith.constant 0 : i32
        %dma_start3A_130 = tpu.memref_slice %arg8[%run_scoped3A, %dma_start3A_128, %dma_start3A_129] : memref<5x40x128xf32, #tpu.memory_space<vmem>> -> memref<1x25x128xf32, #tpu.memory_space<vmem>>
        %dma_start3A_131 = tpu.memref_squeeze %dma_start3A_130 : memref<1x25x128xf32, #tpu.memory_space<vmem>> -> memref<25x128xf32, #tpu.memory_space<vmem>>
        %dma_start3A_132 = arith.constant 0 : i32
        %dma_start3A_133 = tpu.memref_slice %arg9[%add3A_126, %dma_start3A_132] : memref<10000x128xf32, #tpu.memory_space<vmem_shared>> -> memref<25x128xf32, #tpu.memory_space<vmem_shared>>
        %dma_start3A_134 = arith.constant 0 : i32
        %dma_start3A_135 = tpu.memref_slice %arg9[%add3A_126, %dma_start3A_134] : memref<10000x128xf32, #tpu.memory_space<vmem_shared>> -> memref<25x128xf32, #tpu.memory_space<vmem_shared>>
        %dma_start3A_136 = arith.constant 0 : i32
        %dma_start3A_137 = arith.constant 0 : i32
        %dma_start3A_138 = tpu.memref_slice %arg8[%run_scoped3A, %dma_start3A_136, %dma_start3A_137] : memref<5x40x128xf32, #tpu.memory_space<vmem>> -> memref<1x25x128xf32, #tpu.memory_space<vmem>>
        %dma_start3A_139 = tpu.memref_squeeze %dma_start3A_138 : memref<1x25x128xf32, #tpu.memory_space<vmem>> -> memref<25x128xf32, #tpu.memory_space<vmem>>
        tpu.enqueue_dma source(%dma_start3A_139 : memref<25x128xf32, #tpu.memory_space<vmem>>) target(%dma_start3A_135 : memref<25x128xf32, #tpu.memory_space<vmem_shared>>) target_semaphore(%run_scoped3A_127 : memref<!tpu.dma_semaphore, #tpu.memory_space<semaphore_mem>>)
        %dma_wait3A_140 = arith.constant 0 : i32
        %dma_wait3A_141 = arith.constant 0 : i32
        %dma_wait3A_142 = tpu.memref_slice %arg8[%run_scoped3A, %dma_wait3A_140, %dma_wait3A_141] : memref<5x40x128xf32, #tpu.memory_space<vmem>> -> memref<1x25x128xf32, #tpu.memory_space<vmem>>
        %dma_wait3A_143 = tpu.memref_squeeze %dma_wait3A_142 : memref<1x25x128xf32, #tpu.memory_space<vmem>> -> memref<25x128xf32, #tpu.memory_space<vmem>>
        %dma_wait3A_144 = arith.constant 0 : i32
        %dma_wait3A_145 = tpu.memref_slice %arg9[%add3A_126, %dma_wait3A_144] : memref<10000x128xf32, #tpu.memory_space<vmem_shared>> -> memref<25x128xf32, #tpu.memory_space<vmem_shared>>
        %dma_wait3A_146 = arith.constant 0 : i32
        %dma_wait3A_147 = tpu.memref_slice %arg9[%add3A_126, %dma_wait3A_146] : memref<10000x128xf32, #tpu.memory_space<vmem_shared>> -> memref<25x128xf32, #tpu.memory_space<vmem_shared>>
        %dma_wait3A_148 = arith.constant 0 : i32
        %dma_wait3A_149 = arith.constant 0 : i32
        %dma_wait3A_150 = tpu.memref_slice %arg8[%run_scoped3A, %dma_wait3A_148, %dma_wait3A_149] : memref<5x40x128xf32, #tpu.memory_space<vmem>> -> memref<1x25x128xf32, #tpu.memory_space<vmem>>
        %dma_wait3A_151 = tpu.memref_squeeze %dma_wait3A_150 : memref<1x25x128xf32, #tpu.memory_space<vmem>> -> memref<25x128xf32, #tpu.memory_space<vmem>>
        tpu.wait_dma2 semaphore(%run_scoped3A_127 : memref<!tpu.dma_semaphore, #tpu.memory_space<semaphore_mem>>) src(%dma_wait3A_151 : memref<25x128xf32, #tpu.memory_space<vmem>>) dst(%dma_wait3A_147 : memref<25x128xf32, #tpu.memory_space<vmem_shared>>)
        tpu.yield
      }) : () -> ()
    }
    %scan3A_10 = arith.constant 25 : i32
    "tpu.region"() ({
      %run_scoped3A = tpu.sem_alloc : memref<!tpu.dma_semaphore, #tpu.memory_space<semaphore_mem>>
      %dma_start3A_117 = arith.constant 0 : i32
      %dma_start3A_118 = arith.constant 0 : i32
      %dma_start3A_119 = tpu.memref_slice %arg3[%add3A, %dma_start3A_117, %dma_start3A_118] : memref<32x250x40xi32, #tpu.memory_space<hbm>> -> memref<1x250x40xi32, #tpu.memory_space<hbm>>
      %dma_start3A_120 = tpu.memref_squeeze %dma_start3A_119 : memref<1x250x40xi32, #tpu.memory_space<hbm>> -> memref<250x40xi32, #tpu.memory_space<hbm>>
      %dma_start3A_121 = arith.constant 0 : i32
      %dma_start3A_122 = arith.constant 0 : i32
      %dma_start3A_123 = tpu.memref_slice %arg3[%add3A, %dma_start3A_121, %dma_start3A_122] : memref<32x250x40xi32, #tpu.memory_space<hbm>> -> memref<1x250x40xi32, #tpu.memory_space<hbm>>
      %dma_start3A_124 = tpu.memref_squeeze %dma_start3A_123 : memref<1x250x40xi32, #tpu.memory_space<hbm>> -> memref<250x40xi32, #tpu.memory_space<hbm>>
      tpu.enqueue_dma source(%dma_start3A_124 : memref<250x40xi32, #tpu.memory_space<hbm>>) target(%arg6 : memref<250x40xi32, #tpu.memory_space<vmem>>) target_semaphore(%run_scoped3A : memref<!tpu.dma_semaphore, #tpu.memory_space<semaphore_mem>>)
      %dma_wait3A_125 = arith.constant 0 : i32
      %dma_wait3A_126 = arith.constant 0 : i32
      %dma_wait3A_127 = tpu.memref_slice %arg3[%add3A, %dma_wait3A_125, %dma_wait3A_126] : memref<32x250x40xi32, #tpu.memory_space<hbm>> -> memref<1x250x40xi32, #tpu.memory_space<hbm>>
      %dma_wait3A_128 = tpu.memref_squeeze %dma_wait3A_127 : memref<1x250x40xi32, #tpu.memory_space<hbm>> -> memref<250x40xi32, #tpu.memory_space<hbm>>
      %dma_wait3A_129 = arith.constant 0 : i32
      %dma_wait3A_130 = arith.constant 0 : i32
      %dma_wait3A_131 = tpu.memref_slice %arg3[%add3A, %dma_wait3A_129, %dma_wait3A_130] : memref<32x250x40xi32, #tpu.memory_space<hbm>> -> memref<1x250x40xi32, #tpu.memory_space<hbm>>
      %dma_wait3A_132 = tpu.memref_squeeze %dma_wait3A_131 : memref<1x250x40xi32, #tpu.memory_space<hbm>> -> memref<250x40xi32, #tpu.memory_space<hbm>>
      tpu.wait_dma2 semaphore(%run_scoped3A : memref<!tpu.dma_semaphore, #tpu.memory_space<semaphore_mem>>) src(%dma_wait3A_132 : memref<250x40xi32, #tpu.memory_space<hbm>>) dst(%arg6 : memref<250x40xi32, #tpu.memory_space<vmem>>)
      tpu.yield
    }) : () -> ()
    "tpu.region"() ({
      %run_scoped3A = tpu.sem_alloc : memref<!tpu.dma_semaphore, #tpu.memory_space<semaphore_mem>>
      %dma_start3A_117 = arith.constant 0 : i32
      %dma_start3A_118 = arith.constant 0 : i32
      %dma_start3A_119 = tpu.memref_slice %arg4[%add3A, %dma_start3A_117, %dma_start3A_118] : memref<32x250x40xi32, #tpu.memory_space<hbm>> -> memref<1x250x40xi32, #tpu.memory_space<hbm>>
      %dma_start3A_120 = tpu.memref_squeeze %dma_start3A_119 : memref<1x250x40xi32, #tpu.memory_space<hbm>> -> memref<250x40xi32, #tpu.memory_space<hbm>>
      %dma_start3A_121 = arith.constant 0 : i32
      %dma_start3A_122 = arith.constant 0 : i32
      %dma_start3A_123 = tpu.memref_slice %arg4[%add3A, %dma_start3A_121, %dma_start3A_122] : memref<32x250x40xi32, #tpu.memory_space<hbm>> -> memref<1x250x40xi32, #tpu.memory_space<hbm>>
      %dma_start3A_124 = tpu.memref_squeeze %dma_start3A_123 : memref<1x250x40xi32, #tpu.memory_space<hbm>> -> memref<250x40xi32, #tpu.memory_space<hbm>>
      tpu.enqueue_dma source(%dma_start3A_124 : memref<250x40xi32, #tpu.memory_space<hbm>>) target(%arg7 : memref<250x40xi32, #tpu.memory_space<vmem>>) target_semaphore(%run_scoped3A : memref<!tpu.dma_semaphore, #tpu.memory_space<semaphore_mem>>)
      %dma_wait3A_125 = arith.constant 0 : i32
      %dma_wait3A_126 = arith.constant 0 : i32
      %dma_wait3A_127 = tpu.memref_slice %arg4[%add3A, %dma_wait3A_125, %dma_wait3A_126] : memref<32x250x40xi32, #tpu.memory_space<hbm>> -> memref<1x250x40xi32, #tpu.memory_space<hbm>>
      %dma_wait3A_128 = tpu.memref_squeeze %dma_wait3A_127 : memref<1x250x40xi32, #tpu.memory_space<hbm>> -> memref<250x40xi32, #tpu.memory_space<hbm>>
      %dma_wait3A_129 = arith.constant 0 : i32
      %dma_wait3A_130 = arith.constant 0 : i32
      %dma_wait3A_131 = tpu.memref_slice %arg4[%add3A, %dma_wait3A_129, %dma_wait3A_130] : memref<32x250x40xi32, #tpu.memory_space<hbm>> -> memref<1x250x40xi32, #tpu.memory_space<hbm>>
      %dma_wait3A_132 = tpu.memref_squeeze %dma_wait3A_131 : memref<1x250x40xi32, #tpu.memory_space<hbm>> -> memref<250x40xi32, #tpu.memory_space<hbm>>
      tpu.wait_dma2 semaphore(%run_scoped3A : memref<!tpu.dma_semaphore, #tpu.memory_space<semaphore_mem>>) src(%dma_wait3A_132 : memref<250x40xi32, #tpu.memory_space<hbm>>) dst(%arg7 : memref<250x40xi32, #tpu.memory_space<vmem>>)
      tpu.yield
    }) : () -> ()
    %barrier3A = arith.constant 0 : index
    tpu.barrier barrier_id(%barrier3A)
    %dma_start3A = arith.constant 0 : i32
    %dma_start3A_11 = arith.constant 0 : i32
    %dma_start3A_12 = arith.constant 0 : i32
    %dma_start3A_13 = arith.constant 0 : i32
    %dma_start3A_14 = tpu.memref_slice %arg8[%dma_start3A_11, %dma_start3A_12, %dma_start3A_13] : memref<5x40x128xf32, #tpu.memory_space<vmem>> -> memref<1x40x128xf32, #tpu.memory_space<vmem>>
    %dma_start3A_15 = tpu.memref_squeeze %dma_start3A_14 : memref<1x40x128xf32, #tpu.memory_space<vmem>> -> memref<40x128xf32, #tpu.memory_space<vmem>>
    %dma_start3A_16 = arith.constant 0 : i32
    %dma_start3A_17 = tpu.memref_slice %arg6[%dma_start3A, %dma_start3A_16] : memref<250x40xi32, #tpu.memory_space<vmem>> -> memref<1x40xi32, #tpu.memory_space<vmem>>
    %dma_start3A_18 = tpu.memref_squeeze %dma_start3A_17 : memref<1x40xi32, #tpu.memory_space<vmem>> -> memref<40xi32, #tpu.memory_space<vmem>>
    %dma_start3A_19 = arith.constant 0 : i32
    %dma_start3A_20 = arith.constant 0 : i32
    %dma_start3A_21 = tpu.memref_slice %arg2[%dma_start3A_19, %dma_start3A_20] : memref<10000x128xf32, #tpu.memory_space<hbm>> -> memref<10000x128xf32, #tpu.memory_space<hbm>>
    tpu.enqueue_indirect_dma source(%dma_start3A_21 : memref<10000x128xf32, #tpu.memory_space<hbm>>) target(%dma_start3A_15 : memref<40x128xf32, #tpu.memory_space<vmem>>) offsets(%dma_start3A_18 : memref<40xi32, #tpu.memory_space<vmem>>) semaphore(%arg10 : memref<!tpu.dma_semaphore, #tpu.memory_space<semaphore_mem>>)
    %dma_start3A_22 = arith.constant 1 : i32
    %dma_start3A_23 = arith.constant 1 : i32
    %dma_start3A_24 = arith.constant 0 : i32
    %dma_start3A_25 = arith.constant 0 : i32
    %dma_start3A_26 = tpu.memref_slice %arg8[%dma_start3A_23, %dma_start3A_24, %dma_start3A_25] : memref<5x40x128xf32, #tpu.memory_space<vmem>> -> memref<1x40x128xf32, #tpu.memory_space<vmem>>
    %dma_start3A_27 = tpu.memref_squeeze %dma_start3A_26 : memref<1x40x128xf32, #tpu.memory_space<vmem>> -> memref<40x128xf32, #tpu.memory_space<vmem>>
    %dma_start3A_28 = arith.constant 0 : i32
    %dma_start3A_29 = tpu.memref_slice %arg6[%dma_start3A_22, %dma_start3A_28] : memref<250x40xi32, #tpu.memory_space<vmem>> -> memref<1x40xi32, #tpu.memory_space<vmem>>
    %dma_start3A_30 = tpu.memref_squeeze %dma_start3A_29 : memref<1x40xi32, #tpu.memory_space<vmem>> -> memref<40xi32, #tpu.memory_space<vmem>>
    %dma_start3A_31 = arith.constant 0 : i32
    %dma_start3A_32 = arith.constant 0 : i32
    %dma_start3A_33 = tpu.memref_slice %arg2[%dma_start3A_31, %dma_start3A_32] : memref<10000x128xf32, #tpu.memory_space<hbm>> -> memref<10000x128xf32, #tpu.memory_space<hbm>>
    tpu.enqueue_indirect_dma source(%dma_start3A_33 : memref<10000x128xf32, #tpu.memory_space<hbm>>) target(%dma_start3A_27 : memref<40x128xf32, #tpu.memory_space<vmem>>) offsets(%dma_start3A_30 : memref<40xi32, #tpu.memory_space<vmem>>) semaphore(%arg11 : memref<!tpu.dma_semaphore, #tpu.memory_space<semaphore_mem>>)
    %dma_start3A_34 = arith.constant 2 : i32
    %dma_start3A_35 = arith.constant 2 : i32
    %dma_start3A_36 = arith.constant 0 : i32
    %dma_start3A_37 = arith.constant 0 : i32
    %dma_start3A_38 = tpu.memref_slice %arg8[%dma_start3A_35, %dma_start3A_36, %dma_start3A_37] : memref<5x40x128xf32, #tpu.memory_space<vmem>> -> memref<1x40x128xf32, #tpu.memory_space<vmem>>
    %dma_start3A_39 = tpu.memref_squeeze %dma_start3A_38 : memref<1x40x128xf32, #tpu.memory_space<vmem>> -> memref<40x128xf32, #tpu.memory_space<vmem>>
    %dma_start3A_40 = arith.constant 0 : i32
    %dma_start3A_41 = tpu.memref_slice %arg6[%dma_start3A_34, %dma_start3A_40] : memref<250x40xi32, #tpu.memory_space<vmem>> -> memref<1x40xi32, #tpu.memory_space<vmem>>
    %dma_start3A_42 = tpu.memref_squeeze %dma_start3A_41 : memref<1x40xi32, #tpu.memory_space<vmem>> -> memref<40xi32, #tpu.memory_space<vmem>>
    %dma_start3A_43 = arith.constant 0 : i32
    %dma_start3A_44 = arith.constant 0 : i32
    %dma_start3A_45 = tpu.memref_slice %arg2[%dma_start3A_43, %dma_start3A_44] : memref<10000x128xf32, #tpu.memory_space<hbm>> -> memref<10000x128xf32, #tpu.memory_space<hbm>>
    tpu.enqueue_indirect_dma source(%dma_start3A_45 : memref<10000x128xf32, #tpu.memory_space<hbm>>) target(%dma_start3A_39 : memref<40x128xf32, #tpu.memory_space<vmem>>) offsets(%dma_start3A_42 : memref<40xi32, #tpu.memory_space<vmem>>) semaphore(%arg12 : memref<!tpu.dma_semaphore, #tpu.memory_space<semaphore_mem>>)
    %broadcast_in_dim3A_46 = arith.constant 1.000000e+00 : f32
    %broadcast_in_dim3A_47 = vector.broadcast %broadcast_in_dim3A_46 : f32 to vector<16xf32>
    %scan3A_48 = arith.constant 0 : i32
    %scan3A_49 = arith.constant 50 : i32
    %scan3A_50 = arith.addi %scan3A_48, %scan3A_49 : i32
    %scan3A_51 = arith.constant 1 : i32
    scf.for %scan3A_117 = %scan3A_48 to %scan3A_50 step %scan3A_51  : i32 {
      %mul3A_118 = arith.constant 5 : i32
      %mul3A_119 = arith.muli %scan3A_117, %mul3A_118 : i32
      %add3A_120 = arith.constant 0 : i32
      %add3A_121 = arith.addi %add3A_120, %mul3A_119 : i32
      %add3A_122 = arith.constant 0 : i32
      %add3A_123 = arith.addi %add3A_121, %add3A_122 : i32
      %lt3A = arith.constant 250 : i32
      %lt3A_124 = arith.cmpi slt, %add3A_123, %lt3A : i32
      %convert_element_type3A = arith.extui %lt3A_124 : i1 to i32
      %cond3A = arith.constant 0 : i32
      %cond3A_125 = arith.cmpi ne, %convert_element_type3A, %cond3A : i32
      scf.if %cond3A_125 {
        %ge3A = arith.constant 2 : i32
        %ge3A_154 = arith.cmpi sge, %add3A_123, %ge3A : i32
        %add3A_155 = arith.constant 3 : i32
        %add3A_156 = arith.addi %add3A_123, %add3A_155 : i32
        %lt3A_157 = arith.constant 250 : i32
        %lt3A_158 = arith.cmpi slt, %add3A_156, %lt3A_157 : i32
        %and3A = arith.andi %ge3A_154, %lt3A_158 : i1
        %convert_element_type3A_159 = arith.extui %and3A : i1 to i32
        %cond3A_160 = arith.constant 0 : i32
        %cond3A_161 = arith.cmpi ne, %convert_element_type3A_159, %cond3A_160 : i32
        scf.if %cond3A_161 {
          %sub3A = arith.constant 2 : i32
          %sub3A_191 = arith.subi %add3A_123, %sub3A : i32
          %dma_wait3A_192 = arith.constant 3 : i32
          %dma_wait3A_193 = arith.constant 0 : i32
          %dma_wait3A_194 = arith.constant 0 : i32
          %dma_wait3A_195 = tpu.memref_slice %arg8[%dma_wait3A_192, %dma_wait3A_193, %dma_wait3A_194] : memref<5x40x128xf32, #tpu.memory_space<vmem>> -> memref<1x40x128xf32, #tpu.memory_space<vmem>>
          %dma_wait3A_196 = tpu.memref_squeeze %dma_wait3A_195 : memref<1x40x128xf32, #tpu.memory_space<vmem>> -> memref<40x128xf32, #tpu.memory_space<vmem>>
          %dma_wait3A_197 = arith.constant 0 : i32
          %dma_wait3A_198 = tpu.memref_slice %arg7[%sub3A_191, %dma_wait3A_197] : memref<250x40xi32, #tpu.memory_space<vmem>> -> memref<1x40xi32, #tpu.memory_space<vmem>>
          %dma_wait3A_199 = tpu.memref_squeeze %dma_wait3A_198 : memref<1x40xi32, #tpu.memory_space<vmem>> -> memref<40xi32, #tpu.memory_space<vmem>>
          %dma_wait3A_200 = arith.constant 0 : i32
          %dma_wait3A_201 = arith.constant 0 : i32
          %dma_wait3A_202 = tpu.memref_slice %arg9[%dma_wait3A_200, %dma_wait3A_201] : memref<10000x128xf32, #tpu.memory_space<vmem_shared>> -> memref<10000x128xf32, #tpu.memory_space<vmem_shared>>
          tpu.wait_indirect_dma semaphore(%arg18 : memref<!tpu.dma_semaphore, #tpu.memory_space<semaphore_mem>>) src(%dma_wait3A_196 : memref<40x128xf32, #tpu.memory_space<vmem>>) dst(%dma_wait3A_202 : memref<10000x128xf32, #tpu.memory_space<vmem_shared>>)
        } else {
        }
        %add3A_162 = arith.constant 3 : i32
        %add3A_163 = arith.addi %add3A_123, %add3A_162 : i32
        %lt3A_164 = arith.constant 250 : i32
        %lt3A_165 = arith.cmpi slt, %add3A_163, %lt3A_164 : i32
        %convert_element_type3A_166 = arith.extui %lt3A_165 : i1 to i32
        %cond3A_167 = arith.constant 0 : i32
        %cond3A_168 = arith.cmpi ne, %convert_element_type3A_166, %cond3A_167 : i32
        scf.if %cond3A_168 {
          %add3A_191 = arith.constant 3 : i32
          %add3A_192 = arith.addi %add3A_123, %add3A_191 : i32
          %dma_start3A_193 = arith.constant 3 : i32
          %dma_start3A_194 = arith.constant 0 : i32
          %dma_start3A_195 = arith.constant 0 : i32
          %dma_start3A_196 = tpu.memref_slice %arg8[%dma_start3A_193, %dma_start3A_194, %dma_start3A_195] : memref<5x40x128xf32, #tpu.memory_space<vmem>> -> memref<1x40x128xf32, #tpu.memory_space<vmem>>
          %dma_start3A_197 = tpu.memref_squeeze %dma_start3A_196 : memref<1x40x128xf32, #tpu.memory_space<vmem>> -> memref<40x128xf32, #tpu.memory_space<vmem>>
          %dma_start3A_198 = arith.constant 0 : i32
          %dma_start3A_199 = tpu.memref_slice %arg6[%add3A_192, %dma_start3A_198] : memref<250x40xi32, #tpu.memory_space<vmem>> -> memref<1x40xi32, #tpu.memory_space<vmem>>
          %dma_start3A_200 = tpu.memref_squeeze %dma_start3A_199 : memref<1x40xi32, #tpu.memory_space<vmem>> -> memref<40xi32, #tpu.memory_space<vmem>>
          %dma_start3A_201 = arith.constant 0 : i32
          %dma_start3A_202 = arith.constant 0 : i32
          %dma_start3A_203 = tpu.memref_slice %arg2[%dma_start3A_201, %dma_start3A_202] : memref<10000x128xf32, #tpu.memory_space<hbm>> -> memref<10000x128xf32, #tpu.memory_space<hbm>>
          tpu.enqueue_indirect_dma source(%dma_start3A_203 : memref<10000x128xf32, #tpu.memory_space<hbm>>) target(%dma_start3A_197 : memref<40x128xf32, #tpu.memory_space<vmem>>) offsets(%dma_start3A_200 : memref<40xi32, #tpu.memory_space<vmem>>) semaphore(%arg13 : memref<!tpu.dma_semaphore, #tpu.memory_space<semaphore_mem>>)
        } else {
        }
        %dma_wait3A_169 = arith.constant 0 : i32
        %dma_wait3A_170 = arith.constant 0 : i32
        %dma_wait3A_171 = arith.constant 0 : i32
        %dma_wait3A_172 = tpu.memref_slice %arg8[%dma_wait3A_169, %dma_wait3A_170, %dma_wait3A_171] : memref<5x40x128xf32, #tpu.memory_space<vmem>> -> memref<1x40x128xf32, #tpu.memory_space<vmem>>
        %dma_wait3A_173 = tpu.memref_squeeze %dma_wait3A_172 : memref<1x40x128xf32, #tpu.memory_space<vmem>> -> memref<40x128xf32, #tpu.memory_space<vmem>>
        %dma_wait3A_174 = arith.constant 0 : i32
        %dma_wait3A_175 = tpu.memref_slice %arg6[%add3A_123, %dma_wait3A_174] : memref<250x40xi32, #tpu.memory_space<vmem>> -> memref<1x40xi32, #tpu.memory_space<vmem>>
        %dma_wait3A_176 = tpu.memref_squeeze %dma_wait3A_175 : memref<1x40xi32, #tpu.memory_space<vmem>> -> memref<40xi32, #tpu.memory_space<vmem>>
        %dma_wait3A_177 = arith.constant 0 : i32
        %dma_wait3A_178 = arith.constant 0 : i32
        %dma_wait3A_179 = tpu.memref_slice %arg2[%dma_wait3A_177, %dma_wait3A_178] : memref<10000x128xf32, #tpu.memory_space<hbm>> -> memref<10000x128xf32, #tpu.memory_space<hbm>>
        tpu.wait_indirect_dma semaphore(%arg10 : memref<!tpu.dma_semaphore, #tpu.memory_space<semaphore_mem>>) src(%dma_wait3A_179 : memref<10000x128xf32, #tpu.memory_space<hbm>>) dst(%dma_wait3A_173 : memref<40x128xf32, #tpu.memory_space<vmem>>)
        %dma_start3A_180 = arith.constant 0 : i32
        %dma_start3A_181 = arith.constant 0 : i32
        %dma_start3A_182 = arith.constant 0 : i32
        %dma_start3A_183 = tpu.memref_slice %arg8[%dma_start3A_180, %dma_start3A_181, %dma_start3A_182] : memref<5x40x128xf32, #tpu.memory_space<vmem>> -> memref<1x40x128xf32, #tpu.memory_space<vmem>>
        %dma_start3A_184 = tpu.memref_squeeze %dma_start3A_183 : memref<1x40x128xf32, #tpu.memory_space<vmem>> -> memref<40x128xf32, #tpu.memory_space<vmem>>
        %dma_start3A_185 = arith.constant 0 : i32
        %dma_start3A_186 = tpu.memref_slice %arg7[%add3A_123, %dma_start3A_185] : memref<250x40xi32, #tpu.memory_space<vmem>> -> memref<1x40xi32, #tpu.memory_space<vmem>>
        %dma_start3A_187 = tpu.memref_squeeze %dma_start3A_186 : memref<1x40xi32, #tpu.memory_space<vmem>> -> memref<40xi32, #tpu.memory_space<vmem>>
        %dma_start3A_188 = arith.constant 0 : i32
        %dma_start3A_189 = arith.constant 0 : i32
        %dma_start3A_190 = tpu.memref_slice %arg9[%dma_start3A_188, %dma_start3A_189] : memref<10000x128xf32, #tpu.memory_space<vmem_shared>> -> memref<10000x128xf32, #tpu.memory_space<vmem_shared>>
        tpu.enqueue_indirect_dma source(%dma_start3A_184 : memref<40x128xf32, #tpu.memory_space<vmem>>) target(%dma_start3A_190 : memref<10000x128xf32, #tpu.memory_space<vmem_shared>>) offsets(%dma_start3A_187 : memref<40xi32, #tpu.memory_space<vmem>>) semaphore(%arg15 : memref<!tpu.dma_semaphore, #tpu.memory_space<semaphore_mem>>) {add = true}
      } else {
      }
      %add3A_126 = arith.constant 1 : i32
      %add3A_127 = arith.addi %add3A_121, %add3A_126 : i32
      %lt3A_128 = arith.constant 250 : i32
      %lt3A_129 = arith.cmpi slt, %add3A_127, %lt3A_128 : i32
      %convert_element_type3A_130 = arith.extui %lt3A_129 : i1 to i32
      %cond3A_131 = arith.constant 0 : i32
      %cond3A_132 = arith.cmpi ne, %convert_element_type3A_130, %cond3A_131 : i32
      scf.if %cond3A_132 {
        %ge3A = arith.constant 2 : i32
        %ge3A_154 = arith.cmpi sge, %add3A_127, %ge3A : i32
        %add3A_155 = arith.constant 3 : i32
        %add3A_156 = arith.addi %add3A_127, %add3A_155 : i32
        %lt3A_157 = arith.constant 250 : i32
        %lt3A_158 = arith.cmpi slt, %add3A_156, %lt3A_157 : i32
        %and3A = arith.andi %ge3A_154, %lt3A_158 : i1
        %convert_element_type3A_159 = arith.extui %and3A : i1 to i32
        %cond3A_160 = arith.constant 0 : i32
        %cond3A_161 = arith.cmpi ne, %convert_element_type3A_159, %cond3A_160 : i32
        scf.if %cond3A_161 {
          %sub3A = arith.constant 2 : i32
          %sub3A_191 = arith.subi %add3A_127, %sub3A : i32
          %dma_wait3A_192 = arith.constant 4 : i32
          %dma_wait3A_193 = arith.constant 0 : i32
          %dma_wait3A_194 = arith.constant 0 : i32
          %dma_wait3A_195 = tpu.memref_slice %arg8[%dma_wait3A_192, %dma_wait3A_193, %dma_wait3A_194] : memref<5x40x128xf32, #tpu.memory_space<vmem>> -> memref<1x40x128xf32, #tpu.memory_space<vmem>>
          %dma_wait3A_196 = tpu.memref_squeeze %dma_wait3A_195 : memref<1x40x128xf32, #tpu.memory_space<vmem>> -> memref<40x128xf32, #tpu.memory_space<vmem>>
          %dma_wait3A_197 = arith.constant 0 : i32
          %dma_wait3A_198 = tpu.memref_slice %arg7[%sub3A_191, %dma_wait3A_197] : memref<250x40xi32, #tpu.memory_space<vmem>> -> memref<1x40xi32, #tpu.memory_space<vmem>>
          %dma_wait3A_199 = tpu.memref_squeeze %dma_wait3A_198 : memref<1x40xi32, #tpu.memory_space<vmem>> -> memref<40xi32, #tpu.memory_space<vmem>>
          %dma_wait3A_200 = arith.constant 0 : i32
          %dma_wait3A_201 = arith.constant 0 : i32
          %dma_wait3A_202 = tpu.memref_slice %arg9[%dma_wait3A_200, %dma_wait3A_201] : memref<10000x128xf32, #tpu.memory_space<vmem_shared>> -> memref<10000x128xf32, #tpu.memory_space<vmem_shared>>
          tpu.wait_indirect_dma semaphore(%arg19 : memref<!tpu.dma_semaphore, #tpu.memory_space<semaphore_mem>>) src(%dma_wait3A_196 : memref<40x128xf32, #tpu.memory_space<vmem>>) dst(%dma_wait3A_202 : memref<10000x128xf32, #tpu.memory_space<vmem_shared>>)
        } else {
        }
        %add3A_162 = arith.constant 3 : i32
        %add3A_163 = arith.addi %add3A_127, %add3A_162 : i32
        %lt3A_164 = arith.constant 250 : i32
        %lt3A_165 = arith.cmpi slt, %add3A_163, %lt3A_164 : i32
        %convert_element_type3A_166 = arith.extui %lt3A_165 : i1 to i32
        %cond3A_167 = arith.constant 0 : i32
        %cond3A_168 = arith.cmpi ne, %convert_element_type3A_166, %cond3A_167 : i32
        scf.if %cond3A_168 {
          %add3A_191 = arith.constant 3 : i32
          %add3A_192 = arith.addi %add3A_127, %add3A_191 : i32
          %dma_start3A_193 = arith.constant 4 : i32
          %dma_start3A_194 = arith.constant 0 : i32
          %dma_start3A_195 = arith.constant 0 : i32
          %dma_start3A_196 = tpu.memref_slice %arg8[%dma_start3A_193, %dma_start3A_194, %dma_start3A_195] : memref<5x40x128xf32, #tpu.memory_space<vmem>> -> memref<1x40x128xf32, #tpu.memory_space<vmem>>
          %dma_start3A_197 = tpu.memref_squeeze %dma_start3A_196 : memref<1x40x128xf32, #tpu.memory_space<vmem>> -> memref<40x128xf32, #tpu.memory_space<vmem>>
          %dma_start3A_198 = arith.constant 0 : i32
          %dma_start3A_199 = tpu.memref_slice %arg6[%add3A_192, %dma_start3A_198] : memref<250x40xi32, #tpu.memory_space<vmem>> -> memref<1x40xi32, #tpu.memory_space<vmem>>
          %dma_start3A_200 = tpu.memref_squeeze %dma_start3A_199 : memref<1x40xi32, #tpu.memory_space<vmem>> -> memref<40xi32, #tpu.memory_space<vmem>>
          %dma_start3A_201 = arith.constant 0 : i32
          %dma_start3A_202 = arith.constant 0 : i32
          %dma_start3A_203 = tpu.memref_slice %arg2[%dma_start3A_201, %dma_start3A_202] : memref<10000x128xf32, #tpu.memory_space<hbm>> -> memref<10000x128xf32, #tpu.memory_space<hbm>>
          tpu.enqueue_indirect_dma source(%dma_start3A_203 : memref<10000x128xf32, #tpu.memory_space<hbm>>) target(%dma_start3A_197 : memref<40x128xf32, #tpu.memory_space<vmem>>) offsets(%dma_start3A_200 : memref<40xi32, #tpu.memory_space<vmem>>) semaphore(%arg14 : memref<!tpu.dma_semaphore, #tpu.memory_space<semaphore_mem>>)
        } else {
        }
        %dma_wait3A_169 = arith.constant 1 : i32
        %dma_wait3A_170 = arith.constant 0 : i32
        %dma_wait3A_171 = arith.constant 0 : i32
        %dma_wait3A_172 = tpu.memref_slice %arg8[%dma_wait3A_169, %dma_wait3A_170, %dma_wait3A_171] : memref<5x40x128xf32, #tpu.memory_space<vmem>> -> memref<1x40x128xf32, #tpu.memory_space<vmem>>
        %dma_wait3A_173 = tpu.memref_squeeze %dma_wait3A_172 : memref<1x40x128xf32, #tpu.memory_space<vmem>> -> memref<40x128xf32, #tpu.memory_space<vmem>>
        %dma_wait3A_174 = arith.constant 0 : i32
        %dma_wait3A_175 = tpu.memref_slice %arg6[%add3A_127, %dma_wait3A_174] : memref<250x40xi32, #tpu.memory_space<vmem>> -> memref<1x40xi32, #tpu.memory_space<vmem>>
        %dma_wait3A_176 = tpu.memref_squeeze %dma_wait3A_175 : memref<1x40xi32, #tpu.memory_space<vmem>> -> memref<40xi32, #tpu.memory_space<vmem>>
        %dma_wait3A_177 = arith.constant 0 : i32
        %dma_wait3A_178 = arith.constant 0 : i32
        %dma_wait3A_179 = tpu.memref_slice %arg2[%dma_wait3A_177, %dma_wait3A_178] : memref<10000x128xf32, #tpu.memory_space<hbm>> -> memref<10000x128xf32, #tpu.memory_space<hbm>>
        tpu.wait_indirect_dma semaphore(%arg11 : memref<!tpu.dma_semaphore, #tpu.memory_space<semaphore_mem>>) src(%dma_wait3A_179 : memref<10000x128xf32, #tpu.memory_space<hbm>>) dst(%dma_wait3A_173 : memref<40x128xf32, #tpu.memory_space<vmem>>)
        %dma_start3A_180 = arith.constant 1 : i32
        %dma_start3A_181 = arith.constant 0 : i32
        %dma_start3A_182 = arith.constant 0 : i32
        %dma_start3A_183 = tpu.memref_slice %arg8[%dma_start3A_180, %dma_start3A_181, %dma_start3A_182] : memref<5x40x128xf32, #tpu.memory_space<vmem>> -> memref<1x40x128xf32, #tpu.memory_space<vmem>>
        %dma_start3A_184 = tpu.memref_squeeze %dma_start3A_183 : memref<1x40x128xf32, #tpu.memory_space<vmem>> -> memref<40x128xf32, #tpu.memory_space<vmem>>
        %dma_start3A_185 = arith.constant 0 : i32
        %dma_start3A_186 = tpu.memref_slice %arg7[%add3A_127, %dma_start3A_185] : memref<250x40xi32, #tpu.memory_space<vmem>> -> memref<1x40xi32, #tpu.memory_space<vmem>>
        %dma_start3A_187 = tpu.memref_squeeze %dma_start3A_186 : memref<1x40xi32, #tpu.memory_space<vmem>> -> memref<40xi32, #tpu.memory_space<vmem>>
        %dma_start3A_188 = arith.constant 0 : i32
        %dma_start3A_189 = arith.constant 0 : i32
        %dma_start3A_190 = tpu.memref_slice %arg9[%dma_start3A_188, %dma_start3A_189] : memref<10000x128xf32, #tpu.memory_space<vmem_shared>> -> memref<10000x128xf32, #tpu.memory_space<vmem_shared>>
        tpu.enqueue_indirect_dma source(%dma_start3A_184 : memref<40x128xf32, #tpu.memory_space<vmem>>) target(%dma_start3A_190 : memref<10000x128xf32, #tpu.memory_space<vmem_shared>>) offsets(%dma_start3A_187 : memref<40xi32, #tpu.memory_space<vmem>>) semaphore(%arg16 : memref<!tpu.dma_semaphore, #tpu.memory_space<semaphore_mem>>) {add = true}
      } else {
      }
      %add3A_133 = arith.constant 2 : i32
      %add3A_134 = arith.addi %add3A_121, %add3A_133 : i32
      %lt3A_135 = arith.constant 250 : i32
      %lt3A_136 = arith.cmpi slt, %add3A_134, %lt3A_135 : i32
      %convert_element_type3A_137 = arith.extui %lt3A_136 : i1 to i32
      %cond3A_138 = arith.constant 0 : i32
      %cond3A_139 = arith.cmpi ne, %convert_element_type3A_137, %cond3A_138 : i32
      scf.if %cond3A_139 {
        %ge3A = arith.constant 2 : i32
        %ge3A_154 = arith.cmpi sge, %add3A_134, %ge3A : i32
        %add3A_155 = arith.constant 3 : i32
        %add3A_156 = arith.addi %add3A_134, %add3A_155 : i32
        %lt3A_157 = arith.constant 250 : i32
        %lt3A_158 = arith.cmpi slt, %add3A_156, %lt3A_157 : i32
        %and3A = arith.andi %ge3A_154, %lt3A_158 : i1
        %convert_element_type3A_159 = arith.extui %and3A : i1 to i32
        %cond3A_160 = arith.constant 0 : i32
        %cond3A_161 = arith.cmpi ne, %convert_element_type3A_159, %cond3A_160 : i32
        scf.if %cond3A_161 {
          %sub3A = arith.constant 2 : i32
          %sub3A_191 = arith.subi %add3A_134, %sub3A : i32
          %dma_wait3A_192 = arith.constant 0 : i32
          %dma_wait3A_193 = arith.constant 0 : i32
          %dma_wait3A_194 = arith.constant 0 : i32
          %dma_wait3A_195 = tpu.memref_slice %arg8[%dma_wait3A_192, %dma_wait3A_193, %dma_wait3A_194] : memref<5x40x128xf32, #tpu.memory_space<vmem>> -> memref<1x40x128xf32, #tpu.memory_space<vmem>>
          %dma_wait3A_196 = tpu.memref_squeeze %dma_wait3A_195 : memref<1x40x128xf32, #tpu.memory_space<vmem>> -> memref<40x128xf32, #tpu.memory_space<vmem>>
          %dma_wait3A_197 = arith.constant 0 : i32
          %dma_wait3A_198 = tpu.memref_slice %arg7[%sub3A_191, %dma_wait3A_197] : memref<250x40xi32, #tpu.memory_space<vmem>> -> memref<1x40xi32, #tpu.memory_space<vmem>>
          %dma_wait3A_199 = tpu.memref_squeeze %dma_wait3A_198 : memref<1x40xi32, #tpu.memory_space<vmem>> -> memref<40xi32, #tpu.memory_space<vmem>>
          %dma_wait3A_200 = arith.constant 0 : i32
          %dma_wait3A_201 = arith.constant 0 : i32
          %dma_wait3A_202 = tpu.memref_slice %arg9[%dma_wait3A_200, %dma_wait3A_201] : memref<10000x128xf32, #tpu.memory_space<vmem_shared>> -> memref<10000x128xf32, #tpu.memory_space<vmem_shared>>
          tpu.wait_indirect_dma semaphore(%arg15 : memref<!tpu.dma_semaphore, #tpu.memory_space<semaphore_mem>>) src(%dma_wait3A_196 : memref<40x128xf32, #tpu.memory_space<vmem>>) dst(%dma_wait3A_202 : memref<10000x128xf32, #tpu.memory_space<vmem_shared>>)
        } else {
        }
        %add3A_162 = arith.constant 3 : i32
        %add3A_163 = arith.addi %add3A_134, %add3A_162 : i32
        %lt3A_164 = arith.constant 250 : i32
        %lt3A_165 = arith.cmpi slt, %add3A_163, %lt3A_164 : i32
        %convert_element_type3A_166 = arith.extui %lt3A_165 : i1 to i32
        %cond3A_167 = arith.constant 0 : i32
        %cond3A_168 = arith.cmpi ne, %convert_element_type3A_166, %cond3A_167 : i32
        scf.if %cond3A_168 {
          %add3A_191 = arith.constant 3 : i32
          %add3A_192 = arith.addi %add3A_134, %add3A_191 : i32
          %dma_start3A_193 = arith.constant 0 : i32
          %dma_start3A_194 = arith.constant 0 : i32
          %dma_start3A_195 = arith.constant 0 : i32
          %dma_start3A_196 = tpu.memref_slice %arg8[%dma_start3A_193, %dma_start3A_194, %dma_start3A_195] : memref<5x40x128xf32, #tpu.memory_space<vmem>> -> memref<1x40x128xf32, #tpu.memory_space<vmem>>
          %dma_start3A_197 = tpu.memref_squeeze %dma_start3A_196 : memref<1x40x128xf32, #tpu.memory_space<vmem>> -> memref<40x128xf32, #tpu.memory_space<vmem>>
          %dma_start3A_198 = arith.constant 0 : i32
          %dma_start3A_199 = tpu.memref_slice %arg6[%add3A_192, %dma_start3A_198] : memref<250x40xi32, #tpu.memory_space<vmem>> -> memref<1x40xi32, #tpu.memory_space<vmem>>
          %dma_start3A_200 = tpu.memref_squeeze %dma_start3A_199 : memref<1x40xi32, #tpu.memory_space<vmem>> -> memref<40xi32, #tpu.memory_space<vmem>>
          %dma_start3A_201 = arith.constant 0 : i32
          %dma_start3A_202 = arith.constant 0 : i32
          %dma_start3A_203 = tpu.memref_slice %arg2[%dma_start3A_201, %dma_start3A_202] : memref<10000x128xf32, #tpu.memory_space<hbm>> -> memref<10000x128xf32, #tpu.memory_space<hbm>>
          tpu.enqueue_indirect_dma source(%dma_start3A_203 : memref<10000x128xf32, #tpu.memory_space<hbm>>) target(%dma_start3A_197 : memref<40x128xf32, #tpu.memory_space<vmem>>) offsets(%dma_start3A_200 : memref<40xi32, #tpu.memory_space<vmem>>) semaphore(%arg10 : memref<!tpu.dma_semaphore, #tpu.memory_space<semaphore_mem>>)
        } else {
        }
        %dma_wait3A_169 = arith.constant 2 : i32
        %dma_wait3A_170 = arith.constant 0 : i32
        %dma_wait3A_171 = arith.constant 0 : i32
        %dma_wait3A_172 = tpu.memref_slice %arg8[%dma_wait3A_169, %dma_wait3A_170, %dma_wait3A_171] : memref<5x40x128xf32, #tpu.memory_space<vmem>> -> memref<1x40x128xf32, #tpu.memory_space<vmem>>
        %dma_wait3A_173 = tpu.memref_squeeze %dma_wait3A_172 : memref<1x40x128xf32, #tpu.memory_space<vmem>> -> memref<40x128xf32, #tpu.memory_space<vmem>>
        %dma_wait3A_174 = arith.constant 0 : i32
        %dma_wait3A_175 = tpu.memref_slice %arg6[%add3A_134, %dma_wait3A_174] : memref<250x40xi32, #tpu.memory_space<vmem>> -> memref<1x40xi32, #tpu.memory_space<vmem>>
        %dma_wait3A_176 = tpu.memref_squeeze %dma_wait3A_175 : memref<1x40xi32, #tpu.memory_space<vmem>> -> memref<40xi32, #tpu.memory_space<vmem>>
        %dma_wait3A_177 = arith.constant 0 : i32
        %dma_wait3A_178 = arith.constant 0 : i32
        %dma_wait3A_179 = tpu.memref_slice %arg2[%dma_wait3A_177, %dma_wait3A_178] : memref<10000x128xf32, #tpu.memory_space<hbm>> -> memref<10000x128xf32, #tpu.memory_space<hbm>>
        tpu.wait_indirect_dma semaphore(%arg12 : memref<!tpu.dma_semaphore, #tpu.memory_space<semaphore_mem>>) src(%dma_wait3A_179 : memref<10000x128xf32, #tpu.memory_space<hbm>>) dst(%dma_wait3A_173 : memref<40x128xf32, #tpu.memory_space<vmem>>)
        %dma_start3A_180 = arith.constant 2 : i32
        %dma_start3A_181 = arith.constant 0 : i32
        %dma_start3A_182 = arith.constant 0 : i32
        %dma_start3A_183 = tpu.memref_slice %arg8[%dma_start3A_180, %dma_start3A_181, %dma_start3A_182] : memref<5x40x128xf32, #tpu.memory_space<vmem>> -> memref<1x40x128xf32, #tpu.memory_space<vmem>>
        %dma_start3A_184 = tpu.memref_squeeze %dma_start3A_183 : memref<1x40x128xf32, #tpu.memory_space<vmem>> -> memref<40x128xf32, #tpu.memory_space<vmem>>
        %dma_start3A_185 = arith.constant 0 : i32
        %dma_start3A_186 = tpu.memref_slice %arg7[%add3A_134, %dma_start3A_185] : memref<250x40xi32, #tpu.memory_space<vmem>> -> memref<1x40xi32, #tpu.memory_space<vmem>>
        %dma_start3A_187 = tpu.memref_squeeze %dma_start3A_186 : memref<1x40xi32, #tpu.memory_space<vmem>> -> memref<40xi32, #tpu.memory_space<vmem>>
        %dma_start3A_188 = arith.constant 0 : i32
        %dma_start3A_189 = arith.constant 0 : i32
        %dma_start3A_190 = tpu.memref_slice %arg9[%dma_start3A_188, %dma_start3A_189] : memref<10000x128xf32, #tpu.memory_space<vmem_shared>> -> memref<10000x128xf32, #tpu.memory_space<vmem_shared>>
        tpu.enqueue_indirect_dma source(%dma_start3A_184 : memref<40x128xf32, #tpu.memory_space<vmem>>) target(%dma_start3A_190 : memref<10000x128xf32, #tpu.memory_space<vmem_shared>>) offsets(%dma_start3A_187 : memref<40xi32, #tpu.memory_space<vmem>>) semaphore(%arg17 : memref<!tpu.dma_semaphore, #tpu.memory_space<semaphore_mem>>) {add = true}
      } else {
      }
      %add3A_140 = arith.constant 3 : i32
      %add3A_141 = arith.addi %add3A_121, %add3A_140 : i32
      %lt3A_142 = arith.constant 250 : i32
      %lt3A_143 = arith.cmpi slt, %add3A_141, %lt3A_142 : i32
      %convert_element_type3A_144 = arith.extui %lt3A_143 : i1 to i32
      %cond3A_145 = arith.constant 0 : i32
      %cond3A_146 = arith.cmpi ne, %convert_element_type3A_144, %cond3A_145 : i32
      scf.if %cond3A_146 {
        %ge3A = arith.constant 2 : i32
        %ge3A_154 = arith.cmpi sge, %add3A_141, %ge3A : i32
        %add3A_155 = arith.constant 3 : i32
        %add3A_156 = arith.addi %add3A_141, %add3A_155 : i32
        %lt3A_157 = arith.constant 250 : i32
        %lt3A_158 = arith.cmpi slt, %add3A_156, %lt3A_157 : i32
        %and3A = arith.andi %ge3A_154, %lt3A_158 : i1
        %convert_element_type3A_159 = arith.extui %and3A : i1 to i32
        %cond3A_160 = arith.constant 0 : i32
        %cond3A_161 = arith.cmpi ne, %convert_element_type3A_159, %cond3A_160 : i32
        scf.if %cond3A_161 {
          %sub3A = arith.constant 2 : i32
          %sub3A_191 = arith.subi %add3A_141, %sub3A : i32
          %dma_wait3A_192 = arith.constant 1 : i32
          %dma_wait3A_193 = arith.constant 0 : i32
          %dma_wait3A_194 = arith.constant 0 : i32
          %dma_wait3A_195 = tpu.memref_slice %arg8[%dma_wait3A_192, %dma_wait3A_193, %dma_wait3A_194] : memref<5x40x128xf32, #tpu.memory_space<vmem>> -> memref<1x40x128xf32, #tpu.memory_space<vmem>>
          %dma_wait3A_196 = tpu.memref_squeeze %dma_wait3A_195 : memref<1x40x128xf32, #tpu.memory_space<vmem>> -> memref<40x128xf32, #tpu.memory_space<vmem>>
          %dma_wait3A_197 = arith.constant 0 : i32
          %dma_wait3A_198 = tpu.memref_slice %arg7[%sub3A_191, %dma_wait3A_197] : memref<250x40xi32, #tpu.memory_space<vmem>> -> memref<1x40xi32, #tpu.memory_space<vmem>>
          %dma_wait3A_199 = tpu.memref_squeeze %dma_wait3A_198 : memref<1x40xi32, #tpu.memory_space<vmem>> -> memref<40xi32, #tpu.memory_space<vmem>>
          %dma_wait3A_200 = arith.constant 0 : i32
          %dma_wait3A_201 = arith.constant 0 : i32
          %dma_wait3A_202 = tpu.memref_slice %arg9[%dma_wait3A_200, %dma_wait3A_201] : memref<10000x128xf32, #tpu.memory_space<vmem_shared>> -> memref<10000x128xf32, #tpu.memory_space<vmem_shared>>
          tpu.wait_indirect_dma semaphore(%arg16 : memref<!tpu.dma_semaphore, #tpu.memory_space<semaphore_mem>>) src(%dma_wait3A_196 : memref<40x128xf32, #tpu.memory_space<vmem>>) dst(%dma_wait3A_202 : memref<10000x128xf32, #tpu.memory_space<vmem_shared>>)
        } else {
        }
        %add3A_162 = arith.constant 3 : i32
        %add3A_163 = arith.addi %add3A_141, %add3A_162 : i32
        %lt3A_164 = arith.constant 250 : i32
        %lt3A_165 = arith.cmpi slt, %add3A_163, %lt3A_164 : i32
        %convert_element_type3A_166 = arith.extui %lt3A_165 : i1 to i32
        %cond3A_167 = arith.constant 0 : i32
        %cond3A_168 = arith.cmpi ne, %convert_element_type3A_166, %cond3A_167 : i32
        scf.if %cond3A_168 {
          %add3A_191 = arith.constant 3 : i32
          %add3A_192 = arith.addi %add3A_141, %add3A_191 : i32
          %dma_start3A_193 = arith.constant 1 : i32
          %dma_start3A_194 = arith.constant 0 : i32
          %dma_start3A_195 = arith.constant 0 : i32
          %dma_start3A_196 = tpu.memref_slice %arg8[%dma_start3A_193, %dma_start3A_194, %dma_start3A_195] : memref<5x40x128xf32, #tpu.memory_space<vmem>> -> memref<1x40x128xf32, #tpu.memory_space<vmem>>
          %dma_start3A_197 = tpu.memref_squeeze %dma_start3A_196 : memref<1x40x128xf32, #tpu.memory_space<vmem>> -> memref<40x128xf32, #tpu.memory_space<vmem>>
          %dma_start3A_198 = arith.constant 0 : i32
          %dma_start3A_199 = tpu.memref_slice %arg6[%add3A_192, %dma_start3A_198] : memref<250x40xi32, #tpu.memory_space<vmem>> -> memref<1x40xi32, #tpu.memory_space<vmem>>
          %dma_start3A_200 = tpu.memref_squeeze %dma_start3A_199 : memref<1x40xi32, #tpu.memory_space<vmem>> -> memref<40xi32, #tpu.memory_space<vmem>>
          %dma_start3A_201 = arith.constant 0 : i32
          %dma_start3A_202 = arith.constant 0 : i32
          %dma_start3A_203 = tpu.memref_slice %arg2[%dma_start3A_201, %dma_start3A_202] : memref<10000x128xf32, #tpu.memory_space<hbm>> -> memref<10000x128xf32, #tpu.memory_space<hbm>>
          tpu.enqueue_indirect_dma source(%dma_start3A_203 : memref<10000x128xf32, #tpu.memory_space<hbm>>) target(%dma_start3A_197 : memref<40x128xf32, #tpu.memory_space<vmem>>) offsets(%dma_start3A_200 : memref<40xi32, #tpu.memory_space<vmem>>) semaphore(%arg11 : memref<!tpu.dma_semaphore, #tpu.memory_space<semaphore_mem>>)
        } else {
        }
        %dma_wait3A_169 = arith.constant 3 : i32
        %dma_wait3A_170 = arith.constant 0 : i32
        %dma_wait3A_171 = arith.constant 0 : i32
        %dma_wait3A_172 = tpu.memref_slice %arg8[%dma_wait3A_169, %dma_wait3A_170, %dma_wait3A_171] : memref<5x40x128xf32, #tpu.memory_space<vmem>> -> memref<1x40x128xf32, #tpu.memory_space<vmem>>
        %dma_wait3A_173 = tpu.memref_squeeze %dma_wait3A_172 : memref<1x40x128xf32, #tpu.memory_space<vmem>> -> memref<40x128xf32, #tpu.memory_space<vmem>>
        %dma_wait3A_174 = arith.constant 0 : i32
        %dma_wait3A_175 = tpu.memref_slice %arg6[%add3A_141, %dma_wait3A_174] : memref<250x40xi32, #tpu.memory_space<vmem>> -> memref<1x40xi32, #tpu.memory_space<vmem>>
        %dma_wait3A_176 = tpu.memref_squeeze %dma_wait3A_175 : memref<1x40xi32, #tpu.memory_space<vmem>> -> memref<40xi32, #tpu.memory_space<vmem>>
        %dma_wait3A_177 = arith.constant 0 : i32
        %dma_wait3A_178 = arith.constant 0 : i32
        %dma_wait3A_179 = tpu.memref_slice %arg2[%dma_wait3A_177, %dma_wait3A_178] : memref<10000x128xf32, #tpu.memory_space<hbm>> -> memref<10000x128xf32, #tpu.memory_space<hbm>>
        tpu.wait_indirect_dma semaphore(%arg13 : memref<!tpu.dma_semaphore, #tpu.memory_space<semaphore_mem>>) src(%dma_wait3A_179 : memref<10000x128xf32, #tpu.memory_space<hbm>>) dst(%dma_wait3A_173 : memref<40x128xf32, #tpu.memory_space<vmem>>)
        %dma_start3A_180 = arith.constant 3 : i32
        %dma_start3A_181 = arith.constant 0 : i32
        %dma_start3A_182 = arith.constant 0 : i32
        %dma_start3A_183 = tpu.memref_slice %arg8[%dma_start3A_180, %dma_start3A_181, %dma_start3A_182] : memref<5x40x128xf32, #tpu.memory_space<vmem>> -> memref<1x40x128xf32, #tpu.memory_space<vmem>>
        %dma_start3A_184 = tpu.memref_squeeze %dma_start3A_183 : memref<1x40x128xf32, #tpu.memory_space<vmem>> -> memref<40x128xf32, #tpu.memory_space<vmem>>
        %dma_start3A_185 = arith.constant 0 : i32
        %dma_start3A_186 = tpu.memref_slice %arg7[%add3A_141, %dma_start3A_185] : memref<250x40xi32, #tpu.memory_space<vmem>> -> memref<1x40xi32, #tpu.memory_space<vmem>>
        %dma_start3A_187 = tpu.memref_squeeze %dma_start3A_186 : memref<1x40xi32, #tpu.memory_space<vmem>> -> memref<40xi32, #tpu.memory_space<vmem>>
        %dma_start3A_188 = arith.constant 0 : i32
        %dma_start3A_189 = arith.constant 0 : i32
        %dma_start3A_190 = tpu.memref_slice %arg9[%dma_start3A_188, %dma_start3A_189] : memref<10000x128xf32, #tpu.memory_space<vmem_shared>> -> memref<10000x128xf32, #tpu.memory_space<vmem_shared>>
        tpu.enqueue_indirect_dma source(%dma_start3A_184 : memref<40x128xf32, #tpu.memory_space<vmem>>) target(%dma_start3A_190 : memref<10000x128xf32, #tpu.memory_space<vmem_shared>>) offsets(%dma_start3A_187 : memref<40xi32, #tpu.memory_space<vmem>>) semaphore(%arg18 : memref<!tpu.dma_semaphore, #tpu.memory_space<semaphore_mem>>) {add = true}
      } else {
      }
      %add3A_147 = arith.constant 4 : i32
      %add3A_148 = arith.addi %add3A_121, %add3A_147 : i32
      %lt3A_149 = arith.constant 250 : i32
      %lt3A_150 = arith.cmpi slt, %add3A_148, %lt3A_149 : i32
      %convert_element_type3A_151 = arith.extui %lt3A_150 : i1 to i32
      %cond3A_152 = arith.constant 0 : i32
      %cond3A_153 = arith.cmpi ne, %convert_element_type3A_151, %cond3A_152 : i32
      scf.if %cond3A_153 {
        %ge3A = arith.constant 2 : i32
        %ge3A_154 = arith.cmpi sge, %add3A_148, %ge3A : i32
        %add3A_155 = arith.constant 3 : i32
        %add3A_156 = arith.addi %add3A_148, %add3A_155 : i32
        %lt3A_157 = arith.constant 250 : i32
        %lt3A_158 = arith.cmpi slt, %add3A_156, %lt3A_157 : i32
        %and3A = arith.andi %ge3A_154, %lt3A_158 : i1
        %convert_element_type3A_159 = arith.extui %and3A : i1 to i32
        %cond3A_160 = arith.constant 0 : i32
        %cond3A_161 = arith.cmpi ne, %convert_element_type3A_159, %cond3A_160 : i32
        scf.if %cond3A_161 {
          %sub3A = arith.constant 2 : i32
          %sub3A_191 = arith.subi %add3A_148, %sub3A : i32
          %dma_wait3A_192 = arith.constant 2 : i32
          %dma_wait3A_193 = arith.constant 0 : i32
          %dma_wait3A_194 = arith.constant 0 : i32
          %dma_wait3A_195 = tpu.memref_slice %arg8[%dma_wait3A_192, %dma_wait3A_193, %dma_wait3A_194] : memref<5x40x128xf32, #tpu.memory_space<vmem>> -> memref<1x40x128xf32, #tpu.memory_space<vmem>>
          %dma_wait3A_196 = tpu.memref_squeeze %dma_wait3A_195 : memref<1x40x128xf32, #tpu.memory_space<vmem>> -> memref<40x128xf32, #tpu.memory_space<vmem>>
          %dma_wait3A_197 = arith.constant 0 : i32
          %dma_wait3A_198 = tpu.memref_slice %arg7[%sub3A_191, %dma_wait3A_197] : memref<250x40xi32, #tpu.memory_space<vmem>> -> memref<1x40xi32, #tpu.memory_space<vmem>>
          %dma_wait3A_199 = tpu.memref_squeeze %dma_wait3A_198 : memref<1x40xi32, #tpu.memory_space<vmem>> -> memref<40xi32, #tpu.memory_space<vmem>>
          %dma_wait3A_200 = arith.constant 0 : i32
          %dma_wait3A_201 = arith.constant 0 : i32
          %dma_wait3A_202 = tpu.memref_slice %arg9[%dma_wait3A_200, %dma_wait3A_201] : memref<10000x128xf32, #tpu.memory_space<vmem_shared>> -> memref<10000x128xf32, #tpu.memory_space<vmem_shared>>
          tpu.wait_indirect_dma semaphore(%arg17 : memref<!tpu.dma_semaphore, #tpu.memory_space<semaphore_mem>>) src(%dma_wait3A_196 : memref<40x128xf32, #tpu.memory_space<vmem>>) dst(%dma_wait3A_202 : memref<10000x128xf32, #tpu.memory_space<vmem_shared>>)
        } else {
        }
        %add3A_162 = arith.constant 3 : i32
        %add3A_163 = arith.addi %add3A_148, %add3A_162 : i32
        %lt3A_164 = arith.constant 250 : i32
        %lt3A_165 = arith.cmpi slt, %add3A_163, %lt3A_164 : i32
        %convert_element_type3A_166 = arith.extui %lt3A_165 : i1 to i32
        %cond3A_167 = arith.constant 0 : i32
        %cond3A_168 = arith.cmpi ne, %convert_element_type3A_166, %cond3A_167 : i32
        scf.if %cond3A_168 {
          %add3A_191 = arith.constant 3 : i32
          %add3A_192 = arith.addi %add3A_148, %add3A_191 : i32
          %dma_start3A_193 = arith.constant 2 : i32
          %dma_start3A_194 = arith.constant 0 : i32
          %dma_start3A_195 = arith.constant 0 : i32
          %dma_start3A_196 = tpu.memref_slice %arg8[%dma_start3A_193, %dma_start3A_194, %dma_start3A_195] : memref<5x40x128xf32, #tpu.memory_space<vmem>> -> memref<1x40x128xf32, #tpu.memory_space<vmem>>
          %dma_start3A_197 = tpu.memref_squeeze %dma_start3A_196 : memref<1x40x128xf32, #tpu.memory_space<vmem>> -> memref<40x128xf32, #tpu.memory_space<vmem>>
          %dma_start3A_198 = arith.constant 0 : i32
          %dma_start3A_199 = tpu.memref_slice %arg6[%add3A_192, %dma_start3A_198] : memref<250x40xi32, #tpu.memory_space<vmem>> -> memref<1x40xi32, #tpu.memory_space<vmem>>
          %dma_start3A_200 = tpu.memref_squeeze %dma_start3A_199 : memref<1x40xi32, #tpu.memory_space<vmem>> -> memref<40xi32, #tpu.memory_space<vmem>>
          %dma_start3A_201 = arith.constant 0 : i32
          %dma_start3A_202 = arith.constant 0 : i32
          %dma_start3A_203 = tpu.memref_slice %arg2[%dma_start3A_201, %dma_start3A_202] : memref<10000x128xf32, #tpu.memory_space<hbm>> -> memref<10000x128xf32, #tpu.memory_space<hbm>>
          tpu.enqueue_indirect_dma source(%dma_start3A_203 : memref<10000x128xf32, #tpu.memory_space<hbm>>) target(%dma_start3A_197 : memref<40x128xf32, #tpu.memory_space<vmem>>) offsets(%dma_start3A_200 : memref<40xi32, #tpu.memory_space<vmem>>) semaphore(%arg12 : memref<!tpu.dma_semaphore, #tpu.memory_space<semaphore_mem>>)
        } else {
        }
        %dma_wait3A_169 = arith.constant 4 : i32
        %dma_wait3A_170 = arith.constant 0 : i32
        %dma_wait3A_171 = arith.constant 0 : i32
        %dma_wait3A_172 = tpu.memref_slice %arg8[%dma_wait3A_169, %dma_wait3A_170, %dma_wait3A_171] : memref<5x40x128xf32, #tpu.memory_space<vmem>> -> memref<1x40x128xf32, #tpu.memory_space<vmem>>
        %dma_wait3A_173 = tpu.memref_squeeze %dma_wait3A_172 : memref<1x40x128xf32, #tpu.memory_space<vmem>> -> memref<40x128xf32, #tpu.memory_space<vmem>>
        %dma_wait3A_174 = arith.constant 0 : i32
        %dma_wait3A_175 = tpu.memref_slice %arg6[%add3A_148, %dma_wait3A_174] : memref<250x40xi32, #tpu.memory_space<vmem>> -> memref<1x40xi32, #tpu.memory_space<vmem>>
        %dma_wait3A_176 = tpu.memref_squeeze %dma_wait3A_175 : memref<1x40xi32, #tpu.memory_space<vmem>> -> memref<40xi32, #tpu.memory_space<vmem>>
        %dma_wait3A_177 = arith.constant 0 : i32
        %dma_wait3A_178 = arith.constant 0 : i32
        %dma_wait3A_179 = tpu.memref_slice %arg2[%dma_wait3A_177, %dma_wait3A_178] : memref<10000x128xf32, #tpu.memory_space<hbm>> -> memref<10000x128xf32, #tpu.memory_space<hbm>>
        tpu.wait_indirect_dma semaphore(%arg14 : memref<!tpu.dma_semaphore, #tpu.memory_space<semaphore_mem>>) src(%dma_wait3A_179 : memref<10000x128xf32, #tpu.memory_space<hbm>>) dst(%dma_wait3A_173 : memref<40x128xf32, #tpu.memory_space<vmem>>)
        %dma_start3A_180 = arith.constant 4 : i32
        %dma_start3A_181 = arith.constant 0 : i32
        %dma_start3A_182 = arith.constant 0 : i32
        %dma_start3A_183 = tpu.memref_slice %arg8[%dma_start3A_180, %dma_start3A_181, %dma_start3A_182] : memref<5x40x128xf32, #tpu.memory_space<vmem>> -> memref<1x40x128xf32, #tpu.memory_space<vmem>>
        %dma_start3A_184 = tpu.memref_squeeze %dma_start3A_183 : memref<1x40x128xf32, #tpu.memory_space<vmem>> -> memref<40x128xf32, #tpu.memory_space<vmem>>
        %dma_start3A_185 = arith.constant 0 : i32
        %dma_start3A_186 = tpu.memref_slice %arg7[%add3A_148, %dma_start3A_185] : memref<250x40xi32, #tpu.memory_space<vmem>> -> memref<1x40xi32, #tpu.memory_space<vmem>>
        %dma_start3A_187 = tpu.memref_squeeze %dma_start3A_186 : memref<1x40xi32, #tpu.memory_space<vmem>> -> memref<40xi32, #tpu.memory_space<vmem>>
        %dma_start3A_188 = arith.constant 0 : i32
        %dma_start3A_189 = arith.constant 0 : i32
        %dma_start3A_190 = tpu.memref_slice %arg9[%dma_start3A_188, %dma_start3A_189] : memref<10000x128xf32, #tpu.memory_space<vmem_shared>> -> memref<10000x128xf32, #tpu.memory_space<vmem_shared>>
        tpu.enqueue_indirect_dma source(%dma_start3A_184 : memref<40x128xf32, #tpu.memory_space<vmem>>) target(%dma_start3A_190 : memref<10000x128xf32, #tpu.memory_space<vmem_shared>>) offsets(%dma_start3A_187 : memref<40xi32, #tpu.memory_space<vmem>>) semaphore(%arg19 : memref<!tpu.dma_semaphore, #tpu.memory_space<semaphore_mem>>) {add = true}
      } else {
      }
    }
    %scan3A_52 = arith.constant 50 : i32
    %dma_wait3A = arith.constant 0 : i32
    %dma_wait3A_53 = arith.constant 245 : i32
    %dma_wait3A_54 = arith.constant 0 : i32
    %dma_wait3A_55 = arith.constant 0 : i32
    %dma_wait3A_56 = tpu.memref_slice %arg8[%dma_wait3A, %dma_wait3A_54, %dma_wait3A_55] : memref<5x40x128xf32, #tpu.memory_space<vmem>> -> memref<1x40x128xf32, #tpu.memory_space<vmem>>
    %dma_wait3A_57 = tpu.memref_squeeze %dma_wait3A_56 : memref<1x40x128xf32, #tpu.memory_space<vmem>> -> memref<40x128xf32, #tpu.memory_space<vmem>>
    %dma_wait3A_58 = arith.constant 0 : i32
    %dma_wait3A_59 = tpu.memref_slice %arg7[%dma_wait3A_53, %dma_wait3A_58] : memref<250x40xi32, #tpu.memory_space<vmem>> -> memref<1x40xi32, #tpu.memory_space<vmem>>
    %dma_wait3A_60 = tpu.memref_squeeze %dma_wait3A_59 : memref<1x40xi32, #tpu.memory_space<vmem>> -> memref<40xi32, #tpu.memory_space<vmem>>
    %dma_wait3A_61 = arith.constant 0 : i32
    %dma_wait3A_62 = arith.constant 0 : i32
    %dma_wait3A_63 = tpu.memref_slice %arg9[%dma_wait3A_61, %dma_wait3A_62] : memref<10000x128xf32, #tpu.memory_space<vmem_shared>> -> memref<10000x128xf32, #tpu.memory_space<vmem_shared>>
    tpu.wait_indirect_dma semaphore(%arg15 : memref<!tpu.dma_semaphore, #tpu.memory_space<semaphore_mem>>) src(%dma_wait3A_57 : memref<40x128xf32, #tpu.memory_space<vmem>>) dst(%dma_wait3A_63 : memref<10000x128xf32, #tpu.memory_space<vmem_shared>>)
    %dma_wait3A_64 = arith.constant 1 : i32
    %dma_wait3A_65 = arith.constant 246 : i32
    %dma_wait3A_66 = arith.constant 0 : i32
    %dma_wait3A_67 = arith.constant 0 : i32
    %dma_wait3A_68 = tpu.memref_slice %arg8[%dma_wait3A_64, %dma_wait3A_66, %dma_wait3A_67] : memref<5x40x128xf32, #tpu.memory_space<vmem>> -> memref<1x40x128xf32, #tpu.memory_space<vmem>>
    %dma_wait3A_69 = tpu.memref_squeeze %dma_wait3A_68 : memref<1x40x128xf32, #tpu.memory_space<vmem>> -> memref<40x128xf32, #tpu.memory_space<vmem>>
    %dma_wait3A_70 = arith.constant 0 : i32
    %dma_wait3A_71 = tpu.memref_slice %arg7[%dma_wait3A_65, %dma_wait3A_70] : memref<250x40xi32, #tpu.memory_space<vmem>> -> memref<1x40xi32, #tpu.memory_space<vmem>>
    %dma_wait3A_72 = tpu.memref_squeeze %dma_wait3A_71 : memref<1x40xi32, #tpu.memory_space<vmem>> -> memref<40xi32, #tpu.memory_space<vmem>>
    %dma_wait3A_73 = arith.constant 0 : i32
    %dma_wait3A_74 = arith.constant 0 : i32
    %dma_wait3A_75 = tpu.memref_slice %arg9[%dma_wait3A_73, %dma_wait3A_74] : memref<10000x128xf32, #tpu.memory_space<vmem_shared>> -> memref<10000x128xf32, #tpu.memory_space<vmem_shared>>
    tpu.wait_indirect_dma semaphore(%arg16 : memref<!tpu.dma_semaphore, #tpu.memory_space<semaphore_mem>>) src(%dma_wait3A_69 : memref<40x128xf32, #tpu.memory_space<vmem>>) dst(%dma_wait3A_75 : memref<10000x128xf32, #tpu.memory_space<vmem_shared>>)
    %dma_wait3A_76 = arith.constant 2 : i32
    %dma_wait3A_77 = arith.constant 247 : i32
    %dma_wait3A_78 = arith.constant 0 : i32
    %dma_wait3A_79 = arith.constant 0 : i32
    %dma_wait3A_80 = tpu.memref_slice %arg8[%dma_wait3A_76, %dma_wait3A_78, %dma_wait3A_79] : memref<5x40x128xf32, #tpu.memory_space<vmem>> -> memref<1x40x128xf32, #tpu.memory_space<vmem>>
    %dma_wait3A_81 = tpu.memref_squeeze %dma_wait3A_80 : memref<1x40x128xf32, #tpu.memory_space<vmem>> -> memref<40x128xf32, #tpu.memory_space<vmem>>
    %dma_wait3A_82 = arith.constant 0 : i32
    %dma_wait3A_83 = tpu.memref_slice %arg7[%dma_wait3A_77, %dma_wait3A_82] : memref<250x40xi32, #tpu.memory_space<vmem>> -> memref<1x40xi32, #tpu.memory_space<vmem>>
    %dma_wait3A_84 = tpu.memref_squeeze %dma_wait3A_83 : memref<1x40xi32, #tpu.memory_space<vmem>> -> memref<40xi32, #tpu.memory_space<vmem>>
    %dma_wait3A_85 = arith.constant 0 : i32
    %dma_wait3A_86 = arith.constant 0 : i32
    %dma_wait3A_87 = tpu.memref_slice %arg9[%dma_wait3A_85, %dma_wait3A_86] : memref<10000x128xf32, #tpu.memory_space<vmem_shared>> -> memref<10000x128xf32, #tpu.memory_space<vmem_shared>>
    tpu.wait_indirect_dma semaphore(%arg17 : memref<!tpu.dma_semaphore, #tpu.memory_space<semaphore_mem>>) src(%dma_wait3A_81 : memref<40x128xf32, #tpu.memory_space<vmem>>) dst(%dma_wait3A_87 : memref<10000x128xf32, #tpu.memory_space<vmem_shared>>)
    %dma_wait3A_88 = arith.constant 3 : i32
    %dma_wait3A_89 = arith.constant 248 : i32
    %dma_wait3A_90 = arith.constant 0 : i32
    %dma_wait3A_91 = arith.constant 0 : i32
    %dma_wait3A_92 = tpu.memref_slice %arg8[%dma_wait3A_88, %dma_wait3A_90, %dma_wait3A_91] : memref<5x40x128xf32, #tpu.memory_space<vmem>> -> memref<1x40x128xf32, #tpu.memory_space<vmem>>
    %dma_wait3A_93 = tpu.memref_squeeze %dma_wait3A_92 : memref<1x40x128xf32, #tpu.memory_space<vmem>> -> memref<40x128xf32, #tpu.memory_space<vmem>>
    %dma_wait3A_94 = arith.constant 0 : i32
    %dma_wait3A_95 = tpu.memref_slice %arg7[%dma_wait3A_89, %dma_wait3A_94] : memref<250x40xi32, #tpu.memory_space<vmem>> -> memref<1x40xi32, #tpu.memory_space<vmem>>
    %dma_wait3A_96 = tpu.memref_squeeze %dma_wait3A_95 : memref<1x40xi32, #tpu.memory_space<vmem>> -> memref<40xi32, #tpu.memory_space<vmem>>
    %dma_wait3A_97 = arith.constant 0 : i32
    %dma_wait3A_98 = arith.constant 0 : i32
    %dma_wait3A_99 = tpu.memref_slice %arg9[%dma_wait3A_97, %dma_wait3A_98] : memref<10000x128xf32, #tpu.memory_space<vmem_shared>> -> memref<10000x128xf32, #tpu.memory_space<vmem_shared>>
    tpu.wait_indirect_dma semaphore(%arg18 : memref<!tpu.dma_semaphore, #tpu.memory_space<semaphore_mem>>) src(%dma_wait3A_93 : memref<40x128xf32, #tpu.memory_space<vmem>>) dst(%dma_wait3A_99 : memref<10000x128xf32, #tpu.memory_space<vmem_shared>>)
    %dma_wait3A_100 = arith.constant 4 : i32
    %dma_wait3A_101 = arith.constant 249 : i32
    %dma_wait3A_102 = arith.constant 0 : i32
    %dma_wait3A_103 = arith.constant 0 : i32
    %dma_wait3A_104 = tpu.memref_slice %arg8[%dma_wait3A_100, %dma_wait3A_102, %dma_wait3A_103] : memref<5x40x128xf32, #tpu.memory_space<vmem>> -> memref<1x40x128xf32, #tpu.memory_space<vmem>>
    %dma_wait3A_105 = tpu.memref_squeeze %dma_wait3A_104 : memref<1x40x128xf32, #tpu.memory_space<vmem>> -> memref<40x128xf32, #tpu.memory_space<vmem>>
    %dma_wait3A_106 = arith.constant 0 : i32
    %dma_wait3A_107 = tpu.memref_slice %arg7[%dma_wait3A_101, %dma_wait3A_106] : memref<250x40xi32, #tpu.memory_space<vmem>> -> memref<1x40xi32, #tpu.memory_space<vmem>>
    %dma_wait3A_108 = tpu.memref_squeeze %dma_wait3A_107 : memref<1x40xi32, #tpu.memory_space<vmem>> -> memref<40xi32, #tpu.memory_space<vmem>>
    %dma_wait3A_109 = arith.constant 0 : i32
    %dma_wait3A_110 = arith.constant 0 : i32
    %dma_wait3A_111 = tpu.memref_slice %arg9[%dma_wait3A_109, %dma_wait3A_110] : memref<10000x128xf32, #tpu.memory_space<vmem_shared>> -> memref<10000x128xf32, #tpu.memory_space<vmem_shared>>
    tpu.wait_indirect_dma semaphore(%arg19 : memref<!tpu.dma_semaphore, #tpu.memory_space<semaphore_mem>>) src(%dma_wait3A_105 : memref<40x128xf32, #tpu.memory_space<vmem>>) dst(%dma_wait3A_111 : memref<10000x128xf32, #tpu.memory_space<vmem_shared>>)
    %barrier3A_112 = arith.constant 0 : index
    tpu.barrier barrier_id(%barrier3A_112)
    %mul3A_113 = arith.constant 625 : i32
    %mul3A_114 = arith.muli %arg1, %mul3A_113 : i32
    %mul3A_115 = arith.constant 625 : i32
    %mul3A_116 = arith.muli %arg1, %mul3A_115 : i32
    "tpu.region"() ({
      %run_scoped3A = tpu.sem_alloc : memref<!tpu.dma_semaphore, #tpu.memory_space<semaphore_mem>>
      %dma_start3A_117 = arith.constant 0 : i32
      %dma_start3A_118 = tpu.memref_slice %arg5[%arg0, %mul3A_116, %dma_start3A_117] : memref<2x10000x128xf32, #tpu.memory_space<hbm>> -> memref<1x625x128xf32, #tpu.memory_space<hbm>>
      %dma_start3A_119 = tpu.memref_squeeze %dma_start3A_118 : memref<1x625x128xf32, #tpu.memory_space<hbm>> -> memref<625x128xf32, #tpu.memory_space<hbm>>
      %dma_start3A_120 = arith.constant 0 : i32
      %dma_start3A_121 = tpu.memref_slice %arg9[%mul3A_114, %dma_start3A_120] : memref<10000x128xf32, #tpu.memory_space<vmem_shared>> -> memref<625x128xf32, #tpu.memory_space<vmem_shared>>
      tpu.enqueue_dma source(%dma_start3A_121 : memref<625x128xf32, #tpu.memory_space<vmem_shared>>) target(%dma_start3A_119 : memref<625x128xf32, #tpu.memory_space<hbm>>) target_semaphore(%run_scoped3A : memref<!tpu.dma_semaphore, #tpu.memory_space<semaphore_mem>>)
      %dma_wait3A_122 = arith.constant 0 : i32
      %dma_wait3A_123 = tpu.memref_slice %arg5[%arg0, %mul3A_116, %dma_wait3A_122] : memref<2x10000x128xf32, #tpu.memory_space<hbm>> -> memref<1x625x128xf32, #tpu.memory_space<hbm>>
      %dma_wait3A_124 = tpu.memref_squeeze %dma_wait3A_123 : memref<1x625x128xf32, #tpu.memory_space<hbm>> -> memref<625x128xf32, #tpu.memory_space<hbm>>
      %dma_wait3A_125 = arith.constant 0 : i32
      %dma_wait3A_126 = tpu.memref_slice %arg9[%mul3A_114, %dma_wait3A_125] : memref<10000x128xf32, #tpu.memory_space<vmem_shared>> -> memref<625x128xf32, #tpu.memory_space<vmem_shared>>
      tpu.wait_dma2 semaphore(%run_scoped3A : memref<!tpu.dma_semaphore, #tpu.memory_space<semaphore_mem>>) src(%dma_wait3A_126 : memref<625x128xf32, #tpu.memory_space<vmem_shared>>) dst(%dma_wait3A_124 : memref<625x128xf32, #tpu.memory_space<hbm>>)
      tpu.yield
    }) : () -> ()
    return
  }
}

#map = affine_map<(d0, d1) -> (0, 0)>
#map1 = affine_map<(d0, d1) -> (0, 0, 0)>
module attributes {stable_mosaic.version = 14 : i64} {
  func.func @sage_sc_deg(%arg0: i32, %arg1: i32, %arg2: memref<10000x128xf32, #tpu.memory_space<hbm>>, %arg3: memref<32x250x40xi32, #tpu.memory_space<hbm>>, %arg4: memref<32x250x40xi32, #tpu.memory_space<hbm>>, %arg5: memref<2x10000x128xf32, #tpu.memory_space<hbm>>, %arg6: memref<25x32x400xf32, #tpu.memory_space<hbm>>, %arg7: memref<250x40xi32, #tpu.memory_space<vmem>>, %arg8: memref<250x40xi32, #tpu.memory_space<vmem>>, %arg9: memref<4x40x128xf32, #tpu.memory_space<vmem>>, %arg10: memref<10000xf32, #tpu.memory_space<vmem>>, %arg11: memref<10000x128xf32, #tpu.memory_space<vmem_shared>>, %arg12: memref<!tpu.dma_semaphore, #tpu.memory_space<semaphore_mem>>, %arg13: memref<!tpu.dma_semaphore, #tpu.memory_space<semaphore_mem>>, %arg14: memref<!tpu.dma_semaphore, #tpu.memory_space<semaphore_mem>>, %arg15: memref<!tpu.dma_semaphore, #tpu.memory_space<semaphore_mem>>, %arg16: memref<!tpu.dma_semaphore, #tpu.memory_space<semaphore_mem>>, %arg17: memref<!tpu.dma_semaphore, #tpu.memory_space<semaphore_mem>>, %arg18: memref<!tpu.dma_semaphore, #tpu.memory_space<semaphore_mem>>, %arg19: memref<!tpu.dma_semaphore, #tpu.memory_space<semaphore_mem>>) attributes {dimension_semantics = [#tpu.dimension_semantics<core_parallel>, #tpu.dimension_semantics<subcore_parallel>], iteration_bounds = array<i64: 2, 16>, scalar_prefetch = 0 : i64, scratch_operands = 13 : i64, tpu.core_type = #tpu.core_type<sc_vector_subcore>, window_params = [{transform_indices = #map}, {transform_indices = #map1}, {transform_indices = #map1}, {transform_indices = #map1}, {transform_indices = #map1}]} {
    %mul3A = arith.constant 16 : i32
    %mul3A_0 = arith.muli %arg0, %mul3A : i32
    %add3A = arith.addi %mul3A_0, %arg1 : i32
    %broadcast_in_dim3A = arith.constant 0.000000e+00 : f32
    %broadcast_in_dim3A_1 = vector.broadcast %broadcast_in_dim3A : f32 to vector<16xf32>
    %scan3A = arith.constant 0 : i32
    %scan3A_2 = arith.constant 160 : i32
    %scan3A_3 = arith.addi %scan3A, %scan3A_2 : i32
    %scan3A_4 = arith.constant 1 : i32
    scf.for %scan3A_103 = %scan3A to %scan3A_3 step %scan3A_4  : i32 {
      %mul3A_104 = arith.constant 1 : i32
      %mul3A_105 = arith.muli %scan3A_103, %mul3A_104 : i32
      %add3A_106 = arith.constant 0 : i32
      %add3A_107 = arith.addi %add3A_106, %mul3A_105 : i32
      %scan3A_108 = arith.constant 0 : i32
      %scan3A_109 = arith.constant 8 : i32
      %scan3A_110 = arith.addi %scan3A_108, %scan3A_109 : i32
      %scan3A_111 = arith.constant 1 : i32
      scf.for %scan3A_113 = %scan3A_108 to %scan3A_110 step %scan3A_111  : i32 {
        %mul3A_114 = arith.constant 1 : i32
        %mul3A_115 = arith.muli %scan3A_113, %mul3A_114 : i32
        %add3A_116 = arith.constant 0 : i32
        %add3A_117 = arith.addi %add3A_116, %mul3A_115 : i32
        %jit3A = arith.constant 40 : i32
        %div3A = arith.divsi %add3A_107, %jit3A : i32
        %sign3A = arith.constant 0 : i32
        %sign3A_118 = arith.cmpi sgt, %add3A_107, %sign3A : i32
        %sign3A_119 = arith.extui %sign3A_118 : i1 to i32
        %sign3A_120 = arith.constant 0 : i32
        %sign3A_121 = arith.cmpi slt, %add3A_107, %sign3A_120 : i32
        %sign3A_122 = arith.extui %sign3A_121 : i1 to i32
        %sign3A_123 = arith.subi %sign3A_119, %sign3A_122 : i32
        %sign3A_124 = arith.constant 0 : i32
        %sign3A_125 = arith.cmpi sgt, %jit3A, %sign3A_124 : i32
        %sign3A_126 = arith.extui %sign3A_125 : i1 to i32
        %sign3A_127 = arith.constant 0 : i32
        %sign3A_128 = arith.cmpi slt, %jit3A, %sign3A_127 : i32
        %sign3A_129 = arith.extui %sign3A_128 : i1 to i32
        %sign3A_130 = arith.subi %sign3A_126, %sign3A_129 : i32
        %ne3A = arith.cmpi ne, %sign3A_123, %sign3A_130 : i32
        %rem3A = arith.remsi %add3A_107, %jit3A : i32
        %ne3A_131 = arith.constant 0 : i32
        %ne3A_132 = arith.cmpi ne, %rem3A, %ne3A_131 : i32
        %and3A = arith.andi %ne3A, %ne3A_132 : i1
        %sub3A = arith.constant 1 : i32
        %sub3A_133 = arith.subi %div3A, %sub3A : i32
        %select_n3A = arith.select %and3A, %sub3A_133, %div3A : i32
        %jit3A_134 = arith.constant 40 : i32
        %eq3A = arith.constant 0 : i32
        %eq3A_135 = arith.cmpi eq, %jit3A_134, %eq3A : i32
        %jit3A_136 = arith.constant 1 : i32
        %select_n3A_137 = arith.select %eq3A_135, %jit3A_136, %jit3A_134 : i32
        %rem3A_138 = arith.remsi %add3A_107, %select_n3A_137 : i32
        %ne3A_139 = arith.constant 0 : i32
        %ne3A_140 = arith.cmpi ne, %rem3A_138, %ne3A_139 : i32
        %lt3A = arith.constant 0 : i32
        %lt3A_141 = arith.cmpi slt, %rem3A_138, %lt3A : i32
        %lt3A_142 = arith.constant 0 : i32
        %lt3A_143 = arith.cmpi slt, %select_n3A_137, %lt3A_142 : i32
        %ne3A_144 = arith.xori %lt3A_141, %lt3A_143 : i1
        %and3A_145 = arith.andi %ne3A_144, %ne3A_140 : i1
        %add3A_146 = arith.addi %rem3A_138, %select_n3A_137 : i32
        %select_n3A_147 = arith.select %and3A_145, %add3A_146, %rem3A_138 : i32
        %mul3A_148 = arith.constant 16 : i32
        %mul3A_149 = arith.muli %add3A_117, %mul3A_148 : i32
        %swap3A = arith.index_cast %select_n3A : i32 to index
        %swap3A_150 = arith.index_cast %select_n3A_147 : i32 to index
        %swap3A_151 = arith.index_cast %mul3A_149 : i32 to index
        %swap3A_152 = tpu.vector_load %arg9[%swap3A, %swap3A_150, %swap3A_151] {strides = array<i32>} : memref<4x40x128xf32, #tpu.memory_space<vmem>>, vector<16xf32>,
        tpu.vector_store %arg9[%swap3A, %swap3A_150, %swap3A_151], %broadcast_in_dim3A_1 {strides = array<i32>} : memref<4x40x128xf32, #tpu.memory_space<vmem>>, vector<16xf32>,
      }
      %scan3A_112 = arith.constant 8 : i32
    }
    %scan3A_5 = arith.constant 160 : i32
    %scan3A_6 = arith.constant 0 : i32
    %scan3A_7 = arith.constant 25 : i32
    %scan3A_8 = arith.addi %scan3A_6, %scan3A_7 : i32
    %scan3A_9 = arith.constant 1 : i32
    scf.for %scan3A_103 = %scan3A_6 to %scan3A_8 step %scan3A_9  : i32 {
      %mul3A_104 = arith.constant 1 : i32
      %mul3A_105 = arith.muli %scan3A_103, %mul3A_104 : i32
      %add3A_106 = arith.constant 0 : i32
      %add3A_107 = arith.addi %add3A_106, %mul3A_105 : i32
      %mul3A_108 = arith.constant 625 : i32
      %mul3A_109 = arith.muli %arg1, %mul3A_108 : i32
      %mul3A_110 = arith.constant 25 : i32
      %mul3A_111 = arith.muli %add3A_107, %mul3A_110 : i32
      %add3A_112 = arith.addi %mul3A_109, %mul3A_111 : i32
      %run_scoped3A = arith.constant 0 : i32
      "tpu.region"() ({
        %run_scoped3A_113 = tpu.sem_alloc : memref<!tpu.dma_semaphore, #tpu.memory_space<semaphore_mem>>
        %dma_start3A_114 = arith.constant 0 : i32
        %dma_start3A_115 = arith.constant 0 : i32
        %dma_start3A_116 = tpu.memref_slice %arg9[%run_scoped3A, %dma_start3A_114, %dma_start3A_115] : memref<4x40x128xf32, #tpu.memory_space<vmem>> -> memref<1x25x128xf32, #tpu.memory_space<vmem>>
        %dma_start3A_117 = tpu.memref_squeeze %dma_start3A_116 : memref<1x25x128xf32, #tpu.memory_space<vmem>> -> memref<25x128xf32, #tpu.memory_space<vmem>>
        %dma_start3A_118 = arith.constant 0 : i32
        %dma_start3A_119 = tpu.memref_slice %arg11[%add3A_112, %dma_start3A_118] : memref<10000x128xf32, #tpu.memory_space<vmem_shared>> -> memref<25x128xf32, #tpu.memory_space<vmem_shared>>
        %dma_start3A_120 = arith.constant 0 : i32
        %dma_start3A_121 = tpu.memref_slice %arg11[%add3A_112, %dma_start3A_120] : memref<10000x128xf32, #tpu.memory_space<vmem_shared>> -> memref<25x128xf32, #tpu.memory_space<vmem_shared>>
        %dma_start3A_122 = arith.constant 0 : i32
        %dma_start3A_123 = arith.constant 0 : i32
        %dma_start3A_124 = tpu.memref_slice %arg9[%run_scoped3A, %dma_start3A_122, %dma_start3A_123] : memref<4x40x128xf32, #tpu.memory_space<vmem>> -> memref<1x25x128xf32, #tpu.memory_space<vmem>>
        %dma_start3A_125 = tpu.memref_squeeze %dma_start3A_124 : memref<1x25x128xf32, #tpu.memory_space<vmem>> -> memref<25x128xf32, #tpu.memory_space<vmem>>
        tpu.enqueue_dma source(%dma_start3A_125 : memref<25x128xf32, #tpu.memory_space<vmem>>) target(%dma_start3A_121 : memref<25x128xf32, #tpu.memory_space<vmem_shared>>) target_semaphore(%run_scoped3A_113 : memref<!tpu.dma_semaphore, #tpu.memory_space<semaphore_mem>>)
        %dma_wait3A_126 = arith.constant 0 : i32
        %dma_wait3A_127 = arith.constant 0 : i32
        %dma_wait3A_128 = tpu.memref_slice %arg9[%run_scoped3A, %dma_wait3A_126, %dma_wait3A_127] : memref<4x40x128xf32, #tpu.memory_space<vmem>> -> memref<1x25x128xf32, #tpu.memory_space<vmem>>
        %dma_wait3A_129 = tpu.memref_squeeze %dma_wait3A_128 : memref<1x25x128xf32, #tpu.memory_space<vmem>> -> memref<25x128xf32, #tpu.memory_space<vmem>>
        %dma_wait3A_130 = arith.constant 0 : i32
        %dma_wait3A_131 = tpu.memref_slice %arg11[%add3A_112, %dma_wait3A_130] : memref<10000x128xf32, #tpu.memory_space<vmem_shared>> -> memref<25x128xf32, #tpu.memory_space<vmem_shared>>
        %dma_wait3A_132 = arith.constant 0 : i32
        %dma_wait3A_133 = tpu.memref_slice %arg11[%add3A_112, %dma_wait3A_132] : memref<10000x128xf32, #tpu.memory_space<vmem_shared>> -> memref<25x128xf32, #tpu.memory_space<vmem_shared>>
        %dma_wait3A_134 = arith.constant 0 : i32
        %dma_wait3A_135 = arith.constant 0 : i32
        %dma_wait3A_136 = tpu.memref_slice %arg9[%run_scoped3A, %dma_wait3A_134, %dma_wait3A_135] : memref<4x40x128xf32, #tpu.memory_space<vmem>> -> memref<1x25x128xf32, #tpu.memory_space<vmem>>
        %dma_wait3A_137 = tpu.memref_squeeze %dma_wait3A_136 : memref<1x25x128xf32, #tpu.memory_space<vmem>> -> memref<25x128xf32, #tpu.memory_space<vmem>>
        tpu.wait_dma2 semaphore(%run_scoped3A_113 : memref<!tpu.dma_semaphore, #tpu.memory_space<semaphore_mem>>) src(%dma_wait3A_137 : memref<25x128xf32, #tpu.memory_space<vmem>>) dst(%dma_wait3A_133 : memref<25x128xf32, #tpu.memory_space<vmem_shared>>)
        tpu.yield
      }) : () -> ()
    }
    %scan3A_10 = arith.constant 25 : i32
    %scan3A_11 = arith.constant 0 : i32
    %scan3A_12 = arith.constant 625 : i32
    %scan3A_13 = arith.addi %scan3A_11, %scan3A_12 : i32
    %scan3A_14 = arith.constant 1 : i32
    scf.for %scan3A_103 = %scan3A_11 to %scan3A_13 step %scan3A_14  : i32 {
      %mul3A_104 = arith.constant 1 : i32
      %mul3A_105 = arith.muli %scan3A_103, %mul3A_104 : i32
      %add3A_106 = arith.constant 0 : i32
      %add3A_107 = arith.addi %add3A_106, %mul3A_105 : i32
      %mul3A_108 = arith.constant 16 : i32
      %mul3A_109 = arith.muli %add3A_107, %mul3A_108 : i32
      %swap3A = arith.index_cast %mul3A_109 : i32 to index
      %swap3A_110 = tpu.vector_load %arg10[%swap3A] {strides = array<i32>} : memref<10000xf32, #tpu.memory_space<vmem>>, vector<16xf32>,
      tpu.vector_store %arg10[%swap3A], %broadcast_in_dim3A_1 {strides = array<i32>} : memref<10000xf32, #tpu.memory_space<vmem>>, vector<16xf32>,
    }
    %scan3A_15 = arith.constant 625 : i32
    "tpu.region"() ({
      %run_scoped3A = tpu.sem_alloc : memref<!tpu.dma_semaphore, #tpu.memory_space<semaphore_mem>>
      %dma_start3A_103 = arith.constant 0 : i32
      %dma_start3A_104 = arith.constant 0 : i32
      %dma_start3A_105 = tpu.memref_slice %arg3[%add3A, %dma_start3A_103, %dma_start3A_104] : memref<32x250x40xi32, #tpu.memory_space<hbm>> -> memref<1x250x40xi32, #tpu.memory_space<hbm>>
      %dma_start3A_106 = tpu.memref_squeeze %dma_start3A_105 : memref<1x250x40xi32, #tpu.memory_space<hbm>> -> memref<250x40xi32, #tpu.memory_space<hbm>>
      %dma_start3A_107 = arith.constant 0 : i32
      %dma_start3A_108 = arith.constant 0 : i32
      %dma_start3A_109 = tpu.memref_slice %arg3[%add3A, %dma_start3A_107, %dma_start3A_108] : memref<32x250x40xi32, #tpu.memory_space<hbm>> -> memref<1x250x40xi32, #tpu.memory_space<hbm>>
      %dma_start3A_110 = tpu.memref_squeeze %dma_start3A_109 : memref<1x250x40xi32, #tpu.memory_space<hbm>> -> memref<250x40xi32, #tpu.memory_space<hbm>>
      tpu.enqueue_dma source(%dma_start3A_110 : memref<250x40xi32, #tpu.memory_space<hbm>>) target(%arg7 : memref<250x40xi32, #tpu.memory_space<vmem>>) target_semaphore(%run_scoped3A : memref<!tpu.dma_semaphore, #tpu.memory_space<semaphore_mem>>)
      %dma_wait3A_111 = arith.constant 0 : i32
      %dma_wait3A_112 = arith.constant 0 : i32
      %dma_wait3A_113 = tpu.memref_slice %arg3[%add3A, %dma_wait3A_111, %dma_wait3A_112] : memref<32x250x40xi32, #tpu.memory_space<hbm>> -> memref<1x250x40xi32, #tpu.memory_space<hbm>>
      %dma_wait3A_114 = tpu.memref_squeeze %dma_wait3A_113 : memref<1x250x40xi32, #tpu.memory_space<hbm>> -> memref<250x40xi32, #tpu.memory_space<hbm>>
      %dma_wait3A_115 = arith.constant 0 : i32
      %dma_wait3A_116 = arith.constant 0 : i32
      %dma_wait3A_117 = tpu.memref_slice %arg3[%add3A, %dma_wait3A_115, %dma_wait3A_116] : memref<32x250x40xi32, #tpu.memory_space<hbm>> -> memref<1x250x40xi32, #tpu.memory_space<hbm>>
      %dma_wait3A_118 = tpu.memref_squeeze %dma_wait3A_117 : memref<1x250x40xi32, #tpu.memory_space<hbm>> -> memref<250x40xi32, #tpu.memory_space<hbm>>
      tpu.wait_dma2 semaphore(%run_scoped3A : memref<!tpu.dma_semaphore, #tpu.memory_space<semaphore_mem>>) src(%dma_wait3A_118 : memref<250x40xi32, #tpu.memory_space<hbm>>) dst(%arg7 : memref<250x40xi32, #tpu.memory_space<vmem>>)
      tpu.yield
    }) : () -> ()
    "tpu.region"() ({
      %run_scoped3A = tpu.sem_alloc : memref<!tpu.dma_semaphore, #tpu.memory_space<semaphore_mem>>
      %dma_start3A_103 = arith.constant 0 : i32
      %dma_start3A_104 = arith.constant 0 : i32
      %dma_start3A_105 = tpu.memref_slice %arg4[%add3A, %dma_start3A_103, %dma_start3A_104] : memref<32x250x40xi32, #tpu.memory_space<hbm>> -> memref<1x250x40xi32, #tpu.memory_space<hbm>>
      %dma_start3A_106 = tpu.memref_squeeze %dma_start3A_105 : memref<1x250x40xi32, #tpu.memory_space<hbm>> -> memref<250x40xi32, #tpu.memory_space<hbm>>
      %dma_start3A_107 = arith.constant 0 : i32
      %dma_start3A_108 = arith.constant 0 : i32
      %dma_start3A_109 = tpu.memref_slice %arg4[%add3A, %dma_start3A_107, %dma_start3A_108] : memref<32x250x40xi32, #tpu.memory_space<hbm>> -> memref<1x250x40xi32, #tpu.memory_space<hbm>>
      %dma_start3A_110 = tpu.memref_squeeze %dma_start3A_109 : memref<1x250x40xi32, #tpu.memory_space<hbm>> -> memref<250x40xi32, #tpu.memory_space<hbm>>
      tpu.enqueue_dma source(%dma_start3A_110 : memref<250x40xi32, #tpu.memory_space<hbm>>) target(%arg8 : memref<250x40xi32, #tpu.memory_space<vmem>>) target_semaphore(%run_scoped3A : memref<!tpu.dma_semaphore, #tpu.memory_space<semaphore_mem>>)
      %dma_wait3A_111 = arith.constant 0 : i32
      %dma_wait3A_112 = arith.constant 0 : i32
      %dma_wait3A_113 = tpu.memref_slice %arg4[%add3A, %dma_wait3A_111, %dma_wait3A_112] : memref<32x250x40xi32, #tpu.memory_space<hbm>> -> memref<1x250x40xi32, #tpu.memory_space<hbm>>
      %dma_wait3A_114 = tpu.memref_squeeze %dma_wait3A_113 : memref<1x250x40xi32, #tpu.memory_space<hbm>> -> memref<250x40xi32, #tpu.memory_space<hbm>>
      %dma_wait3A_115 = arith.constant 0 : i32
      %dma_wait3A_116 = arith.constant 0 : i32
      %dma_wait3A_117 = tpu.memref_slice %arg4[%add3A, %dma_wait3A_115, %dma_wait3A_116] : memref<32x250x40xi32, #tpu.memory_space<hbm>> -> memref<1x250x40xi32, #tpu.memory_space<hbm>>
      %dma_wait3A_118 = tpu.memref_squeeze %dma_wait3A_117 : memref<1x250x40xi32, #tpu.memory_space<hbm>> -> memref<250x40xi32, #tpu.memory_space<hbm>>
      tpu.wait_dma2 semaphore(%run_scoped3A : memref<!tpu.dma_semaphore, #tpu.memory_space<semaphore_mem>>) src(%dma_wait3A_118 : memref<250x40xi32, #tpu.memory_space<hbm>>) dst(%arg8 : memref<250x40xi32, #tpu.memory_space<vmem>>)
      tpu.yield
    }) : () -> ()
    %barrier3A = arith.constant 0 : index
    tpu.barrier barrier_id(%barrier3A)
    %dma_start3A = arith.constant 0 : i32
    %dma_start3A_16 = arith.constant 0 : i32
    %dma_start3A_17 = arith.constant 0 : i32
    %dma_start3A_18 = arith.constant 0 : i32
    %dma_start3A_19 = tpu.memref_slice %arg9[%dma_start3A_16, %dma_start3A_17, %dma_start3A_18] : memref<4x40x128xf32, #tpu.memory_space<vmem>> -> memref<1x40x128xf32, #tpu.memory_space<vmem>>
    %dma_start3A_20 = tpu.memref_squeeze %dma_start3A_19 : memref<1x40x128xf32, #tpu.memory_space<vmem>> -> memref<40x128xf32, #tpu.memory_space<vmem>>
    %dma_start3A_21 = arith.constant 0 : i32
    %dma_start3A_22 = tpu.memref_slice %arg7[%dma_start3A, %dma_start3A_21] : memref<250x40xi32, #tpu.memory_space<vmem>> -> memref<1x40xi32, #tpu.memory_space<vmem>>
    %dma_start3A_23 = tpu.memref_squeeze %dma_start3A_22 : memref<1x40xi32, #tpu.memory_space<vmem>> -> memref<40xi32, #tpu.memory_space<vmem>>
    %dma_start3A_24 = arith.constant 0 : i32
    %dma_start3A_25 = arith.constant 0 : i32
    %dma_start3A_26 = tpu.memref_slice %arg2[%dma_start3A_24, %dma_start3A_25] : memref<10000x128xf32, #tpu.memory_space<hbm>> -> memref<10000x128xf32, #tpu.memory_space<hbm>>
    tpu.enqueue_indirect_dma source(%dma_start3A_26 : memref<10000x128xf32, #tpu.memory_space<hbm>>) target(%dma_start3A_20 : memref<40x128xf32, #tpu.memory_space<vmem>>) offsets(%dma_start3A_23 : memref<40xi32, #tpu.memory_space<vmem>>) semaphore(%arg12 : memref<!tpu.dma_semaphore, #tpu.memory_space<semaphore_mem>>)
    %dma_start3A_27 = arith.constant 1 : i32
    %dma_start3A_28 = arith.constant 1 : i32
    %dma_start3A_29 = arith.constant 0 : i32
    %dma_start3A_30 = arith.constant 0 : i32
    %dma_start3A_31 = tpu.memref_slice %arg9[%dma_start3A_28, %dma_start3A_29, %dma_start3A_30] : memref<4x40x128xf32, #tpu.memory_space<vmem>> -> memref<1x40x128xf32, #tpu.memory_space<vmem>>
    %dma_start3A_32 = tpu.memref_squeeze %dma_start3A_31 : memref<1x40x128xf32, #tpu.memory_space<vmem>> -> memref<40x128xf32, #tpu.memory_space<vmem>>
    %dma_start3A_33 = arith.constant 0 : i32
    %dma_start3A_34 = tpu.memref_slice %arg7[%dma_start3A_27, %dma_start3A_33] : memref<250x40xi32, #tpu.memory_space<vmem>> -> memref<1x40xi32, #tpu.memory_space<vmem>>
    %dma_start3A_35 = tpu.memref_squeeze %dma_start3A_34 : memref<1x40xi32, #tpu.memory_space<vmem>> -> memref<40xi32, #tpu.memory_space<vmem>>
    %dma_start3A_36 = arith.constant 0 : i32
    %dma_start3A_37 = arith.constant 0 : i32
    %dma_start3A_38 = tpu.memref_slice %arg2[%dma_start3A_36, %dma_start3A_37] : memref<10000x128xf32, #tpu.memory_space<hbm>> -> memref<10000x128xf32, #tpu.memory_space<hbm>>
    tpu.enqueue_indirect_dma source(%dma_start3A_38 : memref<10000x128xf32, #tpu.memory_space<hbm>>) target(%dma_start3A_32 : memref<40x128xf32, #tpu.memory_space<vmem>>) offsets(%dma_start3A_35 : memref<40xi32, #tpu.memory_space<vmem>>) semaphore(%arg13 : memref<!tpu.dma_semaphore, #tpu.memory_space<semaphore_mem>>)
    %broadcast_in_dim3A_39 = arith.constant 1.000000e+00 : f32
    %broadcast_in_dim3A_40 = vector.broadcast %broadcast_in_dim3A_39 : f32 to vector<16xf32>
    %scan3A_41 = arith.constant 0 : i32
    %scan3A_42 = arith.constant 63 : i32
    %scan3A_43 = arith.addi %scan3A_41, %scan3A_42 : i32
    %scan3A_44 = arith.constant 1 : i32
    scf.for %scan3A_103 = %scan3A_41 to %scan3A_43 step %scan3A_44  : i32 {
      %mul3A_104 = arith.constant 4 : i32
      %mul3A_105 = arith.muli %scan3A_103, %mul3A_104 : i32
      %add3A_106 = arith.constant 0 : i32
      %add3A_107 = arith.addi %add3A_106, %mul3A_105 : i32
      %add3A_108 = arith.constant 0 : i32
      %add3A_109 = arith.addi %add3A_107, %add3A_108 : i32
      %lt3A = arith.constant 250 : i32
      %lt3A_110 = arith.cmpi slt, %add3A_109, %lt3A : i32
      %convert_element_type3A = arith.extui %lt3A_110 : i1 to i32
      %cond3A = arith.constant 0 : i32
      %cond3A_111 = arith.cmpi ne, %convert_element_type3A, %cond3A : i32
      scf.if %cond3A_111 {
        %ge3A = arith.constant 2 : i32
        %ge3A_133 = arith.cmpi sge, %add3A_109, %ge3A : i32
        %add3A_134 = arith.constant 2 : i32
        %add3A_135 = arith.addi %add3A_109, %add3A_134 : i32
        %lt3A_136 = arith.constant 250 : i32
        %lt3A_137 = arith.cmpi slt, %add3A_135, %lt3A_136 : i32
        %and3A = arith.andi %ge3A_133, %lt3A_137 : i1
        %convert_element_type3A_138 = arith.extui %and3A : i1 to i32
        %cond3A_139 = arith.constant 0 : i32
        %cond3A_140 = arith.cmpi ne, %convert_element_type3A_138, %cond3A_139 : i32
        scf.if %cond3A_140 {
          %sub3A = arith.constant 2 : i32
          %sub3A_181 = arith.subi %add3A_109, %sub3A : i32
          %dma_wait3A_182 = arith.constant 2 : i32
          %dma_wait3A_183 = arith.constant 0 : i32
          %dma_wait3A_184 = arith.constant 0 : i32
          %dma_wait3A_185 = tpu.memref_slice %arg9[%dma_wait3A_182, %dma_wait3A_183, %dma_wait3A_184] : memref<4x40x128xf32, #tpu.memory_space<vmem>> -> memref<1x40x128xf32, #tpu.memory_space<vmem>>
          %dma_wait3A_186 = tpu.memref_squeeze %dma_wait3A_185 : memref<1x40x128xf32, #tpu.memory_space<vmem>> -> memref<40x128xf32, #tpu.memory_space<vmem>>
          %dma_wait3A_187 = arith.constant 0 : i32
          %dma_wait3A_188 = tpu.memref_slice %arg8[%sub3A_181, %dma_wait3A_187] : memref<250x40xi32, #tpu.memory_space<vmem>> -> memref<1x40xi32, #tpu.memory_space<vmem>>
          %dma_wait3A_189 = tpu.memref_squeeze %dma_wait3A_188 : memref<1x40xi32, #tpu.memory_space<vmem>> -> memref<40xi32, #tpu.memory_space<vmem>>
          %dma_wait3A_190 = arith.constant 0 : i32
          %dma_wait3A_191 = arith.constant 0 : i32
          %dma_wait3A_192 = tpu.memref_slice %arg11[%dma_wait3A_190, %dma_wait3A_191] : memref<10000x128xf32, #tpu.memory_space<vmem_shared>> -> memref<10000x128xf32, #tpu.memory_space<vmem_shared>>
          tpu.wait_indirect_dma semaphore(%arg18 : memref<!tpu.dma_semaphore, #tpu.memory_space<semaphore_mem>>) src(%dma_wait3A_186 : memref<40x128xf32, #tpu.memory_space<vmem>>) dst(%dma_wait3A_192 : memref<10000x128xf32, #tpu.memory_space<vmem_shared>>)
        } else {
        }
        %add3A_141 = arith.constant 2 : i32
        %add3A_142 = arith.addi %add3A_109, %add3A_141 : i32
        %lt3A_143 = arith.constant 250 : i32
        %lt3A_144 = arith.cmpi slt, %add3A_142, %lt3A_143 : i32
        %convert_element_type3A_145 = arith.extui %lt3A_144 : i1 to i32
        %cond3A_146 = arith.constant 0 : i32
        %cond3A_147 = arith.cmpi ne, %convert_element_type3A_145, %cond3A_146 : i32
        scf.if %cond3A_147 {
          %add3A_181 = arith.constant 2 : i32
          %add3A_182 = arith.addi %add3A_109, %add3A_181 : i32
          %dma_start3A_183 = arith.constant 2 : i32
          %dma_start3A_184 = arith.constant 0 : i32
          %dma_start3A_185 = arith.constant 0 : i32
          %dma_start3A_186 = tpu.memref_slice %arg9[%dma_start3A_183, %dma_start3A_184, %dma_start3A_185] : memref<4x40x128xf32, #tpu.memory_space<vmem>> -> memref<1x40x128xf32, #tpu.memory_space<vmem>>
          %dma_start3A_187 = tpu.memref_squeeze %dma_start3A_186 : memref<1x40x128xf32, #tpu.memory_space<vmem>> -> memref<40x128xf32, #tpu.memory_space<vmem>>
          %dma_start3A_188 = arith.constant 0 : i32
          %dma_start3A_189 = tpu.memref_slice %arg7[%add3A_182, %dma_start3A_188] : memref<250x40xi32, #tpu.memory_space<vmem>> -> memref<1x40xi32, #tpu.memory_space<vmem>>
          %dma_start3A_190 = tpu.memref_squeeze %dma_start3A_189 : memref<1x40xi32, #tpu.memory_space<vmem>> -> memref<40xi32, #tpu.memory_space<vmem>>
          %dma_start3A_191 = arith.constant 0 : i32
          %dma_start3A_192 = arith.constant 0 : i32
          %dma_start3A_193 = tpu.memref_slice %arg2[%dma_start3A_191, %dma_start3A_192] : memref<10000x128xf32, #tpu.memory_space<hbm>> -> memref<10000x128xf32, #tpu.memory_space<hbm>>
          tpu.enqueue_indirect_dma source(%dma_start3A_193 : memref<10000x128xf32, #tpu.memory_space<hbm>>) target(%dma_start3A_187 : memref<40x128xf32, #tpu.memory_space<vmem>>) offsets(%dma_start3A_190 : memref<40xi32, #tpu.memory_space<vmem>>) semaphore(%arg14 : memref<!tpu.dma_semaphore, #tpu.memory_space<semaphore_mem>>)
        } else {
        }
        %dma_wait3A_148 = arith.constant 0 : i32
        %dma_wait3A_149 = arith.constant 0 : i32
        %dma_wait3A_150 = arith.constant 0 : i32
        %dma_wait3A_151 = tpu.memref_slice %arg9[%dma_wait3A_148, %dma_wait3A_149, %dma_wait3A_150] : memref<4x40x128xf32, #tpu.memory_space<vmem>> -> memref<1x40x128xf32, #tpu.memory_space<vmem>>
        %dma_wait3A_152 = tpu.memref_squeeze %dma_wait3A_151 : memref<1x40x128xf32, #tpu.memory_space<vmem>> -> memref<40x128xf32, #tpu.memory_space<vmem>>
        %dma_wait3A_153 = arith.constant 0 : i32
        %dma_wait3A_154 = tpu.memref_slice %arg7[%add3A_109, %dma_wait3A_153] : memref<250x40xi32, #tpu.memory_space<vmem>> -> memref<1x40xi32, #tpu.memory_space<vmem>>
        %dma_wait3A_155 = tpu.memref_squeeze %dma_wait3A_154 : memref<1x40xi32, #tpu.memory_space<vmem>> -> memref<40xi32, #tpu.memory_space<vmem>>
        %dma_wait3A_156 = arith.constant 0 : i32
        %dma_wait3A_157 = arith.constant 0 : i32
        %dma_wait3A_158 = tpu.memref_slice %arg2[%dma_wait3A_156, %dma_wait3A_157] : memref<10000x128xf32, #tpu.memory_space<hbm>> -> memref<10000x128xf32, #tpu.memory_space<hbm>>
        tpu.wait_indirect_dma semaphore(%arg12 : memref<!tpu.dma_semaphore, #tpu.memory_space<semaphore_mem>>) src(%dma_wait3A_158 : memref<10000x128xf32, #tpu.memory_space<hbm>>) dst(%dma_wait3A_152 : memref<40x128xf32, #tpu.memory_space<vmem>>)
        %dma_start3A_159 = arith.constant 0 : i32
        %dma_start3A_160 = arith.constant 0 : i32
        %dma_start3A_161 = arith.constant 0 : i32
        %dma_start3A_162 = tpu.memref_slice %arg9[%dma_start3A_159, %dma_start3A_160, %dma_start3A_161] : memref<4x40x128xf32, #tpu.memory_space<vmem>> -> memref<1x40x128xf32, #tpu.memory_space<vmem>>
        %dma_start3A_163 = tpu.memref_squeeze %dma_start3A_162 : memref<1x40x128xf32, #tpu.memory_space<vmem>> -> memref<40x128xf32, #tpu.memory_space<vmem>>
        %dma_start3A_164 = arith.constant 0 : i32
        %dma_start3A_165 = tpu.memref_slice %arg8[%add3A_109, %dma_start3A_164] : memref<250x40xi32, #tpu.memory_space<vmem>> -> memref<1x40xi32, #tpu.memory_space<vmem>>
        %dma_start3A_166 = tpu.memref_squeeze %dma_start3A_165 : memref<1x40xi32, #tpu.memory_space<vmem>> -> memref<40xi32, #tpu.memory_space<vmem>>
        %dma_start3A_167 = arith.constant 0 : i32
        %dma_start3A_168 = arith.constant 0 : i32
        %dma_start3A_169 = tpu.memref_slice %arg11[%dma_start3A_167, %dma_start3A_168] : memref<10000x128xf32, #tpu.memory_space<vmem_shared>> -> memref<10000x128xf32, #tpu.memory_space<vmem_shared>>
        tpu.enqueue_indirect_dma source(%dma_start3A_163 : memref<40x128xf32, #tpu.memory_space<vmem>>) target(%dma_start3A_169 : memref<10000x128xf32, #tpu.memory_space<vmem_shared>>) offsets(%dma_start3A_166 : memref<40xi32, #tpu.memory_space<vmem>>) semaphore(%arg16 : memref<!tpu.dma_semaphore, #tpu.memory_space<semaphore_mem>>) {add = true}
        %get3A = arith.index_cast %add3A_109 : i32 to index
        %get3A_170 = arith.constant 0 : index
        %get3A_171 = tpu.vector_load %arg8[%get3A, %get3A_170] {strides = array<i32>} : memref<250x40xi32, #tpu.memory_space<vmem>>, vector<16xi32>,
        tpu.vector_store_idx %arg10[%get3A_171], %broadcast_in_dim3A_40 {add = true} : memref<10000xf32, #tpu.memory_space<vmem>>[vector<16xi32>], vector<16xf32>,
        %get3A_172 = arith.index_cast %add3A_109 : i32 to index
        %get3A_173 = arith.constant 16 : index
        %get3A_174 = tpu.vector_load %arg8[%get3A_172, %get3A_173] {strides = array<i32>} : memref<250x40xi32, #tpu.memory_space<vmem>>, vector<16xi32>,
        tpu.vector_store_idx %arg10[%get3A_174], %broadcast_in_dim3A_40 {add = true} : memref<10000xf32, #tpu.memory_space<vmem>>[vector<16xi32>], vector<16xf32>,
        %get3A_175 = arith.index_cast %add3A_109 : i32 to index
        %get3A_176 = arith.constant 24 : index
        %get3A_177 = tpu.vector_load %arg8[%get3A_175, %get3A_176] {strides = array<i32>} : memref<250x40xi32, #tpu.memory_space<vmem>>, vector<16xi32>,
        %iota3A = tpu.iota {dimensions = array<i32: 0>} : vector<16xi32>
        %ge3A_178 = arith.constant 8 : i32
        %ge3A_179 = vector.broadcast %ge3A_178 : i32 to vector<16xi32>
        %ge3A_180 = arith.cmpi sge, %iota3A, %ge3A_179 : vector<16xi32>
        tpu.vector_store_idx %arg10[%get3A_177], %broadcast_in_dim3A_40 masked %ge3A_180 {add = true} : memref<10000xf32, #tpu.memory_space<vmem>>[vector<16xi32>], vector<16xf32>, vector<16xi1>
      } else {
      }
      %add3A_112 = arith.constant 1 : i32
      %add3A_113 = arith.addi %add3A_107, %add3A_112 : i32
      %lt3A_114 = arith.constant 250 : i32
      %lt3A_115 = arith.cmpi slt, %add3A_113, %lt3A_114 : i32
      %convert_element_type3A_116 = arith.extui %lt3A_115 : i1 to i32
      %cond3A_117 = arith.constant 0 : i32
      %cond3A_118 = arith.cmpi ne, %convert_element_type3A_116, %cond3A_117 : i32
      scf.if %cond3A_118 {
        %ge3A = arith.constant 2 : i32
        %ge3A_133 = arith.cmpi sge, %add3A_113, %ge3A : i32
        %add3A_134 = arith.constant 2 : i32
        %add3A_135 = arith.addi %add3A_113, %add3A_134 : i32
        %lt3A_136 = arith.constant 250 : i32
        %lt3A_137 = arith.cmpi slt, %add3A_135, %lt3A_136 : i32
        %and3A = arith.andi %ge3A_133, %lt3A_137 : i1
        %convert_element_type3A_138 = arith.extui %and3A : i1 to i32
        %cond3A_139 = arith.constant 0 : i32
        %cond3A_140 = arith.cmpi ne, %convert_element_type3A_138, %cond3A_139 : i32
        scf.if %cond3A_140 {
          %sub3A = arith.constant 2 : i32
          %sub3A_181 = arith.subi %add3A_113, %sub3A : i32
          %dma_wait3A_182 = arith.constant 3 : i32
          %dma_wait3A_183 = arith.constant 0 : i32
          %dma_wait3A_184 = arith.constant 0 : i32
          %dma_wait3A_185 = tpu.memref_slice %arg9[%dma_wait3A_182, %dma_wait3A_183, %dma_wait3A_184] : memref<4x40x128xf32, #tpu.memory_space<vmem>> -> memref<1x40x128xf32, #tpu.memory_space<vmem>>
          %dma_wait3A_186 = tpu.memref_squeeze %dma_wait3A_185 : memref<1x40x128xf32, #tpu.memory_space<vmem>> -> memref<40x128xf32, #tpu.memory_space<vmem>>
          %dma_wait3A_187 = arith.constant 0 : i32
          %dma_wait3A_188 = tpu.memref_slice %arg8[%sub3A_181, %dma_wait3A_187] : memref<250x40xi32, #tpu.memory_space<vmem>> -> memref<1x40xi32, #tpu.memory_space<vmem>>
          %dma_wait3A_189 = tpu.memref_squeeze %dma_wait3A_188 : memref<1x40xi32, #tpu.memory_space<vmem>> -> memref<40xi32, #tpu.memory_space<vmem>>
          %dma_wait3A_190 = arith.constant 0 : i32
          %dma_wait3A_191 = arith.constant 0 : i32
          %dma_wait3A_192 = tpu.memref_slice %arg11[%dma_wait3A_190, %dma_wait3A_191] : memref<10000x128xf32, #tpu.memory_space<vmem_shared>> -> memref<10000x128xf32, #tpu.memory_space<vmem_shared>>
          tpu.wait_indirect_dma semaphore(%arg19 : memref<!tpu.dma_semaphore, #tpu.memory_space<semaphore_mem>>) src(%dma_wait3A_186 : memref<40x128xf32, #tpu.memory_space<vmem>>) dst(%dma_wait3A_192 : memref<10000x128xf32, #tpu.memory_space<vmem_shared>>)
        } else {
        }
        %add3A_141 = arith.constant 2 : i32
        %add3A_142 = arith.addi %add3A_113, %add3A_141 : i32
        %lt3A_143 = arith.constant 250 : i32
        %lt3A_144 = arith.cmpi slt, %add3A_142, %lt3A_143 : i32
        %convert_element_type3A_145 = arith.extui %lt3A_144 : i1 to i32
        %cond3A_146 = arith.constant 0 : i32
        %cond3A_147 = arith.cmpi ne, %convert_element_type3A_145, %cond3A_146 : i32
        scf.if %cond3A_147 {
          %add3A_181 = arith.constant 2 : i32
          %add3A_182 = arith.addi %add3A_113, %add3A_181 : i32
          %dma_start3A_183 = arith.constant 3 : i32
          %dma_start3A_184 = arith.constant 0 : i32
          %dma_start3A_185 = arith.constant 0 : i32
          %dma_start3A_186 = tpu.memref_slice %arg9[%dma_start3A_183, %dma_start3A_184, %dma_start3A_185] : memref<4x40x128xf32, #tpu.memory_space<vmem>> -> memref<1x40x128xf32, #tpu.memory_space<vmem>>
          %dma_start3A_187 = tpu.memref_squeeze %dma_start3A_186 : memref<1x40x128xf32, #tpu.memory_space<vmem>> -> memref<40x128xf32, #tpu.memory_space<vmem>>
          %dma_start3A_188 = arith.constant 0 : i32
          %dma_start3A_189 = tpu.memref_slice %arg7[%add3A_182, %dma_start3A_188] : memref<250x40xi32, #tpu.memory_space<vmem>> -> memref<1x40xi32, #tpu.memory_space<vmem>>
          %dma_start3A_190 = tpu.memref_squeeze %dma_start3A_189 : memref<1x40xi32, #tpu.memory_space<vmem>> -> memref<40xi32, #tpu.memory_space<vmem>>
          %dma_start3A_191 = arith.constant 0 : i32
          %dma_start3A_192 = arith.constant 0 : i32
          %dma_start3A_193 = tpu.memref_slice %arg2[%dma_start3A_191, %dma_start3A_192] : memref<10000x128xf32, #tpu.memory_space<hbm>> -> memref<10000x128xf32, #tpu.memory_space<hbm>>
          tpu.enqueue_indirect_dma source(%dma_start3A_193 : memref<10000x128xf32, #tpu.memory_space<hbm>>) target(%dma_start3A_187 : memref<40x128xf32, #tpu.memory_space<vmem>>) offsets(%dma_start3A_190 : memref<40xi32, #tpu.memory_space<vmem>>) semaphore(%arg15 : memref<!tpu.dma_semaphore, #tpu.memory_space<semaphore_mem>>)
        } else {
        }
        %dma_wait3A_148 = arith.constant 1 : i32
        %dma_wait3A_149 = arith.constant 0 : i32
        %dma_wait3A_150 = arith.constant 0 : i32
        %dma_wait3A_151 = tpu.memref_slice %arg9[%dma_wait3A_148, %dma_wait3A_149, %dma_wait3A_150] : memref<4x40x128xf32, #tpu.memory_space<vmem>> -> memref<1x40x128xf32, #tpu.memory_space<vmem>>
        %dma_wait3A_152 = tpu.memref_squeeze %dma_wait3A_151 : memref<1x40x128xf32, #tpu.memory_space<vmem>> -> memref<40x128xf32, #tpu.memory_space<vmem>>
        %dma_wait3A_153 = arith.constant 0 : i32
        %dma_wait3A_154 = tpu.memref_slice %arg7[%add3A_113, %dma_wait3A_153] : memref<250x40xi32, #tpu.memory_space<vmem>> -> memref<1x40xi32, #tpu.memory_space<vmem>>
        %dma_wait3A_155 = tpu.memref_squeeze %dma_wait3A_154 : memref<1x40xi32, #tpu.memory_space<vmem>> -> memref<40xi32, #tpu.memory_space<vmem>>
        %dma_wait3A_156 = arith.constant 0 : i32
        %dma_wait3A_157 = arith.constant 0 : i32
        %dma_wait3A_158 = tpu.memref_slice %arg2[%dma_wait3A_156, %dma_wait3A_157] : memref<10000x128xf32, #tpu.memory_space<hbm>> -> memref<10000x128xf32, #tpu.memory_space<hbm>>
        tpu.wait_indirect_dma semaphore(%arg13 : memref<!tpu.dma_semaphore, #tpu.memory_space<semaphore_mem>>) src(%dma_wait3A_158 : memref<10000x128xf32, #tpu.memory_space<hbm>>) dst(%dma_wait3A_152 : memref<40x128xf32, #tpu.memory_space<vmem>>)
        %dma_start3A_159 = arith.constant 1 : i32
        %dma_start3A_160 = arith.constant 0 : i32
        %dma_start3A_161 = arith.constant 0 : i32
        %dma_start3A_162 = tpu.memref_slice %arg9[%dma_start3A_159, %dma_start3A_160, %dma_start3A_161] : memref<4x40x128xf32, #tpu.memory_space<vmem>> -> memref<1x40x128xf32, #tpu.memory_space<vmem>>
        %dma_start3A_163 = tpu.memref_squeeze %dma_start3A_162 : memref<1x40x128xf32, #tpu.memory_space<vmem>> -> memref<40x128xf32, #tpu.memory_space<vmem>>
        %dma_start3A_164 = arith.constant 0 : i32
        %dma_start3A_165 = tpu.memref_slice %arg8[%add3A_113, %dma_start3A_164] : memref<250x40xi32, #tpu.memory_space<vmem>> -> memref<1x40xi32, #tpu.memory_space<vmem>>
        %dma_start3A_166 = tpu.memref_squeeze %dma_start3A_165 : memref<1x40xi32, #tpu.memory_space<vmem>> -> memref<40xi32, #tpu.memory_space<vmem>>
        %dma_start3A_167 = arith.constant 0 : i32
        %dma_start3A_168 = arith.constant 0 : i32
        %dma_start3A_169 = tpu.memref_slice %arg11[%dma_start3A_167, %dma_start3A_168] : memref<10000x128xf32, #tpu.memory_space<vmem_shared>> -> memref<10000x128xf32, #tpu.memory_space<vmem_shared>>
        tpu.enqueue_indirect_dma source(%dma_start3A_163 : memref<40x128xf32, #tpu.memory_space<vmem>>) target(%dma_start3A_169 : memref<10000x128xf32, #tpu.memory_space<vmem_shared>>) offsets(%dma_start3A_166 : memref<40xi32, #tpu.memory_space<vmem>>) semaphore(%arg17 : memref<!tpu.dma_semaphore, #tpu.memory_space<semaphore_mem>>) {add = true}
        %get3A = arith.index_cast %add3A_113 : i32 to index
        %get3A_170 = arith.constant 0 : index
        %get3A_171 = tpu.vector_load %arg8[%get3A, %get3A_170] {strides = array<i32>} : memref<250x40xi32, #tpu.memory_space<vmem>>, vector<16xi32>,
        tpu.vector_store_idx %arg10[%get3A_171], %broadcast_in_dim3A_40 {add = true} : memref<10000xf32, #tpu.memory_space<vmem>>[vector<16xi32>], vector<16xf32>,
        %get3A_172 = arith.index_cast %add3A_113 : i32 to index
        %get3A_173 = arith.constant 16 : index
        %get3A_174 = tpu.vector_load %arg8[%get3A_172, %get3A_173] {strides = array<i32>} : memref<250x40xi32, #tpu.memory_space<vmem>>, vector<16xi32>,
        tpu.vector_store_idx %arg10[%get3A_174], %broadcast_in_dim3A_40 {add = true} : memref<10000xf32, #tpu.memory_space<vmem>>[vector<16xi32>], vector<16xf32>,
        %get3A_175 = arith.index_cast %add3A_113 : i32 to index
        %get3A_176 = arith.constant 24 : index
        %get3A_177 = tpu.vector_load %arg8[%get3A_175, %get3A_176] {strides = array<i32>} : memref<250x40xi32, #tpu.memory_space<vmem>>, vector<16xi32>,
        %iota3A = tpu.iota {dimensions = array<i32: 0>} : vector<16xi32>
        %ge3A_178 = arith.constant 8 : i32
        %ge3A_179 = vector.broadcast %ge3A_178 : i32 to vector<16xi32>
        %ge3A_180 = arith.cmpi sge, %iota3A, %ge3A_179 : vector<16xi32>
        tpu.vector_store_idx %arg10[%get3A_177], %broadcast_in_dim3A_40 masked %ge3A_180 {add = true} : memref<10000xf32, #tpu.memory_space<vmem>>[vector<16xi32>], vector<16xf32>, vector<16xi1>
      } else {
      }
      %add3A_119 = arith.constant 2 : i32
      %add3A_120 = arith.addi %add3A_107, %add3A_119 : i32
      %lt3A_121 = arith.constant 250 : i32
      %lt3A_122 = arith.cmpi slt, %add3A_120, %lt3A_121 : i32
      %convert_element_type3A_123 = arith.extui %lt3A_122 : i1 to i32
      %cond3A_124 = arith.constant 0 : i32
      %cond3A_125 = arith.cmpi ne, %convert_element_type3A_123, %cond3A_124 : i32
      scf.if %cond3A_125 {
        %ge3A = arith.constant 2 : i32
        %ge3A_133 = arith.cmpi sge, %add3A_120, %ge3A : i32
        %add3A_134 = arith.constant 2 : i32
        %add3A_135 = arith.addi %add3A_120, %add3A_134 : i32
        %lt3A_136 = arith.constant 250 : i32
        %lt3A_137 = arith.cmpi slt, %add3A_135, %lt3A_136 : i32
        %and3A = arith.andi %ge3A_133, %lt3A_137 : i1
        %convert_element_type3A_138 = arith.extui %and3A : i1 to i32
        %cond3A_139 = arith.constant 0 : i32
        %cond3A_140 = arith.cmpi ne, %convert_element_type3A_138, %cond3A_139 : i32
        scf.if %cond3A_140 {
          %sub3A = arith.constant 2 : i32
          %sub3A_181 = arith.subi %add3A_120, %sub3A : i32
          %dma_wait3A_182 = arith.constant 0 : i32
          %dma_wait3A_183 = arith.constant 0 : i32
          %dma_wait3A_184 = arith.constant 0 : i32
          %dma_wait3A_185 = tpu.memref_slice %arg9[%dma_wait3A_182, %dma_wait3A_183, %dma_wait3A_184] : memref<4x40x128xf32, #tpu.memory_space<vmem>> -> memref<1x40x128xf32, #tpu.memory_space<vmem>>
          %dma_wait3A_186 = tpu.memref_squeeze %dma_wait3A_185 : memref<1x40x128xf32, #tpu.memory_space<vmem>> -> memref<40x128xf32, #tpu.memory_space<vmem>>
          %dma_wait3A_187 = arith.constant 0 : i32
          %dma_wait3A_188 = tpu.memref_slice %arg8[%sub3A_181, %dma_wait3A_187] : memref<250x40xi32, #tpu.memory_space<vmem>> -> memref<1x40xi32, #tpu.memory_space<vmem>>
          %dma_wait3A_189 = tpu.memref_squeeze %dma_wait3A_188 : memref<1x40xi32, #tpu.memory_space<vmem>> -> memref<40xi32, #tpu.memory_space<vmem>>
          %dma_wait3A_190 = arith.constant 0 : i32
          %dma_wait3A_191 = arith.constant 0 : i32
          %dma_wait3A_192 = tpu.memref_slice %arg11[%dma_wait3A_190, %dma_wait3A_191] : memref<10000x128xf32, #tpu.memory_space<vmem_shared>> -> memref<10000x128xf32, #tpu.memory_space<vmem_shared>>
          tpu.wait_indirect_dma semaphore(%arg16 : memref<!tpu.dma_semaphore, #tpu.memory_space<semaphore_mem>>) src(%dma_wait3A_186 : memref<40x128xf32, #tpu.memory_space<vmem>>) dst(%dma_wait3A_192 : memref<10000x128xf32, #tpu.memory_space<vmem_shared>>)
        } else {
        }
        %add3A_141 = arith.constant 2 : i32
        %add3A_142 = arith.addi %add3A_120, %add3A_141 : i32
        %lt3A_143 = arith.constant 250 : i32
        %lt3A_144 = arith.cmpi slt, %add3A_142, %lt3A_143 : i32
        %convert_element_type3A_145 = arith.extui %lt3A_144 : i1 to i32
        %cond3A_146 = arith.constant 0 : i32
        %cond3A_147 = arith.cmpi ne, %convert_element_type3A_145, %cond3A_146 : i32
        scf.if %cond3A_147 {
          %add3A_181 = arith.constant 2 : i32
          %add3A_182 = arith.addi %add3A_120, %add3A_181 : i32
          %dma_start3A_183 = arith.constant 0 : i32
          %dma_start3A_184 = arith.constant 0 : i32
          %dma_start3A_185 = arith.constant 0 : i32
          %dma_start3A_186 = tpu.memref_slice %arg9[%dma_start3A_183, %dma_start3A_184, %dma_start3A_185] : memref<4x40x128xf32, #tpu.memory_space<vmem>> -> memref<1x40x128xf32, #tpu.memory_space<vmem>>
          %dma_start3A_187 = tpu.memref_squeeze %dma_start3A_186 : memref<1x40x128xf32, #tpu.memory_space<vmem>> -> memref<40x128xf32, #tpu.memory_space<vmem>>
          %dma_start3A_188 = arith.constant 0 : i32
          %dma_start3A_189 = tpu.memref_slice %arg7[%add3A_182, %dma_start3A_188] : memref<250x40xi32, #tpu.memory_space<vmem>> -> memref<1x40xi32, #tpu.memory_space<vmem>>
          %dma_start3A_190 = tpu.memref_squeeze %dma_start3A_189 : memref<1x40xi32, #tpu.memory_space<vmem>> -> memref<40xi32, #tpu.memory_space<vmem>>
          %dma_start3A_191 = arith.constant 0 : i32
          %dma_start3A_192 = arith.constant 0 : i32
          %dma_start3A_193 = tpu.memref_slice %arg2[%dma_start3A_191, %dma_start3A_192] : memref<10000x128xf32, #tpu.memory_space<hbm>> -> memref<10000x128xf32, #tpu.memory_space<hbm>>
          tpu.enqueue_indirect_dma source(%dma_start3A_193 : memref<10000x128xf32, #tpu.memory_space<hbm>>) target(%dma_start3A_187 : memref<40x128xf32, #tpu.memory_space<vmem>>) offsets(%dma_start3A_190 : memref<40xi32, #tpu.memory_space<vmem>>) semaphore(%arg12 : memref<!tpu.dma_semaphore, #tpu.memory_space<semaphore_mem>>)
        } else {
        }
        %dma_wait3A_148 = arith.constant 2 : i32
        %dma_wait3A_149 = arith.constant 0 : i32
        %dma_wait3A_150 = arith.constant 0 : i32
        %dma_wait3A_151 = tpu.memref_slice %arg9[%dma_wait3A_148, %dma_wait3A_149, %dma_wait3A_150] : memref<4x40x128xf32, #tpu.memory_space<vmem>> -> memref<1x40x128xf32, #tpu.memory_space<vmem>>
        %dma_wait3A_152 = tpu.memref_squeeze %dma_wait3A_151 : memref<1x40x128xf32, #tpu.memory_space<vmem>> -> memref<40x128xf32, #tpu.memory_space<vmem>>
        %dma_wait3A_153 = arith.constant 0 : i32
        %dma_wait3A_154 = tpu.memref_slice %arg7[%add3A_120, %dma_wait3A_153] : memref<250x40xi32, #tpu.memory_space<vmem>> -> memref<1x40xi32, #tpu.memory_space<vmem>>
        %dma_wait3A_155 = tpu.memref_squeeze %dma_wait3A_154 : memref<1x40xi32, #tpu.memory_space<vmem>> -> memref<40xi32, #tpu.memory_space<vmem>>
        %dma_wait3A_156 = arith.constant 0 : i32
        %dma_wait3A_157 = arith.constant 0 : i32
        %dma_wait3A_158 = tpu.memref_slice %arg2[%dma_wait3A_156, %dma_wait3A_157] : memref<10000x128xf32, #tpu.memory_space<hbm>> -> memref<10000x128xf32, #tpu.memory_space<hbm>>
        tpu.wait_indirect_dma semaphore(%arg14 : memref<!tpu.dma_semaphore, #tpu.memory_space<semaphore_mem>>) src(%dma_wait3A_158 : memref<10000x128xf32, #tpu.memory_space<hbm>>) dst(%dma_wait3A_152 : memref<40x128xf32, #tpu.memory_space<vmem>>)
        %dma_start3A_159 = arith.constant 2 : i32
        %dma_start3A_160 = arith.constant 0 : i32
        %dma_start3A_161 = arith.constant 0 : i32
        %dma_start3A_162 = tpu.memref_slice %arg9[%dma_start3A_159, %dma_start3A_160, %dma_start3A_161] : memref<4x40x128xf32, #tpu.memory_space<vmem>> -> memref<1x40x128xf32, #tpu.memory_space<vmem>>
        %dma_start3A_163 = tpu.memref_squeeze %dma_start3A_162 : memref<1x40x128xf32, #tpu.memory_space<vmem>> -> memref<40x128xf32, #tpu.memory_space<vmem>>
        %dma_start3A_164 = arith.constant 0 : i32
        %dma_start3A_165 = tpu.memref_slice %arg8[%add3A_120, %dma_start3A_164] : memref<250x40xi32, #tpu.memory_space<vmem>> -> memref<1x40xi32, #tpu.memory_space<vmem>>
        %dma_start3A_166 = tpu.memref_squeeze %dma_start3A_165 : memref<1x40xi32, #tpu.memory_space<vmem>> -> memref<40xi32, #tpu.memory_space<vmem>>
        %dma_start3A_167 = arith.constant 0 : i32
        %dma_start3A_168 = arith.constant 0 : i32
        %dma_start3A_169 = tpu.memref_slice %arg11[%dma_start3A_167, %dma_start3A_168] : memref<10000x128xf32, #tpu.memory_space<vmem_shared>> -> memref<10000x128xf32, #tpu.memory_space<vmem_shared>>
        tpu.enqueue_indirect_dma source(%dma_start3A_163 : memref<40x128xf32, #tpu.memory_space<vmem>>) target(%dma_start3A_169 : memref<10000x128xf32, #tpu.memory_space<vmem_shared>>) offsets(%dma_start3A_166 : memref<40xi32, #tpu.memory_space<vmem>>) semaphore(%arg18 : memref<!tpu.dma_semaphore, #tpu.memory_space<semaphore_mem>>) {add = true}
        %get3A = arith.index_cast %add3A_120 : i32 to index
        %get3A_170 = arith.constant 0 : index
        %get3A_171 = tpu.vector_load %arg8[%get3A, %get3A_170] {strides = array<i32>} : memref<250x40xi32, #tpu.memory_space<vmem>>, vector<16xi32>,
        tpu.vector_store_idx %arg10[%get3A_171], %broadcast_in_dim3A_40 {add = true} : memref<10000xf32, #tpu.memory_space<vmem>>[vector<16xi32>], vector<16xf32>,
        %get3A_172 = arith.index_cast %add3A_120 : i32 to index
        %get3A_173 = arith.constant 16 : index
        %get3A_174 = tpu.vector_load %arg8[%get3A_172, %get3A_173] {strides = array<i32>} : memref<250x40xi32, #tpu.memory_space<vmem>>, vector<16xi32>,
        tpu.vector_store_idx %arg10[%get3A_174], %broadcast_in_dim3A_40 {add = true} : memref<10000xf32, #tpu.memory_space<vmem>>[vector<16xi32>], vector<16xf32>,
        %get3A_175 = arith.index_cast %add3A_120 : i32 to index
        %get3A_176 = arith.constant 24 : index
        %get3A_177 = tpu.vector_load %arg8[%get3A_175, %get3A_176] {strides = array<i32>} : memref<250x40xi32, #tpu.memory_space<vmem>>, vector<16xi32>,
        %iota3A = tpu.iota {dimensions = array<i32: 0>} : vector<16xi32>
        %ge3A_178 = arith.constant 8 : i32
        %ge3A_179 = vector.broadcast %ge3A_178 : i32 to vector<16xi32>
        %ge3A_180 = arith.cmpi sge, %iota3A, %ge3A_179 : vector<16xi32>
        tpu.vector_store_idx %arg10[%get3A_177], %broadcast_in_dim3A_40 masked %ge3A_180 {add = true} : memref<10000xf32, #tpu.memory_space<vmem>>[vector<16xi32>], vector<16xf32>, vector<16xi1>
      } else {
      }
      %add3A_126 = arith.constant 3 : i32
      %add3A_127 = arith.addi %add3A_107, %add3A_126 : i32
      %lt3A_128 = arith.constant 250 : i32
      %lt3A_129 = arith.cmpi slt, %add3A_127, %lt3A_128 : i32
      %convert_element_type3A_130 = arith.extui %lt3A_129 : i1 to i32
      %cond3A_131 = arith.constant 0 : i32
      %cond3A_132 = arith.cmpi ne, %convert_element_type3A_130, %cond3A_131 : i32
      scf.if %cond3A_132 {
        %ge3A = arith.constant 2 : i32
        %ge3A_133 = arith.cmpi sge, %add3A_127, %ge3A : i32
        %add3A_134 = arith.constant 2 : i32
        %add3A_135 = arith.addi %add3A_127, %add3A_134 : i32
        %lt3A_136 = arith.constant 250 : i32
        %lt3A_137 = arith.cmpi slt, %add3A_135, %lt3A_136 : i32
        %and3A = arith.andi %ge3A_133, %lt3A_137 : i1
        %convert_element_type3A_138 = arith.extui %and3A : i1 to i32
        %cond3A_139 = arith.constant 0 : i32
        %cond3A_140 = arith.cmpi ne, %convert_element_type3A_138, %cond3A_139 : i32
        scf.if %cond3A_140 {
          %sub3A = arith.constant 2 : i32
          %sub3A_181 = arith.subi %add3A_127, %sub3A : i32
          %dma_wait3A_182 = arith.constant 1 : i32
          %dma_wait3A_183 = arith.constant 0 : i32
          %dma_wait3A_184 = arith.constant 0 : i32
          %dma_wait3A_185 = tpu.memref_slice %arg9[%dma_wait3A_182, %dma_wait3A_183, %dma_wait3A_184] : memref<4x40x128xf32, #tpu.memory_space<vmem>> -> memref<1x40x128xf32, #tpu.memory_space<vmem>>
          %dma_wait3A_186 = tpu.memref_squeeze %dma_wait3A_185 : memref<1x40x128xf32, #tpu.memory_space<vmem>> -> memref<40x128xf32, #tpu.memory_space<vmem>>
          %dma_wait3A_187 = arith.constant 0 : i32
          %dma_wait3A_188 = tpu.memref_slice %arg8[%sub3A_181, %dma_wait3A_187] : memref<250x40xi32, #tpu.memory_space<vmem>> -> memref<1x40xi32, #tpu.memory_space<vmem>>
          %dma_wait3A_189 = tpu.memref_squeeze %dma_wait3A_188 : memref<1x40xi32, #tpu.memory_space<vmem>> -> memref<40xi32, #tpu.memory_space<vmem>>
          %dma_wait3A_190 = arith.constant 0 : i32
          %dma_wait3A_191 = arith.constant 0 : i32
          %dma_wait3A_192 = tpu.memref_slice %arg11[%dma_wait3A_190, %dma_wait3A_191] : memref<10000x128xf32, #tpu.memory_space<vmem_shared>> -> memref<10000x128xf32, #tpu.memory_space<vmem_shared>>
          tpu.wait_indirect_dma semaphore(%arg17 : memref<!tpu.dma_semaphore, #tpu.memory_space<semaphore_mem>>) src(%dma_wait3A_186 : memref<40x128xf32, #tpu.memory_space<vmem>>) dst(%dma_wait3A_192 : memref<10000x128xf32, #tpu.memory_space<vmem_shared>>)
        } else {
        }
        %add3A_141 = arith.constant 2 : i32
        %add3A_142 = arith.addi %add3A_127, %add3A_141 : i32
        %lt3A_143 = arith.constant 250 : i32
        %lt3A_144 = arith.cmpi slt, %add3A_142, %lt3A_143 : i32
        %convert_element_type3A_145 = arith.extui %lt3A_144 : i1 to i32
        %cond3A_146 = arith.constant 0 : i32
        %cond3A_147 = arith.cmpi ne, %convert_element_type3A_145, %cond3A_146 : i32
        scf.if %cond3A_147 {
          %add3A_181 = arith.constant 2 : i32
          %add3A_182 = arith.addi %add3A_127, %add3A_181 : i32
          %dma_start3A_183 = arith.constant 1 : i32
          %dma_start3A_184 = arith.constant 0 : i32
          %dma_start3A_185 = arith.constant 0 : i32
          %dma_start3A_186 = tpu.memref_slice %arg9[%dma_start3A_183, %dma_start3A_184, %dma_start3A_185] : memref<4x40x128xf32, #tpu.memory_space<vmem>> -> memref<1x40x128xf32, #tpu.memory_space<vmem>>
          %dma_start3A_187 = tpu.memref_squeeze %dma_start3A_186 : memref<1x40x128xf32, #tpu.memory_space<vmem>> -> memref<40x128xf32, #tpu.memory_space<vmem>>
          %dma_start3A_188 = arith.constant 0 : i32
          %dma_start3A_189 = tpu.memref_slice %arg7[%add3A_182, %dma_start3A_188] : memref<250x40xi32, #tpu.memory_space<vmem>> -> memref<1x40xi32, #tpu.memory_space<vmem>>
          %dma_start3A_190 = tpu.memref_squeeze %dma_start3A_189 : memref<1x40xi32, #tpu.memory_space<vmem>> -> memref<40xi32, #tpu.memory_space<vmem>>
          %dma_start3A_191 = arith.constant 0 : i32
          %dma_start3A_192 = arith.constant 0 : i32
          %dma_start3A_193 = tpu.memref_slice %arg2[%dma_start3A_191, %dma_start3A_192] : memref<10000x128xf32, #tpu.memory_space<hbm>> -> memref<10000x128xf32, #tpu.memory_space<hbm>>
          tpu.enqueue_indirect_dma source(%dma_start3A_193 : memref<10000x128xf32, #tpu.memory_space<hbm>>) target(%dma_start3A_187 : memref<40x128xf32, #tpu.memory_space<vmem>>) offsets(%dma_start3A_190 : memref<40xi32, #tpu.memory_space<vmem>>) semaphore(%arg13 : memref<!tpu.dma_semaphore, #tpu.memory_space<semaphore_mem>>)
        } else {
        }
        %dma_wait3A_148 = arith.constant 3 : i32
        %dma_wait3A_149 = arith.constant 0 : i32
        %dma_wait3A_150 = arith.constant 0 : i32
        %dma_wait3A_151 = tpu.memref_slice %arg9[%dma_wait3A_148, %dma_wait3A_149, %dma_wait3A_150] : memref<4x40x128xf32, #tpu.memory_space<vmem>> -> memref<1x40x128xf32, #tpu.memory_space<vmem>>
        %dma_wait3A_152 = tpu.memref_squeeze %dma_wait3A_151 : memref<1x40x128xf32, #tpu.memory_space<vmem>> -> memref<40x128xf32, #tpu.memory_space<vmem>>
        %dma_wait3A_153 = arith.constant 0 : i32
        %dma_wait3A_154 = tpu.memref_slice %arg7[%add3A_127, %dma_wait3A_153] : memref<250x40xi32, #tpu.memory_space<vmem>> -> memref<1x40xi32, #tpu.memory_space<vmem>>
        %dma_wait3A_155 = tpu.memref_squeeze %dma_wait3A_154 : memref<1x40xi32, #tpu.memory_space<vmem>> -> memref<40xi32, #tpu.memory_space<vmem>>
        %dma_wait3A_156 = arith.constant 0 : i32
        %dma_wait3A_157 = arith.constant 0 : i32
        %dma_wait3A_158 = tpu.memref_slice %arg2[%dma_wait3A_156, %dma_wait3A_157] : memref<10000x128xf32, #tpu.memory_space<hbm>> -> memref<10000x128xf32, #tpu.memory_space<hbm>>
        tpu.wait_indirect_dma semaphore(%arg15 : memref<!tpu.dma_semaphore, #tpu.memory_space<semaphore_mem>>) src(%dma_wait3A_158 : memref<10000x128xf32, #tpu.memory_space<hbm>>) dst(%dma_wait3A_152 : memref<40x128xf32, #tpu.memory_space<vmem>>)
        %dma_start3A_159 = arith.constant 3 : i32
        %dma_start3A_160 = arith.constant 0 : i32
        %dma_start3A_161 = arith.constant 0 : i32
        %dma_start3A_162 = tpu.memref_slice %arg9[%dma_start3A_159, %dma_start3A_160, %dma_start3A_161] : memref<4x40x128xf32, #tpu.memory_space<vmem>> -> memref<1x40x128xf32, #tpu.memory_space<vmem>>
        %dma_start3A_163 = tpu.memref_squeeze %dma_start3A_162 : memref<1x40x128xf32, #tpu.memory_space<vmem>> -> memref<40x128xf32, #tpu.memory_space<vmem>>
        %dma_start3A_164 = arith.constant 0 : i32
        %dma_start3A_165 = tpu.memref_slice %arg8[%add3A_127, %dma_start3A_164] : memref<250x40xi32, #tpu.memory_space<vmem>> -> memref<1x40xi32, #tpu.memory_space<vmem>>
        %dma_start3A_166 = tpu.memref_squeeze %dma_start3A_165 : memref<1x40xi32, #tpu.memory_space<vmem>> -> memref<40xi32, #tpu.memory_space<vmem>>
        %dma_start3A_167 = arith.constant 0 : i32
        %dma_start3A_168 = arith.constant 0 : i32
        %dma_start3A_169 = tpu.memref_slice %arg11[%dma_start3A_167, %dma_start3A_168] : memref<10000x128xf32, #tpu.memory_space<vmem_shared>> -> memref<10000x128xf32, #tpu.memory_space<vmem_shared>>
        tpu.enqueue_indirect_dma source(%dma_start3A_163 : memref<40x128xf32, #tpu.memory_space<vmem>>) target(%dma_start3A_169 : memref<10000x128xf32, #tpu.memory_space<vmem_shared>>) offsets(%dma_start3A_166 : memref<40xi32, #tpu.memory_space<vmem>>) semaphore(%arg19 : memref<!tpu.dma_semaphore, #tpu.memory_space<semaphore_mem>>) {add = true}
        %get3A = arith.index_cast %add3A_127 : i32 to index
        %get3A_170 = arith.constant 0 : index
        %get3A_171 = tpu.vector_load %arg8[%get3A, %get3A_170] {strides = array<i32>} : memref<250x40xi32, #tpu.memory_space<vmem>>, vector<16xi32>,
        tpu.vector_store_idx %arg10[%get3A_171], %broadcast_in_dim3A_40 {add = true} : memref<10000xf32, #tpu.memory_space<vmem>>[vector<16xi32>], vector<16xf32>,
        %get3A_172 = arith.index_cast %add3A_127 : i32 to index
        %get3A_173 = arith.constant 16 : index
        %get3A_174 = tpu.vector_load %arg8[%get3A_172, %get3A_173] {strides = array<i32>} : memref<250x40xi32, #tpu.memory_space<vmem>>, vector<16xi32>,
        tpu.vector_store_idx %arg10[%get3A_174], %broadcast_in_dim3A_40 {add = true} : memref<10000xf32, #tpu.memory_space<vmem>>[vector<16xi32>], vector<16xf32>,
        %get3A_175 = arith.index_cast %add3A_127 : i32 to index
        %get3A_176 = arith.constant 24 : index
        %get3A_177 = tpu.vector_load %arg8[%get3A_175, %get3A_176] {strides = array<i32>} : memref<250x40xi32, #tpu.memory_space<vmem>>, vector<16xi32>,
        %iota3A = tpu.iota {dimensions = array<i32: 0>} : vector<16xi32>
        %ge3A_178 = arith.constant 8 : i32
        %ge3A_179 = vector.broadcast %ge3A_178 : i32 to vector<16xi32>
        %ge3A_180 = arith.cmpi sge, %iota3A, %ge3A_179 : vector<16xi32>
        tpu.vector_store_idx %arg10[%get3A_177], %broadcast_in_dim3A_40 masked %ge3A_180 {add = true} : memref<10000xf32, #tpu.memory_space<vmem>>[vector<16xi32>], vector<16xf32>, vector<16xi1>
      } else {
      }
    }
    %scan3A_45 = arith.constant 63 : i32
    %dma_wait3A = arith.constant 2 : i32
    %dma_wait3A_46 = arith.constant 246 : i32
    %dma_wait3A_47 = arith.constant 0 : i32
    %dma_wait3A_48 = arith.constant 0 : i32
    %dma_wait3A_49 = tpu.memref_slice %arg9[%dma_wait3A, %dma_wait3A_47, %dma_wait3A_48] : memref<4x40x128xf32, #tpu.memory_space<vmem>> -> memref<1x40x128xf32, #tpu.memory_space<vmem>>
    %dma_wait3A_50 = tpu.memref_squeeze %dma_wait3A_49 : memref<1x40x128xf32, #tpu.memory_space<vmem>> -> memref<40x128xf32, #tpu.memory_space<vmem>>
    %dma_wait3A_51 = arith.constant 0 : i32
    %dma_wait3A_52 = tpu.memref_slice %arg8[%dma_wait3A_46, %dma_wait3A_51] : memref<250x40xi32, #tpu.memory_space<vmem>> -> memref<1x40xi32, #tpu.memory_space<vmem>>
    %dma_wait3A_53 = tpu.memref_squeeze %dma_wait3A_52 : memref<1x40xi32, #tpu.memory_space<vmem>> -> memref<40xi32, #tpu.memory_space<vmem>>
    %dma_wait3A_54 = arith.constant 0 : i32
    %dma_wait3A_55 = arith.constant 0 : i32
    %dma_wait3A_56 = tpu.memref_slice %arg11[%dma_wait3A_54, %dma_wait3A_55] : memref<10000x128xf32, #tpu.memory_space<vmem_shared>> -> memref<10000x128xf32, #tpu.memory_space<vmem_shared>>
    tpu.wait_indirect_dma semaphore(%arg18 : memref<!tpu.dma_semaphore, #tpu.memory_space<semaphore_mem>>) src(%dma_wait3A_50 : memref<40x128xf32, #tpu.memory_space<vmem>>) dst(%dma_wait3A_56 : memref<10000x128xf32, #tpu.memory_space<vmem_shared>>)
    %dma_wait3A_57 = arith.constant 3 : i32
    %dma_wait3A_58 = arith.constant 247 : i32
    %dma_wait3A_59 = arith.constant 0 : i32
    %dma_wait3A_60 = arith.constant 0 : i32
    %dma_wait3A_61 = tpu.memref_slice %arg9[%dma_wait3A_57, %dma_wait3A_59, %dma_wait3A_60] : memref<4x40x128xf32, #tpu.memory_space<vmem>> -> memref<1x40x128xf32, #tpu.memory_space<vmem>>
    %dma_wait3A_62 = tpu.memref_squeeze %dma_wait3A_61 : memref<1x40x128xf32, #tpu.memory_space<vmem>> -> memref<40x128xf32, #tpu.memory_space<vmem>>
    %dma_wait3A_63 = arith.constant 0 : i32
    %dma_wait3A_64 = tpu.memref_slice %arg8[%dma_wait3A_58, %dma_wait3A_63] : memref<250x40xi32, #tpu.memory_space<vmem>> -> memref<1x40xi32, #tpu.memory_space<vmem>>
    %dma_wait3A_65 = tpu.memref_squeeze %dma_wait3A_64 : memref<1x40xi32, #tpu.memory_space<vmem>> -> memref<40xi32, #tpu.memory_space<vmem>>
    %dma_wait3A_66 = arith.constant 0 : i32
    %dma_wait3A_67 = arith.constant 0 : i32
    %dma_wait3A_68 = tpu.memref_slice %arg11[%dma_wait3A_66, %dma_wait3A_67] : memref<10000x128xf32, #tpu.memory_space<vmem_shared>> -> memref<10000x128xf32, #tpu.memory_space<vmem_shared>>
    tpu.wait_indirect_dma semaphore(%arg19 : memref<!tpu.dma_semaphore, #tpu.memory_space<semaphore_mem>>) src(%dma_wait3A_62 : memref<40x128xf32, #tpu.memory_space<vmem>>) dst(%dma_wait3A_68 : memref<10000x128xf32, #tpu.memory_space<vmem_shared>>)
    %dma_wait3A_69 = arith.constant 0 : i32
    %dma_wait3A_70 = arith.constant 248 : i32
    %dma_wait3A_71 = arith.constant 0 : i32
    %dma_wait3A_72 = arith.constant 0 : i32
    %dma_wait3A_73 = tpu.memref_slice %arg9[%dma_wait3A_69, %dma_wait3A_71, %dma_wait3A_72] : memref<4x40x128xf32, #tpu.memory_space<vmem>> -> memref<1x40x128xf32, #tpu.memory_space<vmem>>
    %dma_wait3A_74 = tpu.memref_squeeze %dma_wait3A_73 : memref<1x40x128xf32, #tpu.memory_space<vmem>> -> memref<40x128xf32, #tpu.memory_space<vmem>>
    %dma_wait3A_75 = arith.constant 0 : i32
    %dma_wait3A_76 = tpu.memref_slice %arg8[%dma_wait3A_70, %dma_wait3A_75] : memref<250x40xi32, #tpu.memory_space<vmem>> -> memref<1x40xi32, #tpu.memory_space<vmem>>
    %dma_wait3A_77 = tpu.memref_squeeze %dma_wait3A_76 : memref<1x40xi32, #tpu.memory_space<vmem>> -> memref<40xi32, #tpu.memory_space<vmem>>
    %dma_wait3A_78 = arith.constant 0 : i32
    %dma_wait3A_79 = arith.constant 0 : i32
    %dma_wait3A_80 = tpu.memref_slice %arg11[%dma_wait3A_78, %dma_wait3A_79] : memref<10000x128xf32, #tpu.memory_space<vmem_shared>> -> memref<10000x128xf32, #tpu.memory_space<vmem_shared>>
    tpu.wait_indirect_dma semaphore(%arg16 : memref<!tpu.dma_semaphore, #tpu.memory_space<semaphore_mem>>) src(%dma_wait3A_74 : memref<40x128xf32, #tpu.memory_space<vmem>>) dst(%dma_wait3A_80 : memref<10000x128xf32, #tpu.memory_space<vmem_shared>>)
    %dma_wait3A_81 = arith.constant 1 : i32
    %dma_wait3A_82 = arith.constant 249 : i32
    %dma_wait3A_83 = arith.constant 0 : i32
    %dma_wait3A_84 = arith.constant 0 : i32
    %dma_wait3A_85 = tpu.memref_slice %arg9[%dma_wait3A_81, %dma_wait3A_83, %dma_wait3A_84] : memref<4x40x128xf32, #tpu.memory_space<vmem>> -> memref<1x40x128xf32, #tpu.memory_space<vmem>>
    %dma_wait3A_86 = tpu.memref_squeeze %dma_wait3A_85 : memref<1x40x128xf32, #tpu.memory_space<vmem>> -> memref<40x128xf32, #tpu.memory_space<vmem>>
    %dma_wait3A_87 = arith.constant 0 : i32
    %dma_wait3A_88 = tpu.memref_slice %arg8[%dma_wait3A_82, %dma_wait3A_87] : memref<250x40xi32, #tpu.memory_space<vmem>> -> memref<1x40xi32, #tpu.memory_space<vmem>>
    %dma_wait3A_89 = tpu.memref_squeeze %dma_wait3A_88 : memref<1x40xi32, #tpu.memory_space<vmem>> -> memref<40xi32, #tpu.memory_space<vmem>>
    %dma_wait3A_90 = arith.constant 0 : i32
    %dma_wait3A_91 = arith.constant 0 : i32
    %dma_wait3A_92 = tpu.memref_slice %arg11[%dma_wait3A_90, %dma_wait3A_91] : memref<10000x128xf32, #tpu.memory_space<vmem_shared>> -> memref<10000x128xf32, #tpu.memory_space<vmem_shared>>
    tpu.wait_indirect_dma semaphore(%arg17 : memref<!tpu.dma_semaphore, #tpu.memory_space<semaphore_mem>>) src(%dma_wait3A_86 : memref<40x128xf32, #tpu.memory_space<vmem>>) dst(%dma_wait3A_92 : memref<10000x128xf32, #tpu.memory_space<vmem_shared>>)
    %barrier3A_93 = arith.constant 0 : index
    tpu.barrier barrier_id(%barrier3A_93)
    %mul3A_94 = arith.constant 625 : i32
    %mul3A_95 = arith.muli %arg1, %mul3A_94 : i32
    %mul3A_96 = arith.constant 625 : i32
    %mul3A_97 = arith.muli %arg1, %mul3A_96 : i32
    "tpu.region"() ({
      %run_scoped3A = tpu.sem_alloc : memref<!tpu.dma_semaphore, #tpu.memory_space<semaphore_mem>>
      %dma_start3A_103 = arith.constant 0 : i32
      %dma_start3A_104 = tpu.memref_slice %arg5[%arg0, %mul3A_97, %dma_start3A_103] : memref<2x10000x128xf32, #tpu.memory_space<hbm>> -> memref<1x625x128xf32, #tpu.memory_space<hbm>>
      %dma_start3A_105 = tpu.memref_squeeze %dma_start3A_104 : memref<1x625x128xf32, #tpu.memory_space<hbm>> -> memref<625x128xf32, #tpu.memory_space<hbm>>
      %dma_start3A_106 = arith.constant 0 : i32
      %dma_start3A_107 = tpu.memref_slice %arg11[%mul3A_95, %dma_start3A_106] : memref<10000x128xf32, #tpu.memory_space<vmem_shared>> -> memref<625x128xf32, #tpu.memory_space<vmem_shared>>
      tpu.enqueue_dma source(%dma_start3A_107 : memref<625x128xf32, #tpu.memory_space<vmem_shared>>) target(%dma_start3A_105 : memref<625x128xf32, #tpu.memory_space<hbm>>) target_semaphore(%run_scoped3A : memref<!tpu.dma_semaphore, #tpu.memory_space<semaphore_mem>>)
      %dma_wait3A_108 = arith.constant 0 : i32
      %dma_wait3A_109 = tpu.memref_slice %arg5[%arg0, %mul3A_97, %dma_wait3A_108] : memref<2x10000x128xf32, #tpu.memory_space<hbm>> -> memref<1x625x128xf32, #tpu.memory_space<hbm>>
      %dma_wait3A_110 = tpu.memref_squeeze %dma_wait3A_109 : memref<1x625x128xf32, #tpu.memory_space<hbm>> -> memref<625x128xf32, #tpu.memory_space<hbm>>
      %dma_wait3A_111 = arith.constant 0 : i32
      %dma_wait3A_112 = tpu.memref_slice %arg11[%mul3A_95, %dma_wait3A_111] : memref<10000x128xf32, #tpu.memory_space<vmem_shared>> -> memref<625x128xf32, #tpu.memory_space<vmem_shared>>
      tpu.wait_dma2 semaphore(%run_scoped3A : memref<!tpu.dma_semaphore, #tpu.memory_space<semaphore_mem>>) src(%dma_wait3A_112 : memref<625x128xf32, #tpu.memory_space<vmem_shared>>) dst(%dma_wait3A_110 : memref<625x128xf32, #tpu.memory_space<hbm>>)
      tpu.yield
    }) : () -> ()
    %scan3A_98 = arith.constant 0 : i32
    %scan3A_99 = arith.constant 25 : i32
    %scan3A_100 = arith.addi %scan3A_98, %scan3A_99 : i32
    %scan3A_101 = arith.constant 1 : i32
    scf.for %scan3A_103 = %scan3A_98 to %scan3A_100 step %scan3A_101  : i32 {
      %mul3A_104 = arith.constant 1 : i32
      %mul3A_105 = arith.muli %scan3A_103, %mul3A_104 : i32
      %add3A_106 = arith.constant 0 : i32
      %add3A_107 = arith.addi %add3A_106, %mul3A_105 : i32
      %mul3A_108 = arith.constant 400 : i32
      %mul3A_109 = arith.muli %add3A_107, %mul3A_108 : i32
      "tpu.region"() ({
        %run_scoped3A = tpu.sem_alloc : memref<!tpu.dma_semaphore, #tpu.memory_space<semaphore_mem>>
        %dma_start3A_110 = tpu.memref_slice %arg10[%mul3A_109] : memref<10000xf32, #tpu.memory_space<vmem>> -> memref<400xf32, #tpu.memory_space<vmem>>
        %dma_start3A_111 = arith.constant 0 : i32
        %dma_start3A_112 = tpu.memref_slice %arg6[%add3A_107, %add3A, %dma_start3A_111] : memref<25x32x400xf32, #tpu.memory_space<hbm>> -> memref<1x1x400xf32, #tpu.memory_space<hbm>>
        %dma_start3A_113 = tpu.memref_squeeze %dma_start3A_112 : memref<1x1x400xf32, #tpu.memory_space<hbm>> -> memref<400xf32, #tpu.memory_space<hbm>>
        %dma_start3A_114 = arith.constant 0 : i32
        %dma_start3A_115 = tpu.memref_slice %arg6[%add3A_107, %add3A, %dma_start3A_114] : memref<25x32x400xf32, #tpu.memory_space<hbm>> -> memref<1x1x400xf32, #tpu.memory_space<hbm>>
        %dma_start3A_116 = tpu.memref_squeeze %dma_start3A_115 : memref<1x1x400xf32, #tpu.memory_space<hbm>> -> memref<400xf32, #tpu.memory_space<hbm>>
        %dma_start3A_117 = tpu.memref_slice %arg10[%mul3A_109] : memref<10000xf32, #tpu.memory_space<vmem>> -> memref<400xf32, #tpu.memory_space<vmem>>
        tpu.enqueue_dma source(%dma_start3A_117 : memref<400xf32, #tpu.memory_space<vmem>>) target(%dma_start3A_116 : memref<400xf32, #tpu.memory_space<hbm>>) target_semaphore(%run_scoped3A : memref<!tpu.dma_semaphore, #tpu.memory_space<semaphore_mem>>)
        %dma_wait3A_118 = tpu.memref_slice %arg10[%mul3A_109] : memref<10000xf32, #tpu.memory_space<vmem>> -> memref<400xf32, #tpu.memory_space<vmem>>
        %dma_wait3A_119 = arith.constant 0 : i32
        %dma_wait3A_120 = tpu.memref_slice %arg6[%add3A_107, %add3A, %dma_wait3A_119] : memref<25x32x400xf32, #tpu.memory_space<hbm>> -> memref<1x1x400xf32, #tpu.memory_space<hbm>>
        %dma_wait3A_121 = tpu.memref_squeeze %dma_wait3A_120 : memref<1x1x400xf32, #tpu.memory_space<hbm>> -> memref<400xf32, #tpu.memory_space<hbm>>
        %dma_wait3A_122 = arith.constant 0 : i32
        %dma_wait3A_123 = tpu.memref_slice %arg6[%add3A_107, %add3A, %dma_wait3A_122] : memref<25x32x400xf32, #tpu.memory_space<hbm>> -> memref<1x1x400xf32, #tpu.memory_space<hbm>>
        %dma_wait3A_124 = tpu.memref_squeeze %dma_wait3A_123 : memref<1x1x400xf32, #tpu.memory_space<hbm>> -> memref<400xf32, #tpu.memory_space<hbm>>
        %dma_wait3A_125 = tpu.memref_slice %arg10[%mul3A_109] : memref<10000xf32, #tpu.memory_space<vmem>> -> memref<400xf32, #tpu.memory_space<vmem>>
        tpu.wait_dma2 semaphore(%run_scoped3A : memref<!tpu.dma_semaphore, #tpu.memory_space<semaphore_mem>>) src(%dma_wait3A_125 : memref<400xf32, #tpu.memory_space<vmem>>) dst(%dma_wait3A_124 : memref<400xf32, #tpu.memory_space<hbm>>)
        tpu.yield
      }) : () -> ()
    }
    %scan3A_102 = arith.constant 25 : i32
    return
  }
}

module attributes {stable_mosaic.version = 14 : i64} {
  func.func @_tc1_body(%arg0: i32, %arg1: memref<2x400x128xf32, #tpu.memory_space<vmem>>, %arg2: memref<1x32x400xf32, #tpu.memory_space<vmem>>, %arg3: memref<400x128xf32, #tpu.memory_space<vmem>>, %arg4: memref<128x128xf32, #tpu.memory_space<vmem>>, %arg5: memref<1x128xf32, #tpu.memory_space<vmem>>, %arg6: memref<128x128xf32, #tpu.memory_space<vmem>>, %arg7: memref<400x128xf32, #tpu.memory_space<vmem>>, %arg8: memref<400x1xf32, #tpu.memory_space<vmem>>) attributes {dimension_semantics = [#tpu.dimension_semantics<arbitrary>], iteration_bounds = array<i64: 25>, scalar_prefetch = 0 : i64, scratch_operands = 0 : i64, tpu.core_type = #tpu.core_type<tc>, window_params = [{transform_indices = @transform_0, window_bounds = array<i64: 2, 400, 128>}, {transform_indices = @transform_1, window_bounds = array<i64: 1, 32, 400>}, {transform_indices = @transform_2, window_bounds = array<i64: 400, 128>}, {pipeline_mode = #tpu.pipeline_mode<synchronous>, transform_indices = @transform_3, window_bounds = array<i64: 128, 128>}, {pipeline_mode = #tpu.pipeline_mode<synchronous>, transform_indices = @transform_4, window_bounds = array<i64: 1, 128>}, {pipeline_mode = #tpu.pipeline_mode<synchronous>, transform_indices = @transform_5, window_bounds = array<i64: 128, 128>}, {transform_indices = @transform_6, window_bounds = array<i64: 400, 128>}, {transform_indices = @transform_7, window_bounds = array<i64: 400, 1>}]} {
    %get3A = arith.constant 0 : index
    %get3A_0 = arith.constant 0 : index
    %get3A_1 = arith.constant 0 : index
    %get3A_2 = vector.load %arg2[%get3A, %get3A_0, %get3A_1] : memref<1x32x400xf32, #tpu.memory_space<vmem>>, vector<1x32x400xf32>
    %get3A_3 = vector.shape_cast %get3A_2 : vector<1x32x400xf32> to vector<32x400xf32>
    %reduce_sum3A = arith.constant dense<0.000000e+00> : vector<400xf32>
    %reduce_sum3A_4 = vector.multi_reduction <add>, %get3A_3, %reduce_sum3A [0] : vector<32x400xf32> to vector<400xf32>
    %max3A = arith.constant 1.000000e+00 : f32
    %max3A_5 = vector.broadcast %max3A : f32 to vector<400xf32>
    %max3A_6 = arith.maximumf %reduce_sum3A_4, %max3A_5 : vector<400xf32>
    %div3A = arith.constant 1.000000e+00 : f32
    %div3A_7 = vector.broadcast %div3A : f32 to vector<400xf32>
    %div3A_8 = arith.divf %div3A_7, %max3A_6 : vector<400xf32>
    %broadcast_in_dim3A = vector.shape_cast %div3A_8 : vector<400xf32> to vector<400x1xf32>
    %swap3A = arith.constant 0 : index
    %swap3A_9 = arith.constant 0 : index
    %swap3A_10 = vector.load %arg8[%swap3A, %swap3A_9] : memref<400x1xf32, #tpu.memory_space<vmem>>, vector<400x1xf32>
    tpu.vector_store %arg8[%swap3A, %swap3A_9], %broadcast_in_dim3A {strides = array<i32>} : memref<400x1xf32, #tpu.memory_space<vmem>>, vector<400x1xf32>,
    %get3A_11 = arith.constant 0 : index
    %get3A_12 = arith.constant 0 : index
    %get3A_13 = arith.constant 0 : index
    %get3A_14 = vector.load %arg1[%get3A_11, %get3A_12, %get3A_13] : memref<2x400x128xf32, #tpu.memory_space<vmem>>, vector<1x400x128xf32>
    %get3A_15 = vector.shape_cast %get3A_14 : vector<1x400x128xf32> to vector<400x128xf32>
    %get3A_16 = arith.constant 1 : index
    %get3A_17 = arith.constant 0 : index
    %get3A_18 = arith.constant 0 : index
    %get3A_19 = vector.load %arg1[%get3A_16, %get3A_17, %get3A_18] : memref<2x400x128xf32, #tpu.memory_space<vmem>>, vector<1x400x128xf32>
    %get3A_20 = vector.shape_cast %get3A_19 : vector<1x400x128xf32> to vector<400x128xf32>
    %add3A = arith.addf %get3A_15, %get3A_20 : vector<400x128xf32>
    %mul3A = vector.broadcast %broadcast_in_dim3A : vector<400x1xf32> to vector<400x128xf32>
    %mul3A_21 = arith.mulf %add3A, %mul3A : vector<400x128xf32>
    %get3A_22 = arith.constant 0 : index
    %get3A_23 = arith.constant 0 : index
    %get3A_24 = vector.load %arg4[%get3A_22, %get3A_23] : memref<128x128xf32, #tpu.memory_space<vmem>>, vector<128x128xf32>
    %dot_general3A = arith.constant dense<0.000000e+00> : vector<400x128xf32>
    %dot_general3A_25 = tpu.matmul %mul3A_21, %get3A_24, %dot_general3A {dimension_numbers = #tpu.dot_dimension_numbers<[1], [0], [0], [1], [0, 0, 1, 1], [], []>, transpose_lhs_hint = false} : vector<400x128xf32>, vector<128x128xf32>, vector<400x128xf32> -> vector<400x128xf32>
    %get3A_26 = arith.constant 0 : index
    %get3A_27 = arith.constant 0 : index
    %get3A_28 = vector.load %arg5[%get3A_26, %get3A_27] : memref<1x128xf32, #tpu.memory_space<vmem>>, vector<1x128xf32>
    %add3A_29 = vector.broadcast %get3A_28 : vector<1x128xf32> to vector<400x128xf32>
    %add3A_30 = arith.addf %dot_general3A_25, %add3A_29 : vector<400x128xf32>
    %get3A_31 = arith.constant 0 : index
    %get3A_32 = arith.constant 0 : index
    %get3A_33 = vector.load %arg3[%get3A_31, %get3A_32] : memref<400x128xf32, #tpu.memory_space<vmem>>, vector<400x128xf32>
    %get3A_34 = arith.constant 0 : index
    %get3A_35 = arith.constant 0 : index
    %get3A_36 = vector.load %arg6[%get3A_34, %get3A_35] : memref<128x128xf32, #tpu.memory_space<vmem>>, vector<128x128xf32>
    %dot_general3A_37 = arith.constant dense<0.000000e+00> : vector<400x128xf32>
    %dot_general3A_38 = tpu.matmul %get3A_33, %get3A_36, %dot_general3A_37 {dimension_numbers = #tpu.dot_dimension_numbers<[1], [0], [0], [1], [0, 0, 1, 1], [], []>, transpose_lhs_hint = false} : vector<400x128xf32>, vector<128x128xf32>, vector<400x128xf32> -> vector<400x128xf32>
    %add3A_39 = arith.addf %add3A_30, %dot_general3A_38 : vector<400x128xf32>
    %gt3A = arith.constant 0.000000e+00 : f32
    %gt3A_40 = vector.broadcast %gt3A : f32 to vector<400x128xf32>
    %gt3A_41 = arith.cmpf ogt, %add3A_39, %gt3A_40 : vector<400x128xf32>
    %min3A = arith.constant 0.000000e+00 : f32
    %min3A_42 = vector.broadcast %min3A : f32 to vector<400x128xf32>
    %min3A_43 = arith.minimumf %add3A_39, %min3A_42 : vector<400x128xf32>
    %exp3A = math.exp %min3A_43 : vector<400x128xf32>
    %sub3A = arith.constant 1.000000e+00 : f32
    %sub3A_44 = vector.broadcast %sub3A : f32 to vector<400x128xf32>
    %sub3A_45 = arith.subf %exp3A, %sub3A_44 : vector<400x128xf32>
    %select_n3A = arith.select %gt3A_41, %add3A_39, %sub3A_45 : vector<400x128xi1>, vector<400x128xf32>
    %swap3A_46 = arith.constant 0 : index
    %swap3A_47 = arith.constant 0 : index
    %swap3A_48 = vector.load %arg7[%swap3A_46, %swap3A_47] : memref<400x128xf32, #tpu.memory_space<vmem>>, vector<400x128xf32>
    tpu.vector_store %arg7[%swap3A_46, %swap3A_47], %select_n3A {strides = array<i32>} : memref<400x128xf32, #tpu.memory_space<vmem>>, vector<400x128xf32>,
    return
  }
  func.func @transform_0(%arg0: i32) -> (i32, i32, i32) {
    %c0_i32 = arith.constant 0 : i32
    %c0_i32_0 = arith.constant 0 : i32
    %c0_i32_1 = arith.constant 0 : i32
    return %c0_i32, %arg0, %c0_i32_0 : i32, i32, i32
  }
  func.func @transform_1(%arg0: i32) -> (i32, i32, i32) {
    %c0_i32 = arith.constant 0 : i32
    %c0_i32_0 = arith.constant 0 : i32
    %c0_i32_1 = arith.constant 0 : i32
    return %arg0, %c0_i32, %c0_i32_0 : i32, i32, i32
  }
  func.func @transform_2(%arg0: i32) -> (i32, i32) {
    %c0_i32 = arith.constant 0 : i32
    %c0_i32_0 = arith.constant 0 : i32
    return %arg0, %c0_i32 : i32, i32
  }
  func.func @transform_3(%arg0: i32) -> (i32, i32) {
    %c0_i32 = arith.constant 0 : i32
    %c0_i32_0 = arith.constant 0 : i32
    %c0_i32_1 = arith.constant 0 : i32
    return %c0_i32, %c0_i32_0 : i32, i32
  }
  func.func @transform_4(%arg0: i32) -> (i32, i32) {
    %c0_i32 = arith.constant 0 : i32
    %c0_i32_0 = arith.constant 0 : i32
    %c0_i32_1 = arith.constant 0 : i32
    return %c0_i32, %c0_i32_0 : i32, i32
  }
  func.func @transform_5(%arg0: i32) -> (i32, i32) {
    %c0_i32 = arith.constant 0 : i32
    %c0_i32_0 = arith.constant 0 : i32
    %c0_i32_1 = arith.constant 0 : i32
    return %c0_i32, %c0_i32_0 : i32, i32
  }
  func.func @transform_6(%arg0: i32) -> (i32, i32) {
    %c0_i32 = arith.constant 0 : i32
    %c0_i32_0 = arith.constant 0 : i32
    return %arg0, %c0_i32 : i32, i32
  }
  func.func @transform_7(%arg0: i32) -> (i32, i32) {
    %c0_i32 = arith.constant 0 : i32
    %c0_i32_0 = arith.constant 0 : i32
    return %arg0, %c0_i32 : i32, i32
  }
}

module attributes {stable_mosaic.version = 14 : i64} {
  func.func @_tc2_body(%arg0: i32, %arg1: memref<2x400x128xf32, #tpu.memory_space<vmem>>, %arg2: memref<400x1xf32, #tpu.memory_space<vmem>>, %arg3: memref<400x128xf32, #tpu.memory_space<vmem>>, %arg4: memref<128x128xf32, #tpu.memory_space<vmem>>, %arg5: memref<1x128xf32, #tpu.memory_space<vmem>>, %arg6: memref<128x128xf32, #tpu.memory_space<vmem>>, %arg7: memref<400x128xf32, #tpu.memory_space<vmem>>) attributes {dimension_semantics = [#tpu.dimension_semantics<arbitrary>], iteration_bounds = array<i64: 25>, scalar_prefetch = 0 : i64, scratch_operands = 0 : i64, tpu.core_type = #tpu.core_type<tc>, window_params = [{transform_indices = @transform_0, window_bounds = array<i64: 2, 400, 128>}, {transform_indices = @transform_1, window_bounds = array<i64: 400, 1>}, {transform_indices = @transform_2, window_bounds = array<i64: 400, 128>}, {pipeline_mode = #tpu.pipeline_mode<synchronous>, transform_indices = @transform_3, window_bounds = array<i64: 128, 128>}, {pipeline_mode = #tpu.pipeline_mode<synchronous>, transform_indices = @transform_4, window_bounds = array<i64: 1, 128>}, {pipeline_mode = #tpu.pipeline_mode<synchronous>, transform_indices = @transform_5, window_bounds = array<i64: 128, 128>}, {transform_indices = @transform_6, window_bounds = array<i64: 400, 128>}]} {
    %get3A = arith.constant 0 : index
    %get3A_0 = arith.constant 0 : index
    %get3A_1 = arith.constant 0 : index
    %get3A_2 = vector.load %arg1[%get3A, %get3A_0, %get3A_1] : memref<2x400x128xf32, #tpu.memory_space<vmem>>, vector<1x400x128xf32>
    %get3A_3 = vector.shape_cast %get3A_2 : vector<1x400x128xf32> to vector<400x128xf32>
    %get3A_4 = arith.constant 1 : index
    %get3A_5 = arith.constant 0 : index
    %get3A_6 = arith.constant 0 : index
    %get3A_7 = vector.load %arg1[%get3A_4, %get3A_5, %get3A_6] : memref<2x400x128xf32, #tpu.memory_space<vmem>>, vector<1x400x128xf32>
    %get3A_8 = vector.shape_cast %get3A_7 : vector<1x400x128xf32> to vector<400x128xf32>
    %add3A = arith.addf %get3A_3, %get3A_8 : vector<400x128xf32>
    %get3A_9 = arith.constant 0 : index
    %get3A_10 = arith.constant 0 : index
    %get3A_11 = vector.load %arg2[%get3A_9, %get3A_10] : memref<400x1xf32, #tpu.memory_space<vmem>>, vector<400x1xf32>
    %mul3A = vector.broadcast %get3A_11 : vector<400x1xf32> to vector<400x128xf32>
    %mul3A_12 = arith.mulf %add3A, %mul3A : vector<400x128xf32>
    %get3A_13 = arith.constant 0 : index
    %get3A_14 = arith.constant 0 : index
    %get3A_15 = vector.load %arg4[%get3A_13, %get3A_14] : memref<128x128xf32, #tpu.memory_space<vmem>>, vector<128x128xf32>
    %dot_general3A = arith.constant dense<0.000000e+00> : vector<400x128xf32>
    %dot_general3A_16 = tpu.matmul %mul3A_12, %get3A_15, %dot_general3A {dimension_numbers = #tpu.dot_dimension_numbers<[1], [0], [0], [1], [0, 0, 1, 1], [], []>, transpose_lhs_hint = false} : vector<400x128xf32>, vector<128x128xf32>, vector<400x128xf32> -> vector<400x128xf32>
    %get3A_17 = arith.constant 0 : index
    %get3A_18 = arith.constant 0 : index
    %get3A_19 = vector.load %arg5[%get3A_17, %get3A_18] : memref<1x128xf32, #tpu.memory_space<vmem>>, vector<1x128xf32>
    %add3A_20 = vector.broadcast %get3A_19 : vector<1x128xf32> to vector<400x128xf32>
    %add3A_21 = arith.addf %dot_general3A_16, %add3A_20 : vector<400x128xf32>
    %get3A_22 = arith.constant 0 : index
    %get3A_23 = arith.constant 0 : index
    %get3A_24 = vector.load %arg3[%get3A_22, %get3A_23] : memref<400x128xf32, #tpu.memory_space<vmem>>, vector<400x128xf32>
    %get3A_25 = arith.constant 0 : index
    %get3A_26 = arith.constant 0 : index
    %get3A_27 = vector.load %arg6[%get3A_25, %get3A_26] : memref<128x128xf32, #tpu.memory_space<vmem>>, vector<128x128xf32>
    %dot_general3A_28 = arith.constant dense<0.000000e+00> : vector<400x128xf32>
    %dot_general3A_29 = tpu.matmul %get3A_24, %get3A_27, %dot_general3A_28 {dimension_numbers = #tpu.dot_dimension_numbers<[1], [0], [0], [1], [0, 0, 1, 1], [], []>, transpose_lhs_hint = false} : vector<400x128xf32>, vector<128x128xf32>, vector<400x128xf32> -> vector<400x128xf32>
    %add3A_30 = arith.addf %add3A_21, %dot_general3A_29 : vector<400x128xf32>
    %swap3A = arith.constant 0 : index
    %swap3A_31 = arith.constant 0 : index
    %swap3A_32 = vector.load %arg7[%swap3A, %swap3A_31] : memref<400x128xf32, #tpu.memory_space<vmem>>, vector<400x128xf32>
    tpu.vector_store %arg7[%swap3A, %swap3A_31], %add3A_30 {strides = array<i32>} : memref<400x128xf32, #tpu.memory_space<vmem>>, vector<400x128xf32>,
    return
  }
  func.func @transform_0(%arg0: i32) -> (i32, i32, i32) {
    %c0_i32 = arith.constant 0 : i32
    %c0_i32_0 = arith.constant 0 : i32
    %c0_i32_1 = arith.constant 0 : i32
    return %c0_i32, %arg0, %c0_i32_0 : i32, i32, i32
  }
  func.func @transform_1(%arg0: i32) -> (i32, i32) {
    %c0_i32 = arith.constant 0 : i32
    %c0_i32_0 = arith.constant 0 : i32
    return %arg0, %c0_i32 : i32, i32
  }
  func.func @transform_2(%arg0: i32) -> (i32, i32) {
    %c0_i32 = arith.constant 0 : i32
    %c0_i32_0 = arith.constant 0 : i32
    return %arg0, %c0_i32 : i32, i32
  }
  func.func @transform_3(%arg0: i32) -> (i32, i32) {
    %c0_i32 = arith.constant 0 : i32
    %c0_i32_0 = arith.constant 0 : i32
    %c0_i32_1 = arith.constant 0 : i32
    return %c0_i32, %c0_i32_0 : i32, i32
  }
  func.func @transform_4(%arg0: i32) -> (i32, i32) {
    %c0_i32 = arith.constant 0 : i32
    %c0_i32_0 = arith.constant 0 : i32
    %c0_i32_1 = arith.constant 0 : i32
    return %c0_i32, %c0_i32_0 : i32, i32
  }
  func.func @transform_5(%arg0: i32) -> (i32, i32) {
    %c0_i32 = arith.constant 0 : i32
    %c0_i32_0 = arith.constant 0 : i32
    %c0_i32_1 = arith.constant 0 : i32
    return %c0_i32, %c0_i32_0 : i32, i32
  }
  func.func @transform_6(%arg0: i32) -> (i32, i32) {
    %c0_i32 = arith.constant 0 : i32
    %c0_i32_0 = arith.constant 0 : i32
    return %arg0, %c0_i32 : i32, i32
  }
}

</mosaic_0001>

<sc_bundles>
// kernel: sage_sc.3.cloned.1.call-start
scs
__scs_entry_jumppad:
0x0: {  	(pc) =	sbr.rel $0x88, $3  }
0x1: {  	(tag) =	ssettag $0x0;
	lr =	simm.s32 $0x1  }
0x2: {  	[smem:$0x3F99] =	sst lr;
	_ =	strace $0xD0000000  }
0x3: {  	_ = 	snop  }
0x4: {  	_ = 	snop  }
0x5: {  	_ = 	snop  }
0x6: {  	_ = 	snop  }
0x7: {  	_ = 	snop  }
__scs_overlays_trampoline_lowered:
0x8: {  	[smem:$0x3FA8] =	sst s0  }
0x9: {  	[smem:$0x3FA9] =	sst s1  }
0xa: {  	[smem:$0x3FAA] =	sst s2  }
0xb: {  	[smem:$0x3FAB] =	sst s3  }
0xc: {  	[smem:$0x3FAC] =	sst s4  }
0xd: {  	[smem:$0x3FAD] =	sst s5  }
0xe: {  	[smem:$0x3FAE] =	sst s6  }
0xf: {  	[smem:$0x3FAF] =	sst s7  }
0x10: {  	[smem:$0x3FB0] =	sst s8  }
0x11: {  	[smem:$0x3FB1] =	sst s9;
	s0 =	simm.s32 @!p0 $0x0  }
0x12: {  	s1 =	sld [smem:$0x3F97];
	s0 =	simm.s32 @p0 $0x1  }
0x13: {  	[smem:$0x3FB2] =	sst s0;
	s0 =	simm.s32 @!p1 $0x0  }
0x14: {  	s2 =	sld [smem:$0x3F96];
	s0 =	simm.s32 @p1 $0x1  }
0x15: {  	[smem:$0x3FB3] =	sst s0;
	s0 =	simm.s32 @!p2 $0x0  }
0x16: {  	s3 =	sld [smem:$0x3FDB];
	s0 =	simm.s32 @p2 $0x1  }
0x17: {  	s4 =	simm.s32 $0x1BF5;
	[smem:$0x3FB5] =	sst s0  }
0x18: {  	s0 =	sld [smem:$0x3F98];
	_ =	swait.ge [sflag:s4], $0x0  }
0x19: {  	s7 =	sld [smem:$0x3F99]  }
0x1a: {  	s8 =	sadd.s32 $0xFFFFE003, lr  }
0x1b: {  	s9 =	sadd.s32 $0xFFFFFEF7, lr;
	s5 =	simm.s32 $0xFFFFFFFF;
	p2 =	slt.u32 s8, $0xFFFFF086  }
0x1c: {  	p1 =	slt.u32 s9, $0xF7A;
	s5 =	simm.s32 @!p2 $0x0  }
0x1d: {  	s5 =	simm.s32 @p1 $0x1;
	p0 =	seq.s32 s7, s2  }
0x1e: {  	s7 =	smul.u32 @!p0 $0xF7A, s2;
	p2 =	seq.s32 @!p0 s5, $0x0  }
0x1f: {  	s9 =	smul.u32 $0xF7A, s1;
	s8 =	simm.s32 @!p0 $0x1BF5;
	p2 =	por !p2, p0  }
0x20: {  	[sflag:s8] =	ssyncset.s32 @!p0 $0xFFFFF086;
	s6 =	sadd.s32 @!p0 s3, s7;
	s7 =	simm.s32 @!p0 $0x108  }
0x21: {  	s3 =	sadd.s32 s3, s9;
	s6 =	sadd.s32 @!p0 $0x88, s6;
	s7 =	simm.s32 @p2 $0x1082  }
0x22: {  	[simem:s7], [sflag:s8] =	dma.local @!p0 [hbm:s6], $0xF7A  }
0x23: {  	s9 =	sor.u32 $0xD0000000, s2;
	s6 =	simm.s32 $0x108;
	_ =	swait.ge @!p0 [sflag:s8], $0x0  }
0x24: {  	s3 =	sadd.s32 $0x88, s3;
	s6 =	simm.s32 @!p1 $0x1082;
	[sflag:s4] =	ssyncset.s32 $0xFFFFF086  }
0x25: {  	[simem:s6], [sflag:s4] =	dma.local [hbm:s3], $0xF7A  }
0x26: {  	[smem:$0x3F99] =	sst s1;
	(tag) =	ssettag s2;
	_ =	strace s9  }
0x27: {  	s1 =	sld [smem:$0x3FA9]  }
0x28: {  	s2 =	sld [smem:$0x3FAA]  }
0x29: {  	s4 =	sld [smem:$0x3FAC]  }
0x2a: {  	p0 =	seq.s32 s5, $0x0;
	s5 =	sld [smem:$0x3FAD]  }
0x2b: {  	s6 =	sld [smem:$0x3FAE]  }
0x2c: {  	s7 =	sld [smem:$0x3FAF]  }
0x2d: {  	s3 =	simm.s32 $0x108;
	s8 =	sld [smem:$0x3FB0]  }
0x2e: {  	s3 =	simm.s32 @!p0 $0x1082;
	s9 =	sld [smem:$0x3FB1]  }
0x2f: {  	lr =	sadd.s32 s0, s3;
	s0 =	sld [smem:$0x3FA8]  }
0x30: {  	s3 =	sld [smem:$0x3FAB]  }
0x31: {  	[smem:$0x3FB4] =	sst s10  }
0x32: {  	s10 =	sld [smem:$0x3FB2];
	_ =	sdelay $0x3  }
0x33: {  	p0 =	seq.s32 s10, $0x1;
	s10 =	sld [smem:$0x3FB4];
	_ =	sdelay $0x3  }
0x34: {  	[smem:$0x3FB4] =	sst s10  }
0x35: {  	s10 =	sld [smem:$0x3FB3];
	_ =	sdelay $0x3  }
0x36: {  	p1 =	seq.s32 s10, $0x1;
	s10 =	sld [smem:$0x3FB4];
	_ =	sdelay $0x3  }
0x37: {  	[smem:$0x3FB4] =	sst s10  }
0x38: {  	s10 =	sld [smem:$0x3FB5]  }
0x39: {  	_ = 	snop;
	(pc) =	sbr.ind lr, $3  }
0x3a: {  	_ = 	snop  }
0x3b: {  	_ = 	snop  }
0x3c: {  	p2 =	seq.s32 s10, $0x1;
	s10 =	sld [smem:$0x3FB4]  }
0x3d: {  	_ =	shalt  }
0x3e: {  	_ =	shalt  }
0x3f: {  	_ =	shalt  }
0x40: {  	_ =	shalt  }
0x41: {  	_ =	shalt  }
0x42: {  	_ =	shalt  }
0x43: {  	_ =	shalt  }
0x44: {  	_ =	shalt  }
0x45: {  	_ =	shalt  }
0x46: {  	_ =	shalt  }
0x47: {  	_ =	shalt  }
0x48: {  	_ =	shalt  }
0x49: {  	_ =	shalt  }
0x4a: {  	_ =	shalt  }
0x4b: {  	_ =	shalt  }
0x4c: {  	_ =	shalt  }
0x4d: {  	_ =	shalt  }
0x4e: {  	_ =	shalt  }
0x4f: {  	_ =	shalt  }
0x50: {  	_ =	shalt  }
0x51: {  	_ =	shalt  }
0x52: {  	_ =	shalt  }
0x53: {  	_ =	shalt  }
0x54: {  	_ =	shalt  }
0x55: {  	_ =	shalt  }
0x56: {  	_ =	shalt  }
0x57: {  	_ =	shalt  }
0x58: {  	_ =	shalt  }
0x59: {  	_ =	shalt  }
0x5a: {  	_ =	shalt  }
0x5b: {  	_ =	shalt  }
0x5c: {  	_ =	shalt  }
0x5d: {  	_ =	shalt  }
0x5e: {  	_ =	shalt  }
0x5f: {  	_ =	shalt  }
0x60: {  	_ =	shalt  }
0x61: {  	_ =	shalt  }
0x62: {  	_ =	shalt  }
0x63: {  	_ =	shalt  }
0x64: {  	_ =	shalt  }
0x65: {  	_ =	shalt  }
0x66: {  	_ =	shalt  }
0x67: {  	_ =	shalt  }
0x68: {  	_ =	shalt  }
0x69: {  	_ =	shalt  }
0x6a: {  	_ =	shalt  }
0x6b: {  	_ =	shalt  }
0x6c: {  	_ =	shalt  }
0x6d: {  	_ =	shalt  }
0x6e: {  	_ =	shalt  }
0x6f: {  	_ =	shalt  }
0x70: {  	_ =	shalt  }
0x71: {  	_ =	shalt  }
0x72: {  	_ =	shalt  }
0x73: {  	_ =	shalt  }
0x74: {  	_ =	shalt  }
0x75: {  	_ =	shalt  }
0x76: {  	_ =	shalt  }
0x77: {  	_ =	shalt  }
0x78: {  	_ =	shalt  }
0x79: {  	_ =	shalt  }
0x7a: {  	_ =	shalt  }
0x7b: {  	_ =	shalt  }
0x7c: {  	_ =	shalt  }
0x7d: {  	_ =	shalt  }
0x7e: {  	_ =	shalt  }
0x7f: {  	_ =	shalt  }
0x80: {  	_ =	shalt  }
0x81: {  	_ =	shalt  }
0x82: {  	_ =	shalt  }
0x83: {  	_ =	shalt  }
0x84: {  	_ =	shalt  }
0x85: {  	_ =	shalt  }
0x86: {  	_ =	shalt  }
0x87: {  	_ =	shalt  }
.Lfunc_end0:
.L_simem_size_0:
called_computation.1_lowered:
.L_overlay_start_0:
0x88: {  	s2 =	sld [smem:$0x3FD9]  }
0x89: {  	s3 =	sld [smem:$0x3FFE];
	_ =	sdelay $0x1  }
0x8a: {  	s1 =	srdreg.scid  }
0x8b: {  	s0 =	sand.u32 $0x1, s1  }
0x8c: {  	s17 =	sshll.u32 s0, $0xA;
	s2 =	sadd.s32 s3, s2  }
0x8d: {  	s2 =	sadd.s32 s2, s17  }
0x8e: {  	[smem:$0x3FC0] =	sst s2  }
0x8f: {  	_ = 	snop  }
0x90: {  	s2 =	sld [smem:$0x3FD0];
	(tm) =	ssettm $0x1  }
0x91: {  	s18 =	sld [smem:$0x3FFB];
	_ =	sdelay $0x3  }
0x92: {  	_ =	strace s18  }
0x93: {  	s3 =	sld [smem:$0x3FFC];
	_ =	sdelay $0x3  }
0x94: {  	_ =	strace s3  }
0x95: {  	s3 =	sld [smem:$0x3FFD];
	_ =	sdelay $0x3  }
0x96: {  	_ =	strace s3  }
0x97: {  	_ =	strace $0x8FFFFFFF  }
0x98: {  	s19 =	sld [smem:$0x3FDB];
	_ =	sdelay $0x1  }
0x99: {  	s4 =	simm.s32 $_scs_section_size  }
0x9a: {  	s5 =	simm.s32 $_size__tile_overlayer_lowered;
	s6 =	simm.s32 $_tile_overlayer_lowered  }
0x9b: {  	s22 =	simm.s32 $0x1BFF;
	s21 =	sshll.u32 s6, $0x1;
	s3 =	sadd.s32 s4, s19  }
0x9c: {  	s7 =	simm.s32 $0x0;
	s20 =	sshll.u32 s5, $0x1;
	s5 =	sadd.s32 s21, s3  }
0x9d: {  	[timem:s7], [sflag:s22] =	dma.local [hbm:s5], s20  }
0x9e: {  	_ =	swait.ge [sflag:s22], s20  }
0x9f: {  	s4 =	ssub.s32 $0x0, s20;
	[sflag:s22] =	ssyncset.done $0x0  }
0xa0: {  	[sflag:s22] =	ssyncadd.s32 s4;
	_ =	sdelay $0x1  }
0xa1: {  	s23 =	simm.s32 $0x1B8B  }
0xa2: {  	_ =	swait.ge [sflag:s23], $0x1  }
0xa3: {  	[sflag:s23] =	ssyncset.done $0x0  }
0xa4: {  	s25 =	simm.s32 $0x1B8E;
	s24 =	sld [smem:$0x3FFE];
	[sflag:s23] =	ssyncadd.s32 $0xFFFFFFFF  }
0xa5: {  	s26 =	simm.s32 $execute0_lowered;
	[smem:$0x3FD2] =	sst s25  }
0xa6: {  	s5 =	sshll.u32 s26, $0x1;
	_ =	strace $0x80000049;
	[dreg:$0x1] =	wrdreg $0xFFFFFFFF  }
0xa7: {  	s28 =	simm.s32 $_size_execute0_lowered;
	s3 =	sadd.s32 s3, s5;
	[dreg:$0x0] =	wrdreg $0x0  }
0xa8: {  	s5 =	sshll.u32 s28, $0x1;
	[dreg:$0x2] =	wrdreg s3  }
0xa9: {  	[dreg:$0x3] =	wrdreg s5  }
0xaa: {  	[dreg:$0x4] =	wrdreg $0xC0  }
0xab: {  	_ =	task [dreg:s7], $0x5FFFF  }
0xac: {  	[dreg:$0x1] =	wrdreg $0xFFFFFFFF  }
0xad: {  	[dreg:$0x0] =	wrdreg $0x60  }
0xae: {  	[dreg:$0x2] =	wrdreg s2  }
0xaf: {  	[dreg:$0x3] =	wrdreg s24  }
0xb0: {  	[dreg:$0x4] =	wrdreg $0xB2200  }
0xb1: {  	[dreg:$0x5] =	wrdreg $0x9  }
0xb2: {  	_ =	task.clear_ibuf [dreg:s7], $0x6FFFF;
	_ =	strace $0x90000049  }
0xb3: {  	s29 =	simm.s32 $0x9;
	_ =	strace $0x8000004B  }
0xb4: {  	_ =	swait.ge [sflag:s29], $0x1  }
0xb5: {  	[sflag:s29] =	ssyncadd.s32 $0xFFFFFFFF  }
0xb6: {  	_ =	strace $0x9000004B  }
0xb7: {  	_ =	sfence  }
0xb8: {  	s30 =	sld [smem:$0x0];
	_ =	sdelay $0x2  }
0xb9: {  	s31 =	sshll.u32 s1, $0xD;
	s1 =	sshrl.u32 s1, $0x2  }
0xba: {  	s3 =	sand.u32 $0x4000, s31;
	s1 =	sadd.s32 s1, s30  }
0xbb: {  	s0 =	sor.u32 s3, s0;
	s1 =	sshll.u32 s1, $0x11  }
0xbc: {  	s0 =	sor.u32 s1, s0  }
0xbd: {  	s0 =	sadd.s32 $0x8F2B, s0  }
0xbe: {  	[sflag:s0] =	ssyncadd.remote.s32 $0x1  }
0xbf: {  	_ =	sfence.sel $0xFFFF  }
0xc0: {  	[dreg:$0x0] =	wrdreg $0xFFFFFFFF;
	(pc) =	sbr.abs _section_cstart, $3  }
0xc1: {  	[dreg:$0x1] =	wrdreg $0xFFFFFFFF  }
0xc2: {  	_ =	task.clear_ibuf [dreg:s7], $0x2FFFF;
	_ =	strace $0x9FFFFFFF  }
0xc3: {  	(tm) =	ssettm $0x7FFFFFFF  }
tec
execute0_lowered:
.L_overlay_start_1:
0x0: {  	(tag) =	ssettag $0x1  }
0x1: {  	s1 =	rddreg [dreg:$0x0]  }
0x2: {  	s0 =	rddreg [dreg:$0x1]  }
0x3: {  	s3 =	rddreg [dreg:$0x2];
	s2 =	srdreg.scid  }
0x4: {  	s9 =	stileid.u32;
	s4 =	simm.s32 $0x0;
	s10 =	simm.s32 $0x4E20  }
0x5: {  	s11 =	simm.s32 $0xB;
	s12 =	simm.s32 $0x2710;
	s13 =	simm.s32 $0x28  }
0x6: {  	s14 =	simm.s32 $0x6220;
	s16 =	simm.s32 $0x7620;
	s18 =	simm.s32 $0x8A20  }
0x7: {  	s19 =	simm.s32 $0x1;
	s21 =	simm.s32 $0x9E20;
	s22 =	simm.s32 $0x2  }
0x8: {  	s28 =	simm.s32 $0x3;
	s30 =	simm.s32 $0x7;
	s17 =	simm.s32 $0x8  }
0x9: {  	s23 =	simm.s32 $0x5;
	s29 =	simm.s32 $0xA;
	s2 =	sand.u32 $0x1, s2  }
0xa: {  	s8 =	smul.u32 $0x13880, s9;
	[smem:$0x7FF] =	sst s4;
	s5 =	sshll.u32 s2, $0x4  }
0xb: {  	s6 =	smul.u32 $0x138800, s2;
	_ =	strace $0x8000004A;
	s2 =	ssub.s32 $0x2, s2  }
0xc: {  	s5 =	sor.u32 s9, s5;
	s25 =	sshrl.u32 s2, $0x1;
	s9 =	smul.u32 $0x4E200, s9  }
0xd: {  	s26 =	sadd.s32 s8, s3;
	s5 =	smul.u32 $0x4E2, s5;
	s6 =	sadd.s32 s8, s6  }
0xe: {  	s2 =	ssub.s32 s2, s25;
	s25 =	sshrl.u32 s26, $0x3;
	s26 =	simm.s32 $0x9  }
0xf: {  	s24 =	sshrl.u32 s6, $0x3;
	s8 =	smax.u32 s2, $0x1;
	s31 =	sshrl.u32 s9, $0x2  }
0x10: {  	s2 =	simm.s32 $0x27B0;
	s7 =	sadd.s32 s5, s0;
	s0 =	sadd.s32 s24, s0  }
0x11: {  	s9 =	sadd.s32 s31, s3;
	s24 =	simm.s32 $0x6;
	s5 =	sadd.s32 $0xC200, s7  }
0x12: {  	v0 =	vimm.f32 $0.0e+00;
	s6 =	sadd.s32 $0x2400, s7;
	s7 =	sadd.s32 $0x16000, s0;
	s0 =	simm.s32 $0x4  }
.LBB2_1:
0x13: {  	s15 =	simm.s32 $0x4E60  }
0x14: {  	[tilespmem:s15+$0xFFFFFFC0] =	vst v0  }
0x15: {  	[tilespmem:s15+$0x30] =	vst v0  }
0x16: {  	[tilespmem:s15+$0x20] =	vst v0  }
0x17: {  	[tilespmem:s15+$0x10] =	vst v0  }
0x18: {  	[tilespmem:s15+$0x0] =	vst v0  }
0x19: {  	[tilespmem:s15+$0xFFFFFFF0] =	vst v0  }
0x1a: {  	s31 =	simm.s32 $0x1;
	[tilespmem:s15+$0xFFFFFFE0] =	vst v0  }
.LBB2_2:
0x1b: {  	p0 =	sne.s32 s31, $0xC7;
	s31 =	sadd.s32 $0x1, s31;
	[tilespmem:s15+$0xFFFFFFD0] =	vst v0;
	s15 =	sadd.s32 $0x80, s15  }
0x1c: {  	[tilespmem:s15+$0xFFFFFFC0] =	vst v0  }
0x1d: {  	[tilespmem:s15+$0x30] =	vst v0  }
.Ltmp0:
0x1e: {  	[tilespmem:s15+$0x20] =	vst v0;
	(pc) =	sbr.rel @p0 .LBB2_2-.Ltmp0, $4  }
0x1f: {  	[tilespmem:s15+$0x10] =	vst v0  }
0x20: {  	[tilespmem:s15+$0x0] =	vst v0  }
0x21: {  	[tilespmem:s15+$0xFFFFFFF0] =	vst v0  }
0x22: {  	[tilespmem:s15+$0xFFFFFFE0] =	vst v0  }
0x23: {  	[tilespmem:s15+$0xFFFFFFD0] =	vst v0;
	s31 =	sadd.s32 $0x0, s9  }
0x24: {  	[spmem:s31] =	stream.linear.scatter [tilespmem:s10], [sflag:$0xB], $0xC80, $0x38;
	[tilespmem:$0x1EAA0] =	vst v63  }
0x25: {  	s15 =	simm.s32 $0x3200;
	_ =	swait.ge [sflag:s11], $0xC80  }
.LBB2_4:
0x26: {  	s31 =	sshra.s32 s15, $0x2;
	[sflag:s11] =	ssyncset.done $0x0;
	p0 =	sne.s32 s15, $0x4B000  }
.Ltmp1:
0x27: {  	s31 =	sadd.s32 s31, s9;
	[sflag:s11] =	ssyncadd.s32 $0xFFFFF380;
	(pc) =	sbr.rel @p0 .LBB2_4-.Ltmp1, $3  }
0x28: {  	[spmem:s31] =	stream.linear.scatter [tilespmem:s10], [sflag:$0xB], $0xC80, $0x38;
	[tilespmem:$0x1EAA0] =	vst v63  }
0x29: {  	s15 =	sadd.s32 $0x3200, s15;
	_ =	sdelay $0x1  }
0x2a: {  	_ =	swait.ge [sflag:s11], $0xC80  }
0x2b: {  	[sflag:s11] =	ssyncset.done $0x0  }
0x2c: {  	s15 =	simm.s32 $0x0;
	[sflag:s11] =	ssyncadd.s32 $0xFFFFF380  }
0x2d: {  	[tilespmem:s15], [sflag:$0xB] =	stream.linear.gather [hbm4b:s5+s15], $0x2710, $0x38;
	[tilespmem:$0x1EAA0] =	vst v63  }
0x2e: {  	_ =	swait.ge [sflag:s11], $0x2710  }
0x2f: {  	[sflag:s11] =	ssyncset.done $0x0  }
0x30: {  	[sflag:s11] =	ssyncadd.s32 $0xFFFFD8F0  }
0x31: {  	[tilespmem:s12], [sflag:$0xB] =	stream.linear.gather [hbm4b:s6+s15], $0x2710, $0x38;
	[tilespmem:$0x1EAA0] =	vst v63  }
0x32: {  	_ =	swait.ge [sflag:s11], $0x2710  }
0x33: {  	[sflag:s11] =	ssyncset.done $0x0  }
0x34: {  	[sflag:s11] =	ssyncadd.s32 $0xFFFFD8F0  }
0x35: {  	[bflag:$0x0] =	sbarrier.arrive $0xFFFF  }
0x36: {  	[tilespmem:s10], [sflag:$0x1] =	stream.indirect.gather [hbm4b:s1+s13], $0x80, s15, s13, $0xb8;
	[tilespmem:$0x1EAA0] =	vst v63  }
0x37: {  	_ = 	snop  }
0x38: {  	[tilespmem:s14], [sflag:$0x2] =	stream.indirect.gather [hbm4b:s1+s13], $0x80, s13, s13, $0xb8;
	[tilespmem:$0x1EAA0] =	vst v63  }
0x39: {  	s20 =	simm.s32 $0x50  }
0x3a: {  	[tilespmem:s16], [sflag:$0x3] =	stream.indirect.gather [hbm4b:s1+s13], $0x80, s20, s13, $0xb8;
	[tilespmem:$0x1EAA0] =	vst v63  }
0x3b: {  	s20 =	simm.s32 $0x78  }
0x3c: {  	[tilespmem:s18], [sflag:$0x4] =	stream.indirect.gather [hbm4b:s1+s13], $0x80, s20, s13, $0xb8;
	[tilespmem:$0x1EAA0] =	vst v63  }
0x3d: {  	_ =	swait.ge [sflag:s19], $0x1400  }
0x3e: {  	[sflag:s19] =	ssyncset.done $0x0  }
0x3f: {  	[sflag:s19] =	ssyncadd.s32 $0xFFFFEC00  }
0x40: {  	[spmem:s3] =	stream.indirect.scatter.add.f32 [tilespmem:s10], [sflag:$0x6], $0x80, s12, s13, $0xb8;
	[tilespmem:$0x1EAA0] =	vst v63  }
0x41: {  	s20 =	simm.s32 $0xA0  }
0x42: {  	[tilespmem:s21], [sflag:$0x5] =	stream.indirect.gather [hbm4b:s1+s13], $0x80, s20, s13, $0xb8;
	[tilespmem:$0x1EAA0] =	vst v63  }
0x43: {  	_ =	swait.ge [sflag:s22], $0x1400  }
0x44: {  	[sflag:s22] =	ssyncset.done $0x0  }
0x45: {  	s20 =	simm.s32 $0x2738;
	[sflag:s22] =	ssyncadd.s32 $0xFFFFEC00  }
0x46: {  	[spmem:s3] =	stream.indirect.scatter.add.f32 [tilespmem:s14], [sflag:$0x7], $0x80, s20, s13, $0xb8;
	[tilespmem:$0x1EAA0] =	vst v63  }
0x47: {  	_ =	swait.ge [sflag:s24], $0x1400  }
0x48: {  	[sflag:s24] =	ssyncset.done $0x0  }
0x49: {  	s20 =	simm.s32 $0xC8;
	[sflag:s24] =	ssyncadd.s32 $0xFFFFEC00  }
0x4a: {  	[tilespmem:s10], [sflag:$0x1] =	stream.indirect.gather [hbm4b:s1+s13], $0x80, s20, s13, $0xb8;
	[tilespmem:$0x1EAA0] =	vst v63  }
0x4b: {  	_ =	swait.ge [sflag:s28], $0x1400  }
0x4c: {  	[sflag:s28] =	ssyncset.done $0x0  }
0x4d: {  	s20 =	simm.s32 $0x2760;
	[sflag:s28] =	ssyncadd.s32 $0xFFFFEC00  }
0x4e: {  	[spmem:s3] =	stream.indirect.scatter.add.f32 [tilespmem:s16], [sflag:$0x8], $0x80, s20, s13, $0xb8;
	[tilespmem:$0x1EAA0] =	vst v63  }
0x4f: {  	_ =	swait.ge [sflag:s30], $0x1400  }
0x50: {  	[sflag:s30] =	ssyncset.done $0x0  }
0x51: {  	s20 =	simm.s32 $0xF0;
	[sflag:s30] =	ssyncadd.s32 $0xFFFFEC00  }
0x52: {  	[tilespmem:s14], [sflag:$0x2] =	stream.indirect.gather [hbm4b:s1+s13], $0x80, s20, s13, $0xb8;
	[tilespmem:$0x1EAA0] =	vst v63  }
0x53: {  	_ =	swait.ge [sflag:s0], $0x1400  }
0x54: {  	[sflag:s0] =	ssyncset.done $0x0  }
0x55: {  	s20 =	simm.s32 $0x2788;
	[sflag:s0] =	ssyncadd.s32 $0xFFFFEC00  }
0x56: {  	[spmem:s3] =	stream.indirect.scatter.add.f32 [tilespmem:s18], [sflag:$0x9], $0x80, s20, s13, $0xb8;
	[tilespmem:$0x1EAA0] =	vst v63  }
0x57: {  	_ =	swait.ge [sflag:s17], $0x1400  }
0x58: {  	[sflag:s17] =	ssyncset.done $0x0  }
0x59: {  	s20 =	simm.s32 $0x118;
	[sflag:s17] =	ssyncadd.s32 $0xFFFFEC00  }
0x5a: {  	[tilespmem:s16], [sflag:$0x3] =	stream.indirect.gather [hbm4b:s1+s13], $0x80, s20, s13, $0xb8;
	[tilespmem:$0x1EAA0] =	vst v63  }
0x5b: {  	_ =	swait.ge [sflag:s23], $0x1400  }
0x5c: {  	[sflag:s23] =	ssyncset.done $0x0  }
0x5d: {  	[sflag:s23] =	ssyncadd.s32 $0xFFFFEC00  }
0x5e: {  	[spmem:s3] =	stream.indirect.scatter.add.f32 [tilespmem:s21], [sflag:$0xA], $0x80, s2, s13, $0xb8;
	[tilespmem:$0x1EAA0] =	vst v63  }
0x5f: {  	_ =	swait.ge [sflag:s26], $0x1400  }
0x60: {  	[sflag:s26] =	ssyncset.done $0x0  }
0x61: {  	s20 =	simm.s32 $0x140;
	[sflag:s26] =	ssyncadd.s32 $0xFFFFEC00  }
0x62: {  	[tilespmem:s18], [sflag:$0x4] =	stream.indirect.gather [hbm4b:s1+s13], $0x80, s20, s13, $0xb8;
	[tilespmem:$0x1EAA0] =	vst v63  }
0x63: {  	_ =	swait.ge [sflag:s19], $0x1400  }
0x64: {  	[sflag:s19] =	ssyncset.done $0x0  }
0x65: {  	s20 =	simm.s32 $0x27D8;
	[sflag:s19] =	ssyncadd.s32 $0xFFFFEC00  }
0x66: {  	[spmem:s3] =	stream.indirect.scatter.add.f32 [tilespmem:s10], [sflag:$0x6], $0x80, s20, s13, $0xb8;
	[tilespmem:$0x1EAA0] =	vst v63  }
0x67: {  	_ =	swait.ge [sflag:s29], $0x1400  }
0x68: {  	[sflag:s29] =	ssyncset.done $0x0  }
0x69: {  	s20 =	simm.s32 $0x168;
	[sflag:s29] =	ssyncadd.s32 $0xFFFFEC00  }
0x6a: {  	[tilespmem:s21], [sflag:$0x5] =	stream.indirect.gather [hbm4b:s1+s13], $0x80, s20, s13, $0xb8;
	[tilespmem:$0x1EAA0] =	vst v63  }
0x6b: {  	_ =	swait.ge [sflag:s22], $0x1400  }
0x6c: {  	[sflag:s22] =	ssyncset.done $0x0  }
0x6d: {  	s20 =	simm.s32 $0x2800;
	[sflag:s22] =	ssyncadd.s32 $0xFFFFEC00  }
0x6e: {  	[spmem:s3] =	stream.indirect.scatter.add.f32 [tilespmem:s14], [sflag:$0x7], $0x80, s20, s13, $0xb8;
	[tilespmem:$0x1EAA0] =	vst v63  }
0x6f: {  	_ =	swait.ge [sflag:s24], $0x1400  }
0x70: {  	[sflag:s24] =	ssyncset.done $0x0  }
0x71: {  	s20 =	simm.s32 $0x190;
	[sflag:s24] =	ssyncadd.s32 $0xFFFFEC00  }
0x72: {  	[tilespmem:s10], [sflag:$0x1] =	stream.indirect.gather [hbm4b:s1+s13], $0x80, s20, s13, $0xb8;
	[tilespmem:$0x1EAA0] =	vst v63  }
0x73: {  	_ =	swait.ge [sflag:s28], $0x1400  }
0x74: {  	[sflag:s28] =	ssyncset.done $0x0  }
0x75: {  	s20 =	simm.s32 $0x2828;
	[sflag:s28] =	ssyncadd.s32 $0xFFFFEC00  }
0x76: {  	[spmem:s3] =	stream.indirect.scatter.add.f32 [tilespmem:s16], [sflag:$0x8], $0x80, s20, s13, $0xb8;
	[tilespmem:$0x1EAA0] =	vst v63  }
0x77: {  	_ =	swait.ge [sflag:s30], $0x1400  }
0x78: {  	[sflag:s30] =	ssyncset.done $0x0  }
0x79: {  	s20 =	simm.s32 $0x1B8;
	[sflag:s30] =	ssyncadd.s32 $0xFFFFEC00  }
0x7a: {  	[tilespmem:s14], [sflag:$0x2] =	stream.indirect.gather [hbm4b:s1+s13], $0x80, s20, s13, $0xb8;
	[tilespmem:$0x1EAA0] =	vst v63  }
0x7b: {  	_ =	swait.ge [sflag:s0], $0x1400  }
0x7c: {  	[sflag:s0] =	ssyncset.done $0x0  }
0x7d: {  	s20 =	simm.s32 $0x2850;
	[sflag:s0] =	ssyncadd.s32 $0xFFFFEC00  }
0x7e: {  	[spmem:s3] =	stream.indirect.scatter.add.f32 [tilespmem:s18], [sflag:$0x9], $0x80, s20, s13, $0xb8;
	[tilespmem:$0x1EAA0] =	vst v63  }
0x7f: {  	_ =	swait.ge [sflag:s17], $0x1400  }
0x80: {  	[sflag:s17] =	ssyncset.done $0x0  }
0x81: {  	s20 =	simm.s32 $0x1E0;
	[sflag:s17] =	ssyncadd.s32 $0xFFFFEC00  }
0x82: {  	[tilespmem:s16], [sflag:$0x3] =	stream.indirect.gather [hbm4b:s1+s13], $0x80, s20, s13, $0xb8;
	[tilespmem:$0x1EAA0] =	vst v63  }
0x83: {  	_ =	swait.ge [sflag:s23], $0x1400  }
0x84: {  	[sflag:s23] =	ssyncset.done $0x0  }
0x85: {  	s31 =	simm.s32 $0x320;
	s15 =	simm.s32 $0x2878;
	[sflag:s23] =	ssyncadd.s32 $0xFFFFEC00  }
.LBB2_6:
0x86: {  	[spmem:s3] =	stream.indirect.scatter.add.f32 [tilespmem:s21], [sflag:$0xA], $0x80, s15, s13, $0xb8;
	[tilespmem:$0x1EAA0] =	vst v63  }
0x87: {  	s15 =	smov.u32 s31;
	s31 =	sadd.s32 $0x320, s31;
	_ =	swait.ge [sflag:s26], $0x1400  }
0x88: {  	s15 =	sshra.s32 s15, $0x2;
	p0 =	sne.s32 s31, $0x9600;
	[sflag:s26] =	ssyncset.done $0x0  }
0x89: {  	s20 =	sadd.s32 $0x140, s15;
	[sflag:s26] =	ssyncadd.s32 $0xFFFFEC00  }
0x8a: {  	[tilespmem:s18], [sflag:$0x4] =	stream.indirect.gather [hbm4b:s1+s13], $0x80, s20, s13, $0xb8;
	[tilespmem:$0x1EAA0] =	vst v63  }
0x8b: {  	_ =	swait.ge [sflag:s19], $0x1400  }
0x8c: {  	[sflag:s19] =	ssyncset.done $0x0  }
0x8d: {  	s20 =	sadd.s32 $0x27D8, s15;
	[sflag:s19] =	ssyncadd.s32 $0xFFFFEC00  }
0x8e: {  	[spmem:s3] =	stream.indirect.scatter.add.f32 [tilespmem:s10], [sflag:$0x6], $0x80, s20, s13, $0xb8;
	[tilespmem:$0x1EAA0] =	vst v63  }
0x8f: {  	_ =	swait.ge [sflag:s29], $0x1400  }
0x90: {  	[sflag:s29] =	ssyncset.done $0x0  }
0x91: {  	s20 =	sadd.s32 $0x168, s15;
	[sflag:s29] =	ssyncadd.s32 $0xFFFFEC00  }
0x92: {  	[tilespmem:s21], [sflag:$0x5] =	stream.indirect.gather [hbm4b:s1+s13], $0x80, s20, s13, $0xb8;
	[tilespmem:$0x1EAA0] =	vst v63  }
0x93: {  	_ =	swait.ge [sflag:s22], $0x1400  }
0x94: {  	[sflag:s22] =	ssyncset.done $0x0  }
0x95: {  	s20 =	sadd.s32 $0x2800, s15;
	[sflag:s22] =	ssyncadd.s32 $0xFFFFEC00  }
0x96: {  	[spmem:s3] =	stream.indirect.scatter.add.f32 [tilespmem:s14], [sflag:$0x7], $0x80, s20, s13, $0xb8;
	[tilespmem:$0x1EAA0] =	vst v63  }
0x97: {  	_ =	swait.ge [sflag:s24], $0x1400  }
0x98: {  	[sflag:s24] =	ssyncset.done $0x0  }
0x99: {  	s20 =	sadd.s32 $0x190, s15;
	[sflag:s24] =	ssyncadd.s32 $0xFFFFEC00  }
0x9a: {  	[tilespmem:s10], [sflag:$0x1] =	stream.indirect.gather [hbm4b:s1+s13], $0x80, s20, s13, $0xb8;
	[tilespmem:$0x1EAA0] =	vst v63  }
0x9b: {  	_ =	swait.ge [sflag:s28], $0x1400  }
0x9c: {  	[sflag:s28] =	ssyncset.done $0x0  }
0x9d: {  	s20 =	sadd.s32 $0x2828, s15;
	[sflag:s28] =	ssyncadd.s32 $0xFFFFEC00  }
0x9e: {  	[spmem:s3] =	stream.indirect.scatter.add.f32 [tilespmem:s16], [sflag:$0x8], $0x80, s20, s13, $0xb8;
	[tilespmem:$0x1EAA0] =	vst v63  }
0x9f: {  	_ =	swait.ge [sflag:s30], $0x1400  }
0xa0: {  	[sflag:s30] =	ssyncset.done $0x0  }
0xa1: {  	s20 =	sadd.s32 $0x1B8, s15;
	[sflag:s30] =	ssyncadd.s32 $0xFFFFEC00  }
0xa2: {  	[tilespmem:s14], [sflag:$0x2] =	stream.indirect.gather [hbm4b:s1+s13], $0x80, s20, s13, $0xb8;
	[tilespmem:$0x1EAA0] =	vst v63  }
0xa3: {  	_ =	swait.ge [sflag:s0], $0x1400  }
0xa4: {  	[sflag:s0] =	ssyncset.done $0x0  }
0xa5: {  	s20 =	sadd.s32 $0x2850, s15;
	[sflag:s0] =	ssyncadd.s32 $0xFFFFEC00  }
0xa6: {  	[spmem:s3] =	stream.indirect.scatter.add.f32 [tilespmem:s18], [sflag:$0x9], $0x80, s20, s13, $0xb8;
	[tilespmem:$0x1EAA0] =	vst v63  }
0xa7: {  	_ =	swait.ge [sflag:s17], $0x1400  }
0xa8: {  	[sflag:s17] =	ssyncset.done $0x0  }
.Ltmp2:
0xa9: {  	s20 =	sadd.s32 $0x1E0, s15;
	[sflag:s17] =	ssyncadd.s32 $0xFFFFEC00;
	(pc) =	sbr.rel @p0 .LBB2_6-.Ltmp2, $4  }
0xaa: {  	[tilespmem:s16], [sflag:$0x3] =	stream.indirect.gather [hbm4b:s1+s13], $0x80, s20, s13, $0xb8;
	[tilespmem:$0x1EAA0] =	vst v63  }
0xab: {  	_ =	swait.ge [sflag:s23], $0x1400  }
0xac: {  	[sflag:s23] =	ssyncset.done $0x0  }
0xad: {  	s15 =	sadd.s32 $0x2878, s15;
	[sflag:s23] =	ssyncadd.s32 $0xFFFFEC00  }
0xae: {  	[spmem:s3] =	stream.indirect.scatter.add.f32 [tilespmem:s21], [sflag:$0xA], $0x80, s15, s13, $0xb8;
	[tilespmem:$0x1EAA0] =	vst v63  }
0xaf: {  	_ =	swait.ge [sflag:s26], $0x1400  }
0xb0: {  	s15 =	sshra.s32 s31, $0x2;
	[sflag:s26] =	ssyncset.done $0x0  }
0xb1: {  	s20 =	sadd.s32 $0x140, s15;
	[sflag:s26] =	ssyncadd.s32 $0xFFFFEC00  }
0xb2: {  	[tilespmem:s18], [sflag:$0x4] =	stream.indirect.gather [hbm4b:s1+s13], $0x80, s20, s13, $0xb8;
	[tilespmem:$0x1EAA0] =	vst v63  }
0xb3: {  	_ =	swait.ge [sflag:s19], $0x1400  }
0xb4: {  	[sflag:s19] =	ssyncset.done $0x0  }
0xb5: {  	s31 =	sadd.s32 $0x27D8, s15;
	[sflag:s19] =	ssyncadd.s32 $0xFFFFEC00  }
0xb6: {  	[spmem:s3] =	stream.indirect.scatter.add.f32 [tilespmem:s10], [sflag:$0x6], $0x80, s31, s13, $0xb8;
	[tilespmem:$0x1EAA0] =	vst v63  }
0xb7: {  	_ =	swait.ge [sflag:s29], $0x1400  }
0xb8: {  	[sflag:s29] =	ssyncset.done $0x0  }
0xb9: {  	s31 =	sadd.s32 $0x168, s15;
	[sflag:s29] =	ssyncadd.s32 $0xFFFFEC00  }
0xba: {  	[tilespmem:s21], [sflag:$0x5] =	stream.indirect.gather [hbm4b:s1+s13], $0x80, s31, s13, $0xb8;
	[tilespmem:$0x1EAA0] =	vst v63  }
0xbb: {  	_ =	swait.ge [sflag:s22], $0x1400  }
0xbc: {  	[sflag:s22] =	ssyncset.done $0x0  }
0xbd: {  	s31 =	sadd.s32 $0x2800, s15;
	[sflag:s22] =	ssyncadd.s32 $0xFFFFEC00  }
0xbe: {  	[spmem:s3] =	stream.indirect.scatter.add.f32 [tilespmem:s14], [sflag:$0x7], $0x80, s31, s13, $0xb8;
	[tilespmem:$0x1EAA0] =	vst v63  }
0xbf: {  	_ =	swait.ge [sflag:s28], $0x1400  }
0xc0: {  	[sflag:s28] =	ssyncset.done $0x0  }
0xc1: {  	s31 =	sadd.s32 $0x2828, s15;
	[sflag:s28] =	ssyncadd.s32 $0xFFFFEC00  }
0xc2: {  	[spmem:s3] =	stream.indirect.scatter.add.f32 [tilespmem:s16], [sflag:$0x8], $0x80, s31, s13, $0xb8;
	[tilespmem:$0x1EAA0] =	vst v63  }
0xc3: {  	_ =	swait.ge [sflag:s0], $0x1400  }
0xc4: {  	[sflag:s0] =	ssyncset.done $0x0  }
0xc5: {  	s31 =	sadd.s32 $0x2850, s15;
	[sflag:s0] =	ssyncadd.s32 $0xFFFFEC00  }
0xc6: {  	[spmem:s3] =	stream.indirect.scatter.add.f32 [tilespmem:s18], [sflag:$0x9], $0x80, s31, s13, $0xb8;
	[tilespmem:$0x1EAA0] =	vst v63  }
0xc7: {  	_ =	swait.ge [sflag:s23], $0x1400  }
0xc8: {  	[sflag:s23] =	ssyncset.done $0x0  }
0xc9: {  	s15 =	sadd.s32 $0x2878, s15;
	[sflag:s23] =	ssyncadd.s32 $0xFFFFEC00  }
0xca: {  	[spmem:s3] =	stream.indirect.scatter.add.f32 [tilespmem:s21], [sflag:$0xA], $0x80, s15, s13, $0xb8;
	[tilespmem:$0x1EAA0] =	vst v63  }
0xcb: {  	_ =	swait.ge [sflag:s24], $0x1400  }
0xcc: {  	[sflag:s24] =	ssyncset.done $0x0  }
0xcd: {  	[sflag:s24] =	ssyncadd.s32 $0xFFFFEC00  }
0xce: {  	_ =	swait.ge [sflag:s30], $0x1400  }
0xcf: {  	[sflag:s30] =	ssyncset.done $0x0  }
0xd0: {  	[sflag:s30] =	ssyncadd.s32 $0xFFFFEC00  }
0xd1: {  	_ =	swait.ge [sflag:s17], $0x1400  }
0xd2: {  	[sflag:s17] =	ssyncset.done $0x0  }
0xd3: {  	[sflag:s17] =	ssyncadd.s32 $0xFFFFEC00  }
0xd4: {  	_ =	swait.ge [sflag:s26], $0x1400  }
0xd5: {  	[sflag:s26] =	ssyncset.done $0x0  }
0xd6: {  	[sflag:s26] =	ssyncadd.s32 $0xFFFFEC00  }
0xd7: {  	_ =	swait.ge [sflag:s29], $0x1400  }
0xd8: {  	s4 =	sadd.s32 $0x1, s4;
	s31 =	stileid.u32;
	[sflag:s29] =	ssyncset.done $0x0  }
0xd9: {  	p0 =	sne.s32 s4, s8;
	s15 =	sshll.u32 s31, $0x6;
	[sflag:s29] =	ssyncadd.s32 $0xFFFFEC00  }
.Ltmp3:
0xda: {  	s15 =	sor.u32 $0x1C0B, s15;
	[bflag:$0x0] =	sbarrier.arrive $0xFFFF;
	(pc) =	sbr.rel @p0 .LBB2_1-.Ltmp3, $4  }
0xdb: {  	[hbm:s7], [sflag:s15] =	dma.local [spmem:s25], $0x2710  }
0xdc: {  	_ =	swait.ge [sflag:s11], $0x2710  }
0xdd: {  	[sflag:s11] =	ssyncset.done $0x0  }
0xde: {  	[sflag:s11] =	ssyncadd.s32 $0xFFFFD8F0  }
0xdf: {  	_ =	sfence.sel $0x180000  }
0xe0: {  	[bflag:$0x0] =	sbarrier.arrive $0xFFFF  }
0xe1: {  	_ =	strace $0x9000004A  }
0xe2: {  	s0 =	stileid.u32;
	[bflag:$0x2] =	sbarrier.arrive $0xFFFF  }
0xe3: {  	p0 =	sne.s32 s0, $0x0;
	s0 =	rddreg [dreg:$0x3]  }
0xe4: {  	s0 =	sadd.s32 @!p0 $0x100000, s0  }
0xe5: {  	[sflag:s0] =	ssyncadd.tile.s32 @!p0 $0x1;
	_ =	shalt  }
.Lfunc_end2:
_tile_overlayer_lowered:
.L_overlay_start_2:
0xe6: {  	(tag) =	ssettag $0x2  }
0xe7: {  	s0 =	rddreg [dreg:$0x0];
	s2 =	stileid.u32  }
0xe8: {  	s1 =	rddreg [dreg:$0x1];
	p0 =	sne.s32 s2, $0x0  }
0xe9: {  	s3 =	rddreg [dreg:$0x2];
	[bflag:$0x3] =	sbarrier.arrive $0xFFFF;
	s2 =	simm.s32 @!p0 $0x1C0B  }
0xea: {  	[timem:s3], [sflag:s2] =	dma.local @!p0 [hbm:s0], s1  }
0xeb: {  	s0 =	simm.s32 @!p0 $0xB  }
0xec: {  	_ =	swait.ge @!p0 [sflag:s0], s1  }
0xed: {  	s1 =	ssub.s32 @!p0 $0x0, s1;
	[sflag:s0] =	ssyncset.done @!p0 $0x0  }
0xee: {  	[sflag:s0] =	ssyncadd.s32 @!p0 s1  }
0xef: {  	[bflag:$0x3] =	sbarrier.arrive $0xFFFF  }
0xf0: {  	_ =	shalt  }

// kernel: sage_sc_deg.3.cloned.1.call-start
scs
__scs_entry_jumppad:
0x0: {  	(pc) =	sbr.rel $0x88, $3  }
0x1: {  	(tag) =	ssettag $0x0;
	lr =	simm.s32 $0x1  }
0x2: {  	[smem:$0x3F99] =	sst lr;
	_ =	strace $0xD0000000  }
0x3: {  	_ = 	snop  }
0x4: {  	_ = 	snop  }
0x5: {  	_ = 	snop  }
0x6: {  	_ = 	snop  }
0x7: {  	_ = 	snop  }
__scs_overlays_trampoline_lowered:
0x8: {  	[smem:$0x3FA8] =	sst s0  }
0x9: {  	[smem:$0x3FA9] =	sst s1  }
0xa: {  	[smem:$0x3FAA] =	sst s2  }
0xb: {  	[smem:$0x3FAB] =	sst s3  }
0xc: {  	[smem:$0x3FAC] =	sst s4  }
0xd: {  	[smem:$0x3FAD] =	sst s5  }
0xe: {  	[smem:$0x3FAE] =	sst s6  }
0xf: {  	[smem:$0x3FAF] =	sst s7  }
0x10: {  	[smem:$0x3FB0] =	sst s8  }
0x11: {  	[smem:$0x3FB1] =	sst s9;
	s0 =	simm.s32 @!p0 $0x0  }
0x12: {  	s1 =	sld [smem:$0x3F97];
	s0 =	simm.s32 @p0 $0x1  }
0x13: {  	[smem:$0x3FB2] =	sst s0;
	s0 =	simm.s32 @!p1 $0x0  }
0x14: {  	s2 =	sld [smem:$0x3F96];
	s0 =	simm.s32 @p1 $0x1  }
0x15: {  	[smem:$0x3FB3] =	sst s0;
	s0 =	simm.s32 @!p2 $0x0  }
0x16: {  	s3 =	sld [smem:$0x3FDB];
	s0 =	simm.s32 @p2 $0x1  }
0x17: {  	s4 =	simm.s32 $0x1BF5;
	[smem:$0x3FB5] =	sst s0  }
0x18: {  	s0 =	sld [smem:$0x3F98];
	_ =	swait.ge [sflag:s4], $0x0  }
0x19: {  	s7 =	sld [smem:$0x3F99]  }
0x1a: {  	s8 =	sadd.s32 $0xFFFFE003, lr  }
0x1b: {  	s9 =	sadd.s32 $0xFFFFFEF7, lr;
	s5 =	simm.s32 $0xFFFFFFFF;
	p2 =	slt.u32 s8, $0xFFFFF086  }
0x1c: {  	p1 =	slt.u32 s9, $0xF7A;
	s5 =	simm.s32 @!p2 $0x0  }
0x1d: {  	s5 =	simm.s32 @p1 $0x1;
	p0 =	seq.s32 s7, s2  }
0x1e: {  	s7 =	smul.u32 @!p0 $0xF7A, s2;
	p2 =	seq.s32 @!p0 s5, $0x0  }
0x1f: {  	s9 =	smul.u32 $0xF7A, s1;
	s8 =	simm.s32 @!p0 $0x1BF5;
	p2 =	por !p2, p0  }
0x20: {  	[sflag:s8] =	ssyncset.s32 @!p0 $0xFFFFF086;
	s6 =	sadd.s32 @!p0 s3, s7;
	s7 =	simm.s32 @!p0 $0x108  }
0x21: {  	s3 =	sadd.s32 s3, s9;
	s6 =	sadd.s32 @!p0 $0x88, s6;
	s7 =	simm.s32 @p2 $0x1082  }
0x22: {  	[simem:s7], [sflag:s8] =	dma.local @!p0 [hbm:s6], $0xF7A  }
0x23: {  	s9 =	sor.u32 $0xD0000000, s2;
	s6 =	simm.s32 $0x108;
	_ =	swait.ge @!p0 [sflag:s8], $0x0  }
0x24: {  	s3 =	sadd.s32 $0x88, s3;
	s6 =	simm.s32 @!p1 $0x1082;
	[sflag:s4] =	ssyncset.s32 $0xFFFFF086  }
0x25: {  	[simem:s6], [sflag:s4] =	dma.local [hbm:s3], $0xF7A  }
0x26: {  	[smem:$0x3F99] =	sst s1;
	(tag) =	ssettag s2;
	_ =	strace s9  }
0x27: {  	s1 =	sld [smem:$0x3FA9]  }
0x28: {  	s2 =	sld [smem:$0x3FAA]  }
0x29: {  	s4 =	sld [smem:$0x3FAC]  }
0x2a: {  	p0 =	seq.s32 s5, $0x0;
	s5 =	sld [smem:$0x3FAD]  }
0x2b: {  	s6 =	sld [smem:$0x3FAE]  }
0x2c: {  	s7 =	sld [smem:$0x3FAF]  }
0x2d: {  	s3 =	simm.s32 $0x108;
	s8 =	sld [smem:$0x3FB0]  }
0x2e: {  	s3 =	simm.s32 @!p0 $0x1082;
	s9 =	sld [smem:$0x3FB1]  }
0x2f: {  	lr =	sadd.s32 s0, s3;
	s0 =	sld [smem:$0x3FA8]  }
0x30: {  	s3 =	sld [smem:$0x3FAB]  }
0x31: {  	[smem:$0x3FB4] =	sst s10  }
0x32: {  	s10 =	sld [smem:$0x3FB2];
	_ =	sdelay $0x3  }
0x33: {  	p0 =	seq.s32 s10, $0x1;
	s10 =	sld [smem:$0x3FB4];
	_ =	sdelay $0x3  }
0x34: {  	[smem:$0x3FB4] =	sst s10  }
0x35: {  	s10 =	sld [smem:$0x3FB3];
	_ =	sdelay $0x3  }
0x36: {  	p1 =	seq.s32 s10, $0x1;
	s10 =	sld [smem:$0x3FB4];
	_ =	sdelay $0x3  }
0x37: {  	[smem:$0x3FB4] =	sst s10  }
0x38: {  	s10 =	sld [smem:$0x3FB5]  }
0x39: {  	_ = 	snop;
	(pc) =	sbr.ind lr, $3  }
0x3a: {  	_ = 	snop  }
0x3b: {  	_ = 	snop  }
0x3c: {  	p2 =	seq.s32 s10, $0x1;
	s10 =	sld [smem:$0x3FB4]  }
0x3d: {  	_ =	shalt  }
0x3e: {  	_ =	shalt  }
0x3f: {  	_ =	shalt  }
0x40: {  	_ =	shalt  }
0x41: {  	_ =	shalt  }
0x42: {  	_ =	shalt  }
0x43: {  	_ =	shalt  }
0x44: {  	_ =	shalt  }
0x45: {  	_ =	shalt  }
0x46: {  	_ =	shalt  }
0x47: {  	_ =	shalt  }
0x48: {  	_ =	shalt  }
0x49: {  	_ =	shalt  }
0x4a: {  	_ =	shalt  }
0x4b: {  	_ =	shalt  }
0x4c: {  	_ =	shalt  }
0x4d: {  	_ =	shalt  }
0x4e: {  	_ =	shalt  }
0x4f: {  	_ =	shalt  }
0x50: {  	_ =	shalt  }
0x51: {  	_ =	shalt  }
0x52: {  	_ =	shalt  }
0x53: {  	_ =	shalt  }
0x54: {  	_ =	shalt  }
0x55: {  	_ =	shalt  }
0x56: {  	_ =	shalt  }
0x57: {  	_ =	shalt  }
0x58: {  	_ =	shalt  }
0x59: {  	_ =	shalt  }
0x5a: {  	_ =	shalt  }
0x5b: {  	_ =	shalt  }
0x5c: {  	_ =	shalt  }
0x5d: {  	_ =	shalt  }
0x5e: {  	_ =	shalt  }
0x5f: {  	_ =	shalt  }
0x60: {  	_ =	shalt  }
0x61: {  	_ =	shalt  }
0x62: {  	_ =	shalt  }
0x63: {  	_ =	shalt  }
0x64: {  	_ =	shalt  }
0x65: {  	_ =	shalt  }
0x66: {  	_ =	shalt  }
0x67: {  	_ =	shalt  }
0x68: {  	_ =	shalt  }
0x69: {  	_ =	shalt  }
0x6a: {  	_ =	shalt  }
0x6b: {  	_ =	shalt  }
0x6c: {  	_ =	shalt  }
0x6d: {  	_ =	shalt  }
0x6e: {  	_ =	shalt  }
0x6f: {  	_ =	shalt  }
0x70: {  	_ =	shalt  }
0x71: {  	_ =	shalt  }
0x72: {  	_ =	shalt  }
0x73: {  	_ =	shalt  }
0x74: {  	_ =	shalt  }
0x75: {  	_ =	shalt  }
0x76: {  	_ =	shalt  }
0x77: {  	_ =	shalt  }
0x78: {  	_ =	shalt  }
0x79: {  	_ =	shalt  }
0x7a: {  	_ =	shalt  }
0x7b: {  	_ =	shalt  }
0x7c: {  	_ =	shalt  }
0x7d: {  	_ =	shalt  }
0x7e: {  	_ =	shalt  }
0x7f: {  	_ =	shalt  }
0x80: {  	_ =	shalt  }
0x81: {  	_ =	shalt  }
0x82: {  	_ =	shalt  }
0x83: {  	_ =	shalt  }
0x84: {  	_ =	shalt  }
0x85: {  	_ =	shalt  }
0x86: {  	_ =	shalt  }
0x87: {  	_ =	shalt  }
.Lfunc_end0:
.L_simem_size_0:
called_computation_lowered:
.L_overlay_start_0:
0x88: {  	s2 =	sld [smem:$0x3FD9]  }
0x89: {  	s3 =	sld [smem:$0x3FFE];
	_ =	sdelay $0x1  }
0x8a: {  	s1 =	srdreg.scid  }
0x8b: {  	s0 =	sand.u32 $0x1, s1  }
0x8c: {  	s17 =	sshll.u32 s0, $0xA;
	s2 =	sadd.s32 s3, s2  }
0x8d: {  	s2 =	sadd.s32 s2, s17  }
0x8e: {  	[smem:$0x3FC0] =	sst s2  }
0x8f: {  	_ = 	snop  }
0x90: {  	s2 =	sld [smem:$0x3FC9];
	(tm) =	ssettm $0x1  }
0x91: {  	s18 =	sld [smem:$0x3FFB];
	_ =	sdelay $0x3  }
0x92: {  	_ =	strace s18  }
0x93: {  	s3 =	sld [smem:$0x3FFC];
	_ =	sdelay $0x3  }
0x94: {  	_ =	strace s3  }
0x95: {  	s3 =	sld [smem:$0x3FFD];
	_ =	sdelay $0x3  }
0x96: {  	_ =	strace s3  }
0x97: {  	_ =	strace $0x8FFFFFFF  }
0x98: {  	s19 =	sld [smem:$0x3FDB];
	_ =	sdelay $0x1  }
0x99: {  	s4 =	simm.s32 $_scs_section_size  }
0x9a: {  	s5 =	simm.s32 $_size__tile_overlayer_lowered;
	s6 =	simm.s32 $_tile_overlayer_lowered  }
0x9b: {  	s22 =	simm.s32 $0x1BFF;
	s21 =	sshll.u32 s6, $0x1;
	s3 =	sadd.s32 s4, s19  }
0x9c: {  	s7 =	simm.s32 $0x0;
	s20 =	sshll.u32 s5, $0x1;
	s5 =	sadd.s32 s21, s3  }
0x9d: {  	[timem:s7], [sflag:s22] =	dma.local [hbm:s5], s20  }
0x9e: {  	_ =	swait.ge [sflag:s22], s20  }
0x9f: {  	s4 =	ssub.s32 $0x0, s20;
	[sflag:s22] =	ssyncset.done $0x0  }
0xa0: {  	[sflag:s22] =	ssyncadd.s32 s4;
	_ =	sdelay $0x1  }
0xa1: {  	s23 =	simm.s32 $0x1B8B  }
0xa2: {  	_ =	swait.ge [sflag:s23], $0x1  }
0xa3: {  	[sflag:s23] =	ssyncset.done $0x0  }
0xa4: {  	s25 =	simm.s32 $0x1B8E;
	s24 =	sld [smem:$0x3FFE];
	[sflag:s23] =	ssyncadd.s32 $0xFFFFFFFF  }
0xa5: {  	s26 =	simm.s32 $execute0_lowered;
	[smem:$0x3FD2] =	sst s25  }
0xa6: {  	s5 =	sshll.u32 s26, $0x1;
	_ =	strace $0x80000046;
	[dreg:$0x1] =	wrdreg $0xFFFFFFFF  }
0xa7: {  	s28 =	simm.s32 $_size_execute0_lowered;
	s3 =	sadd.s32 s3, s5;
	[dreg:$0x0] =	wrdreg $0x0  }
0xa8: {  	s5 =	sshll.u32 s28, $0x1;
	[dreg:$0x2] =	wrdreg s3  }
0xa9: {  	[dreg:$0x3] =	wrdreg s5  }
0xaa: {  	[dreg:$0x4] =	wrdreg $0xC0  }
0xab: {  	_ =	task [dreg:s7], $0x5FFFF  }
0xac: {  	[dreg:$0x1] =	wrdreg $0xFFFFFFFF  }
0xad: {  	[dreg:$0x0] =	wrdreg $0x60  }
0xae: {  	[dreg:$0x2] =	wrdreg s2  }
0xaf: {  	[dreg:$0x3] =	wrdreg s24  }
0xb0: {  	[dreg:$0x4] =	wrdreg $0xC5300  }
0xb1: {  	[dreg:$0x5] =	wrdreg $0x9  }
0xb2: {  	_ =	task.clear_ibuf [dreg:s7], $0x6FFFF;
	_ =	strace $0x90000046  }
0xb3: {  	s29 =	simm.s32 $0x9;
	_ =	strace $0x80000048  }
0xb4: {  	_ =	swait.ge [sflag:s29], $0x1  }
0xb5: {  	[sflag:s29] =	ssyncadd.s32 $0xFFFFFFFF  }
0xb6: {  	_ =	strace $0x90000048  }
0xb7: {  	_ =	sfence  }
0xb8: {  	s30 =	sld [smem:$0x0];
	_ =	sdelay $0x2  }
0xb9: {  	s31 =	sshll.u32 s1, $0xD;
	s1 =	sshrl.u32 s1, $0x2  }
0xba: {  	s3 =	sand.u32 $0x4000, s31;
	s1 =	sadd.s32 s1, s30  }
0xbb: {  	s0 =	sor.u32 s3, s0;
	s1 =	sshll.u32 s1, $0x11  }
0xbc: {  	s0 =	sor.u32 s1, s0  }
0xbd: {  	s0 =	sadd.s32 $0x8F2B, s0  }
0xbe: {  	[sflag:s0] =	ssyncadd.remote.s32 $0x1  }
0xbf: {  	_ =	sfence.sel $0xFFFF  }
0xc0: {  	[dreg:$0x0] =	wrdreg $0xFFFFFFFF;
	(pc) =	sbr.abs _section_cstart, $3  }
0xc1: {  	[dreg:$0x1] =	wrdreg $0xFFFFFFFF  }
0xc2: {  	_ =	task.clear_ibuf [dreg:s7], $0x2FFFF;
	_ =	strace $0x9FFFFFFF  }
0xc3: {  	(tm) =	ssettm $0x7FFFFFFF  }
tec
execute0_lowered:
.L_overlay_start_1:
0x0: {  	(tag) =	ssettag $0x1  }
0x1: {  	s2 =	rddreg [dreg:$0x0]  }
0x2: {  	s7 =	rddreg [dreg:$0x1]  }
0x3: {  	s0 =	srdreg.scid;
	s3 =	rddreg [dreg:$0x2];
	s4 =	simm.s32 $0x0  }
0x4: {  	s14 =	simm.s32 $0x28;
	s15 =	simm.s32 $0x6220;
	s16 =	simm.s32 $0x7  }
0x5: {  	s17 =	simm.s32 $0x7620;
	s18 =	simm.s32 $0x1;
	s19 =	simm.s32 $0x9E20  }
0x6: {  	s20 =	simm.s32 $0x8;
	s21 =	simm.s32 $0x8A20;
	s5 =	sand.u32 $0x1, s0  }
0x7: {  	s22 =	simm.s32 $0x2;
	s0 =	stileid.u32;
	s8 =	smul.u32 $0x138800, s5  }
0x8: {  	s23 =	simm.s32 $0x5;
	s24 =	simm.s32 $0x6;
	s9 =	smul.u32 $0x13880, s0  }
0x9: {  	s26 =	simm.s32 $0x0;
	[smem:$0x7FF] =	sst s4;
	s10 =	smul.u32 $0x1900, s5  }
0xa: {  	s1 =	sshll.u32 s5, $0x4;
	s11 =	smul.u32 $0x190, s0;
	_ =	strace $0x80000047  }
0xb: {  	s5 =	ssub.s32 $0x2, s5;
	s12 =	smul.u32 $0x4E200, s0;
	s1 =	sor.u32 s0, s1  }
0xc: {  	s30 =	sshrl.u32 s5, $0x1;
	s6 =	smul.u32 $0x4E2, s1;
	s8 =	sadd.s32 s9, s8  }
0xd: {  	s10 =	sadd.s32 s11, s10;
	s11 =	ssub.s32 s5, s30;
	s25 =	sadd.s32 s9, s3  }
0xe: {  	s31 =	sshrl.u32 s12, $0x2;
	s12 =	simm.s32 $0x9;
	s8 =	sshrl.u32 s8, $0x3  }
0xf: {  	s10 =	sshrl.u32 s10, $0x3;
	s9 =	sadd.s32 s31, s3;
	s25 =	sshrl.u32 s25, $0x3  }
0x10: {  	s6 =	sadd.s32 s6, s7;
	s8 =	sadd.s32 s8, s7;
	s10 =	sadd.s32 s10, s7  }
0x11: {  	s5 =	sadd.s32 $0xC200, s6;
	s6 =	sadd.s32 $0x2400, s6;
	s7 =	sadd.s32 $0x1FE00, s8  }
0x12: {  	v0 =	vimm.f32 $0.0e+00;
	v1 =	vimm.f32 $1.000000000e+00;
	vm0 =	vcmask $0x3F20;
	s8 =	smax.u32 s11, $0x1;
	s10 =	sadd.s32 $0x16000, s10;
	s11 =	simm.s32 $0x4E20  }
.LBB2_1:
0x13: {  	s28 =	simm.s32 $0x4E60  }
0x14: {  	[tilespmem:s28+$0xFFFFFFC0] =	vst v0  }
0x15: {  	[tilespmem:s28+$0x30] =	vst v0  }
0x16: {  	[tilespmem:s28+$0x20] =	vst v0  }
0x17: {  	[tilespmem:s28+$0x10] =	vst v0  }
0x18: {  	[tilespmem:s28+$0x0] =	vst v0  }
0x19: {  	[tilespmem:s28+$0xFFFFFFF0] =	vst v0  }
0x1a: {  	s29 =	simm.s32 $0x1;
	[tilespmem:s28+$0xFFFFFFE0] =	vst v0  }
.LBB2_2:
0x1b: {  	p0 =	sne.s32 s29, $0x9F;
	s29 =	sadd.s32 $0x1, s29;
	[tilespmem:s28+$0xFFFFFFD0] =	vst v0;
	s28 =	sadd.s32 $0x80, s28  }
0x1c: {  	[tilespmem:s28+$0xFFFFFFC0] =	vst v0  }
0x1d: {  	[tilespmem:s28+$0x30] =	vst v0  }
.Ltmp0:
0x1e: {  	[tilespmem:s28+$0x20] =	vst v0;
	(pc) =	sbr.rel @p0 .LBB2_2-.Ltmp0, $4  }
0x1f: {  	[tilespmem:s28+$0x10] =	vst v0  }
0x20: {  	[tilespmem:s28+$0x0] =	vst v0  }
0x21: {  	[tilespmem:s28+$0xFFFFFFF0] =	vst v0  }
0x22: {  	[tilespmem:s28+$0xFFFFFFE0] =	vst v0  }
0x23: {  	[tilespmem:s28+$0xFFFFFFD0] =	vst v0;
	s28 =	sadd.s32 $0x0, s9  }
0x24: {  	[spmem:s28] =	stream.linear.scatter [tilespmem:s11], [sflag:$0x9], $0xC80, $0x38;
	[tilespmem:$0x1FDB0] =	vst v63  }
0x25: {  	s28 =	simm.s32 $0x3200;
	_ =	swait.ge [sflag:s12], $0xC80  }
.LBB2_4:
0x26: {  	s29 =	sshra.s32 s28, $0x2;
	[sflag:s12] =	ssyncset.done $0x0;
	p0 =	sne.s32 s28, $0x4B000  }
.Ltmp1:
0x27: {  	s29 =	sadd.s32 s29, s9;
	[sflag:s12] =	ssyncadd.s32 $0xFFFFF380;
	(pc) =	sbr.rel @p0 .LBB2_4-.Ltmp1, $3  }
0x28: {  	[spmem:s29] =	stream.linear.scatter [tilespmem:s11], [sflag:$0x9], $0xC80, $0x38;
	[tilespmem:$0x1FDB0] =	vst v63  }
0x29: {  	s28 =	sadd.s32 $0x3200, s28;
	_ =	sdelay $0x1  }
0x2a: {  	_ =	swait.ge [sflag:s12], $0xC80  }
0x2b: {  	[sflag:s12] =	ssyncset.done $0x0  }
0x2c: {  	s28 =	simm.s32 $0x40;
	s29 =	simm.s32 $0x0;
	[sflag:s12] =	ssyncadd.s32 $0xFFFFF380  }
.LBB2_6:
0x2d: {  	p0 =	sne.s32 s28, $0x9C00;
	[tilespmem:s29+$0x9E20] =	vst v0;
	s29 =	smov.u32 s28;
	s28 =	sadd.s32 $0x40, s28  }
.Ltmp2:
0x2e: {  	(pc) =	sbr.rel @p0 .LBB2_6-.Ltmp2, $2  }
0x2f: {  	_ =	sdelay $0x2  }
0x30: {  	s29 =	sshra.s32 s29, $0x2  }
0x31: {  	[tilespmem:s29+$0x9E20] =	vst v0;
	s28 =	simm.s32 $0x0  }
0x32: {  	[tilespmem:s28], [sflag:$0x9] =	stream.linear.gather [hbm4b:s5+s28], $0x2710, $0x38;
	[tilespmem:$0x1FDB0] =	vst v63  }
0x33: {  	_ =	swait.ge [sflag:s12], $0x2710  }
0x34: {  	[sflag:s12] =	ssyncset.done $0x0  }
0x35: {  	s1 =	simm.s32 $0x2710;
	[sflag:s12] =	ssyncadd.s32 $0xFFFFD8F0  }
0x36: {  	[tilespmem:s1], [sflag:$0x9] =	stream.linear.gather [hbm4b:s6+s28], $0x2710, $0x38;
	[tilespmem:$0x1FDB0] =	vst v63  }
0x37: {  	_ =	swait.ge [sflag:s12], $0x2710  }
0x38: {  	[sflag:s12] =	ssyncset.done $0x0  }
.Ltmp3:
0x39: {  	[sflag:s12] =	ssyncadd.s32 $0xFFFFD8F0;
	(pc) =	sbr.rel .LBB2_8-.Ltmp3, $4  }
0x3a: {  	[bflag:$0x0] =	sbarrier.arrive $0xFFFF  }
0x3b: {  	[tilespmem:s11], [sflag:$0x1] =	stream.indirect.gather [hbm4b:s2+s14], $0x80, s28, s14, $0xb8;
	[tilespmem:$0x1FDB0] =	vst v63  }
0x3c: {  	s29 =	simm.s32 $0x3  }
0x3d: {  	[tilespmem:s15], [sflag:$0x2] =	stream.indirect.gather [hbm4b:s2+s14], $0x80, s14, s14, $0xb8;
	[tilespmem:$0x1FDB0] =	vst v63  }
.LBB2_13:
0x3e: {  	_ =	swait.ge [sflag:s20], $0x1400  }
0x3f: {  	[sflag:s20] =	ssyncset.done $0x0  }
0x40: {  	[sflag:s20] =	ssyncadd.s32 $0xFFFFEC00  }
.LBB2_15:
0x41: {  	s1 =	sadd.s32 $0x78, s31  }
0x42: {  	[tilespmem:s21], [sflag:$0x4] =	stream.indirect.gather [hbm4b:s2+s14], $0x80, s1, s14, $0xb8;
	[tilespmem:$0x1FDB0] =	vst v63  }
.LBB2_16:
0x43: {  	_ =	swait.ge [sflag:s22], $0x1400  }
0x44: {  	[sflag:s22] =	ssyncset.done $0x0  }
0x45: {  	s1 =	sadd.s32 $0x2738, s31;
	[sflag:s22] =	ssyncadd.s32 $0xFFFFEC00  }
0x46: {  	[spmem:s3] =	stream.indirect.scatter.add.f32 [tilespmem:s15], [sflag:$0x6], $0x80, s1, s14, $0xb8;
	[tilespmem:$0x1FDB0] =	vst v63  }
0x47: {  	v2 =	vld [tilespmem:s31+$0x2738];
	_ =	sdelay $0x7  }
0x48: {  	[tilespmem:v2+s19+$0x0] =	vst.idx.add.f32.msk $0xffff, v1  }
0x49: {  	v2 =	vld [tilespmem:s31+$0x2748];
	_ =	sdelay $0x7  }
0x4a: {  	[tilespmem:v2+s19+$0x0] =	vst.idx.add.f32.msk $0xffff, v1  }
0x4b: {  	v2 =	vld [tilespmem:s31+$0x2750];
	_ =	sdelay $0x6  }
0x4c: {  	p1 =	sgt.u32 s30, $0xF9  }
0x4d: {  	s1 =	simm.s32 @!p1 $0x5;
	[tilespmem:v2+s19+$0x0] =	vst.idx.add.f32.msk vm0, v1  }
0x4e: {  	_ =	swait.ge @!p1 [sflag:s1], $0x1400  }
0x4f: {  	[sflag:s1] =	ssyncset.done @!p1 $0x0  }
0x50: {  	[sflag:s1] =	ssyncadd.s32 @!p1 $0xFFFFEC00;
	s1 =	sshra.s32 @!p1 s28, $0x2  }
0x51: {  	s13 =	simm.s32 @!p1 $0x4E20;
	s31 =	simm.s32 @!p1 $0x28;
	s30 =	sadd.s32 @!p1 $0xA0, s1  }
0x52: {  	[tilespmem:s13], [sflag:$0x1] =	stream.indirect.gather @!p1 [hbm4b:s2+s31], $0x80, s30, s31, $0xb8;
	[tilespmem:$0x1FDB0] =	vst v63  }
0x53: {  	s13 =	simm.s32 @!p1 $0x3  }
0x54: {  	_ =	swait.ge @!p1 [sflag:s13], $0x1400  }
0x55: {  	[sflag:s13] =	ssyncset.done @!p1 $0x0  }
0x56: {  	s30 =	simm.s32 @!p1 $0x7620;
	[sflag:s13] =	ssyncadd.s32 @!p1 $0xFFFFEC00;
	s13 =	sadd.s32 @!p1 $0x2760, s1  }
0x57: {  	[spmem:s3] =	stream.indirect.scatter.add.f32 @!p1 [tilespmem:s30], [sflag:$0x7], $0x80, s13, s31, $0xb8;
	[tilespmem:$0x1FDB0] =	vst v63  }
0x58: {  	v2 =	vld @!p1 [tilespmem:s1+$0x2760];
	_ =	sdelay $0x6  }
0x59: {  	v3 =	vimm.f32 @!p1 $1.000000000e+00;
	s13 =	simm.s32 @!p1 $0x9E20  }
0x5a: {  	[tilespmem:v2+s13+$0x0] =	vst.idx.add.f32.msk @!p1 $0xffff, v3  }
0x5b: {  	v2 =	vld @!p1 [tilespmem:s1+$0x2770];
	_ =	sdelay $0x7  }
0x5c: {  	[tilespmem:v2+s13+$0x0] =	vst.idx.add.f32.msk @!p1 $0xffff, v3  }
0x5d: {  	v2 =	vld @!p1 [tilespmem:s1+$0x2778];
	_ =	sdelay $0x1  }
0x5e: {  	vm1 =	vcmask @!p1 $0x3F20;
	_ =	sdelay $0x4  }
0x5f: {  	p0 =	sgt.u32 s29, $0xF9  }
0x60: {  	s1 =	simm.s32 @!p0 $0x6;
	[tilespmem:v2+s13+$0x0] =	vst.idx.add.f32.msk @!p1 vm1, v3  }
0x61: {  	_ =	swait.ge @!p0 [sflag:s1], $0x1400  }
0x62: {  	[sflag:s1] =	ssyncset.done @!p0 $0x0  }
0x63: {  	[sflag:s1] =	ssyncadd.s32 @!p0 $0xFFFFEC00;
	s1 =	sshra.s32 @!p0 s28, $0x2  }
0x64: {  	s30 =	simm.s32 @!p0 $0x28;
	s31 =	simm.s32 @!p0 $0x6220;
	s13 =	sadd.s32 @!p0 $0xC8, s1  }
0x65: {  	[tilespmem:s31], [sflag:$0x2] =	stream.indirect.gather @!p0 [hbm4b:s2+s30], $0x80, s13, s30, $0xb8;
	[tilespmem:$0x1FDB0] =	vst v63  }
0x66: {  	s13 =	simm.s32 @!p0 $0x4  }
0x67: {  	_ =	swait.ge @!p0 [sflag:s13], $0x1400  }
0x68: {  	[sflag:s13] =	ssyncset.done @!p0 $0x0  }
0x69: {  	s31 =	simm.s32 @!p0 $0x8A20;
	[sflag:s13] =	ssyncadd.s32 @!p0 $0xFFFFEC00;
	s13 =	sadd.s32 @!p0 $0x2788, s1  }
0x6a: {  	[spmem:s3] =	stream.indirect.scatter.add.f32 @!p0 [tilespmem:s31], [sflag:$0x8], $0x80, s13, s30, $0xb8;
	[tilespmem:$0x1FDB0] =	vst v63  }
0x6b: {  	v2 =	vld @!p0 [tilespmem:s1+$0x2788];
	_ =	sdelay $0x6  }
0x6c: {  	v3 =	vimm.f32 @!p0 $1.000000000e+00;
	s13 =	simm.s32 @!p0 $0x9E20  }
0x6d: {  	[tilespmem:v2+s13+$0x0] =	vst.idx.add.f32.msk @!p0 $0xffff, v3  }
0x6e: {  	v2 =	vld @!p0 [tilespmem:s1+$0x2798];
	_ =	sdelay $0x7  }
0x6f: {  	[tilespmem:v2+s13+$0x0] =	vst.idx.add.f32.msk @!p0 $0xffff, v3  }
0x70: {  	v2 =	vld @!p0 [tilespmem:s1+$0x27A0];
	_ =	sdelay $0x1  }
0x71: {  	vm1 =	vcmask @!p0 $0x3F20;
	s28 =	sadd.s32 $0x280, s28  }
0x72: {  	p1 =	sne.s32 s28, $0x9D80  }
.Ltmp4:
0x73: {  	_ = 	snop;
	(pc) =	sbr.rel @!p1 .LBB2_17-.Ltmp4, $2  }
0x74: {  	_ =	sdelay $0x2  }
0x75: {  	s29 =	sadd.s32 $0x4, s29;
	[tilespmem:v2+s13+$0x0] =	vst.idx.add.f32.msk @!p0 vm1, v3  }
.LBB2_8:
0x76: {  	p0 =	seq.s32 s28, $0x0;
	s30 =	sadd.s32 $0xFFFFFFFF, s29  }
0x77: {  	p1 =	sgt.u32 @!p0 s30, $0xF9  }
0x78: {  	p1 =	por p0, p1  }
.Ltmp5:
0x79: {  	_ = 	snop;
	(pc) =	sbr.rel @p1 .LBB2_10-.Ltmp5, $1  }
0x7a: {  	_ =	sdelay $0x3  }
0x7b: {  	_ =	swait.ge [sflag:s16], $0x1400  }
0x7c: {  	[sflag:s16] =	ssyncset.done $0x0  }
0x7d: {  	[sflag:s16] =	ssyncadd.s32 $0xFFFFEC00  }
.LBB2_11:
0x7e: {  	s31 =	sshra.s32 s28, $0x2  }
0x7f: {  	s31 =	sadd.s32 $0x50, s31  }
0x80: {  	[tilespmem:s17], [sflag:$0x3] =	stream.indirect.gather [hbm4b:s2+s14], $0x80, s31, s14, $0xb8;
	[tilespmem:$0x1FDB0] =	vst v63  }
.LBB2_12:
0x81: {  	_ =	swait.ge [sflag:s18], $0x1400  }
0x82: {  	s31 =	sshra.s32 s28, $0x2;
	[sflag:s18] =	ssyncset.done $0x0  }
0x83: {  	s1 =	sadd.s32 $0x2710, s31;
	[sflag:s18] =	ssyncadd.s32 $0xFFFFEC00  }
0x84: {  	[spmem:s3] =	stream.indirect.scatter.add.f32 [tilespmem:s11], [sflag:$0x5], $0x80, s1, s14, $0xb8;
	[tilespmem:$0x1FDB0] =	vst v63  }
0x85: {  	v2 =	vld [tilespmem:s31+$0x2710];
	_ =	sdelay $0x7  }
0x86: {  	[tilespmem:v2+s19+$0x0] =	vst.idx.add.f32.msk $0xffff, v1  }
0x87: {  	v2 =	vld [tilespmem:s31+$0x2720];
	_ =	sdelay $0x7  }
0x88: {  	[tilespmem:v2+s19+$0x0] =	vst.idx.add.f32.msk $0xffff, v1  }
0x89: {  	v2 =	vld [tilespmem:s31+$0x2728];
	_ =	sdelay $0x1  }
0x8a: {  	p1 =	sgt.u32 @!p0 s29, $0xF9  }
0x8b: {  	p0 =	por p0, p1  }
.Ltmp6:
0x8c: {  	_ = 	snop;
	(pc) =	sbr.rel @!p0 .LBB2_13-.Ltmp6, $2  }
0x8d: {  	_ =	sdelay $0x2  }
0x8e: {  	[tilespmem:v2+s19+$0x0] =	vst.idx.add.f32.msk vm0, v1  }
0x8f: {  	p0 =	sgt.u32 s29, $0xF9  }
.Ltmp7:
0x90: {  	_ = 	snop;
	(pc) =	sbr.rel @p0 .LBB2_16-.Ltmp7, $4  }
.Ltmp8:
0x91: {  	_ = 	snop;
	(pc) =	sbr.rel @!p0 .LBB2_15-.Ltmp8, $4  }
0x92: {  	_ = 	snop  }
0x93: {  	_ = 	snop  }
0x94: {  	_ = 	snop  }
0x95: {  	_ = 	snop  }
.LBB2_10:
0x96: {  	p1 =	sgt.u32 s30, $0xF9  }
.Ltmp9:
0x97: {  	_ = 	snop;
	(pc) =	sbr.rel @p1 .LBB2_12-.Ltmp9, $4  }
.Ltmp10:
0x98: {  	_ = 	snop;
	(pc) =	sbr.rel @!p1 .LBB2_11-.Ltmp10, $4  }
0x99: {  	_ = 	snop  }
0x9a: {  	_ = 	snop  }
0x9b: {  	_ = 	snop  }
0x9c: {  	_ = 	snop  }
.LBB2_17:
0x9d: {  	_ =	swait.ge [sflag:s16], $0x1400  }
0x9e: {  	[sflag:s16] =	ssyncset.done $0x0  }
0x9f: {  	[sflag:s16] =	ssyncadd.s32 $0xFFFFEC00  }
0xa0: {  	_ =	swait.ge [sflag:s20], $0x1400  }
0xa1: {  	[sflag:s20] =	ssyncset.done $0x0  }
0xa2: {  	[sflag:s20] =	ssyncadd.s32 $0xFFFFEC00  }
0xa3: {  	_ =	swait.ge [sflag:s23], $0x1400  }
0xa4: {  	[sflag:s23] =	ssyncset.done $0x0  }
0xa5: {  	[sflag:s23] =	ssyncadd.s32 $0xFFFFEC00  }
0xa6: {  	_ =	swait.ge [sflag:s24], $0x1400  }
0xa7: {  	[sflag:s24] =	ssyncset.done $0x0  }
0xa8: {  	s1 =	sshll.u32 s0, $0x6;
	[sflag:s24] =	ssyncadd.s32 $0xFFFFEC00  }
0xa9: {  	s1 =	sor.u32 $0x1C09, s1;
	[bflag:$0x0] =	sbarrier.arrive $0xFFFF  }
0xaa: {  	[hbm:s7], [sflag:s1] =	dma.local [spmem:s25], $0x2710  }
0xab: {  	_ =	swait.ge [sflag:s12], $0x2710  }
0xac: {  	[sflag:s12] =	ssyncset.done $0x0  }
0xad: {  	s31 =	sadd.s32 $0x0, s10;
	s13 =	simm.s32 $0x9E20;
	[sflag:s12] =	ssyncadd.s32 $0xFFFFD8F0  }
0xae: {  	[hbm4b:s31+s4] =	stream.linear.scatter [tilespmem:s13], [sflag:$0x9], $0x190, $0x38;
	[tilespmem:$0x1FDB0] =	vst v63  }
0xaf: {  	s28 =	simm.s32 $0x640;
	_ =	swait.ge [sflag:s12], $0x190  }
.LBB2_18:
0xb0: {  	s1 =	sshra.s32 s28, $0x2  }
0xb1: {  	[sflag:s12] =	ssyncset.done $0x0;
	s13 =	sadd.s32 s28, s10;
	p0 =	sne.s32 s28, $0x9600  }
.Ltmp11:
0xb2: {  	s1 =	sadd.s32 $0x9E20, s1;
	[sflag:s12] =	ssyncadd.s32 $0xFFFFFE70;
	(pc) =	sbr.rel @p0 .LBB2_18-.Ltmp11, $3  }
0xb3: {  	[hbm4b:s13+s4] =	stream.linear.scatter [tilespmem:s1], [sflag:$0x9], $0x190, $0x38;
	[tilespmem:$0x1FDB0] =	vst v63  }
0xb4: {  	s28 =	sadd.s32 $0x640, s28;
	_ =	sdelay $0x1  }
0xb5: {  	_ =	swait.ge [sflag:s12], $0x190  }
0xb6: {  	s26 =	sadd.s32 $0x1, s26  }
0xb7: {  	p0 =	sne.s32 s26, s8  }
.Ltmp12:
0xb8: {  	_ = 	snop;
	(pc) =	sbr.rel @p0 .LBB2_1-.Ltmp12, $3  }
0xb9: {  	_ =	sdelay $0x1  }
0xba: {  	[sflag:s12] =	ssyncset.done $0x0  }
0xbb: {  	[sflag:s12] =	ssyncadd.s32 $0xFFFFFE70  }
0xbc: {  	_ =	sfence.sel $0x180000  }
0xbd: {  	[bflag:$0x0] =	sbarrier.arrive $0xFFFF  }
0xbe: {  	_ =	strace $0x90000047  }
0xbf: {  	[bflag:$0x2] =	sbarrier.arrive $0xFFFF  }
0xc0: {  	p0 =	sne.s32 s0, $0x0;
	s0 =	rddreg [dreg:$0x3]  }
0xc1: {  	s0 =	sadd.s32 @!p0 $0x100000, s0  }
0xc2: {  	[sflag:s0] =	ssyncadd.tile.s32 @!p0 $0x1;
	_ =	shalt  }
.Lfunc_end2:
_tile_overlayer_lowered:
.L_overlay_start_2:
0xc3: {  	(tag) =	ssettag $0x2  }
0xc4: {  	s0 =	rddreg [dreg:$0x0];
	s2 =	stileid.u32  }
0xc5: {  	s1 =	rddreg [dreg:$0x1];
	p0 =	sne.s32 s2, $0x0  }
0xc6: {  	s3 =	rddreg [dreg:$0x2];
	[bflag:$0x3] =	sbarrier.arrive $0xFFFF;
	s2 =	simm.s32 @!p0 $0x1C09  }
0xc7: {  	[timem:s3], [sflag:s2] =	dma.local @!p0 [hbm:s0], s1  }
0xc8: {  	s0 =	simm.s32 @!p0 $0x9  }
0xc9: {  	_ =	swait.ge @!p0 [sflag:s0], s1  }
0xca: {  	s1 =	ssub.s32 @!p0 $0x0, s1;
	[sflag:s0] =	ssyncset.done @!p0 $0x0  }
0xcb: {  	[sflag:s0] =	ssyncadd.s32 @!p0 s1  }
0xcc: {  	[bflag:$0x3] =	sbarrier.arrive $0xFFFF  }
0xcd: {  	_ =	shalt  }

</sc_bundles>
